<compile_context>
chip_gen: v7x
topology: tpu7x:2x2x1
jax: 0.10.2.dev20260603
libtpu: 0.0.44.dev20260713+nightly
codegen_flags: <defaults>
</compile_context>

<pallas_src>
import functools
import math

import jax
import jax.numpy as jnp
import numpy as np
from jax import lax
from jax.experimental import pallas as pl
from jax.experimental.pallas import tpu as pltpu
from jax.experimental.pallas import tpu_sc as plsc

_VOCAB = 1000000
_D = 64
_B = 1024
_L = 200
_N = _B * _L
_NC = 2
_NS = 16
_NW = _NC * _NS
_CHUNK = 128
_CPW = _N // (_NW * _CHUNK)
_CPL = _B // _CHUNK
_LANES = 16
_P = 5


def _make_pos_enc():
    pe = np.zeros((_L, _D), dtype=np.float32)
    position = np.arange(0.0, _L, dtype=np.float64)[:, None]
    div_term = np.exp(
        np.arange(0.0, _D, 2, dtype=np.float64) * -(math.log(10000.0) / _D))
    pe[:, 0::2] = np.sin(position * div_term).astype(np.float32)
    pe[:, 1::2] = np.cos(position * div_term).astype(np.float32)
    return pe


_PE = _make_pos_enc()

_mesh = plsc.VectorSubcoreMesh(
    core_axis_name="c", subcore_axis_name="s", num_cores=_NC, num_subcores=_NS)


@functools.partial(
    pl.kernel,
    out_type=jax.ShapeDtypeStruct((_B, _L, _D), jnp.float32),
    mesh=_mesh,
    compiler_params=pltpu.CompilerParams(use_tc_tiling_on_sc=False),
    scratch_types=[
        pltpu.VMEM((_CPW, _CHUNK), jnp.int32),
        pltpu.VMEM((_L, _D), jnp.float32),
        pltpu.VMEM((_P, _CHUNK, _D), jnp.float32),
        [pltpu.SemaphoreType.DMA] * _P,
        [pltpu.SemaphoreType.DMA] * _P,
        pltpu.SemaphoreType.DMA,
    ],
)
def _emb_pe_kernel(table_hbm, idx_hbm, pe_hbm, out_hbm,
                   idx_v, pe_v, rows_v, gsems, wsems, isem):
    wid = lax.axis_index("s") * _NC + lax.axis_index("c")
    chunk0 = wid * _CPW
    pltpu.async_copy(idx_hbm.at[wid], idx_v, isem)
    pltpu.sync_copy(pe_hbm, pe_v)
    pltpu.make_async_copy(idx_hbm.at[wid], idx_v, isem).wait()

    def gather_start(j, b):
        pltpu.async_copy(table_hbm.at[idx_v.at[j]], rows_v.at[b], gsems[b])

    for b in range(_P):
        gather_start(b, b)

    def outer(s, carry):
        for b in range(_P):
            j = s * _P + b
            g = chunk0 + j
            l = lax.div(g, _CPL)
            b0 = pl.multiple_of(lax.rem(g, _CPL) * _CHUNK, _CHUNK)
            pltpu.make_async_copy(
                table_hbm.at[idx_v.at[j]], rows_v.at[b], gsems[b]).wait()
            pes = [pe_v[l, pl.ds(k * _LANES, _LANES)]
                   for k in range(_D // _LANES)]

            def row_body(r, pes):
                for k in range(_D // _LANES):
                    sl = pl.ds(k * _LANES, _LANES)
                    rows_v[b, r, sl] = rows_v[b, r, sl] * 8.0 + pes[k]
                return pes

            lax.fori_loop(0, _CHUNK, row_body, tuple(pes), unroll=4)
            pltpu.async_copy(
                rows_v.at[b], out_hbm.at[pl.ds(b0, _CHUNK), l], wsems[b])

            @pl.when(s + 1 < _CPW // _P)
            def _():
                pltpu.make_async_copy(
                    rows_v.at[b], out_hbm.at[pl.ds(b0, _CHUNK), l],
                    wsems[b]).wait()
                gather_start(j + _P, b)

        return carry

    lax.fori_loop(0, _CPW // _P, outer, 0)
    for b in range(_P):
        j = _CPW - _P + b
        g = chunk0 + j
        l = lax.div(g, _CPL)
        b0 = pl.multiple_of(lax.rem(g, _CPL) * _CHUNK, _CHUNK)
        pltpu.make_async_copy(
            rows_v.at[b], out_hbm.at[pl.ds(b0, _CHUNK), l], wsems[b]).wait()


def kernel(x, table):
    idx3 = x.T.reshape(_NW, _CPW, _CHUNK)
    return _emb_pe_kernel(table, idx3, _PE)

# --- scband reference (transcript-rebuilt; emitter-appended) ---
"""Pipeline reference for scband-embedding-with-positional-encoding-20452634263706 (READ-ONLY COPY).

The authoritative reference and input builder live on the scoring server;
editing this copy changes nothing except your own understanding.
"""

import jax, jax.numpy as jnp
import numpy as np
import math

VOCAB = 1000000
D = 64
MAX_LEN = 5000
B = 1024
L = 200

def _make_pe():
    pe = np.zeros((MAX_LEN, D), dtype=np.float32)
    position = np.arange(0.0, MAX_LEN, dtype=np.float64)[:, None]
    div_term = np.exp(np.arange(0.0, D, 2, dtype=np.float64) * -(math.log(10000.0) / D))
    pe[:, 0::2] = np.sin(position * div_term).astype(np.float32)
    pe[:, 1::2] = np.cos(position * div_term).astype(np.float32)
    return jnp.asarray(pe)[None, :, :]

PE = _make_pe()

def setup_inputs(seed: int = 0) -> dict:
    key = jax.random.key(seed)
    k1, k2 = jax.random.split(key)
    x = jax.random.randint(k1, (B, L), 0, VOCAB, dtype=jnp.int32)
    # xavier_uniform init for embedding table of shape (VOCAB, D)
    bound = math.sqrt(6.0 / (VOCAB + D))
    table = jax.random.uniform(k2, (VOCAB, D), dtype=jnp.float32, minval=-bound, maxval=bound)
    return {"x": x, "table": table}

def reference(x, table):
    # TokenEmbedding: lookup then scale by sqrt(model_depth)
    emb = jnp.take(table, x, axis=0) * math.sqrt(D)
    # PositionalEncoding: add pe[:, :seq_len]
    out = emb + PE[:, :x.shape[1]]
    return out

if __name__ == "__main__":
    import jax
    _d = setup_inputs()
    print(jax.jit(kernel)(*tuple(_d.values())))

</pallas_src>

<mosaic_0001>
#map = affine_map<(d0, d1) -> (0, 0)>
#map1 = affine_map<(d0, d1) -> (0, 0, 0)>
module attributes {stable_mosaic.version = 14 : i64} {
  func.func @_emb_pe_kernel(%arg0: i32, %arg1: i32, %arg2: memref<1000000x64xf32, #tpu.memory_space<hbm>>, %arg3: memref<32x50x128xi32, #tpu.memory_space<hbm>>, %arg4: memref<200x64xf32, #tpu.memory_space<hbm>>, %arg5: memref<1024x200x64xf32, #tpu.memory_space<hbm>>, %arg6: memref<50x128xi32, #tpu.memory_space<vmem>>, %arg7: memref<200x64xf32, #tpu.memory_space<vmem>>, %arg8: memref<5x128x64xf32, #tpu.memory_space<vmem>>, %arg9: memref<!tpu.dma_semaphore, #tpu.memory_space<semaphore_mem>>, %arg10: memref<!tpu.dma_semaphore, #tpu.memory_space<semaphore_mem>>, %arg11: memref<!tpu.dma_semaphore, #tpu.memory_space<semaphore_mem>>, %arg12: memref<!tpu.dma_semaphore, #tpu.memory_space<semaphore_mem>>, %arg13: memref<!tpu.dma_semaphore, #tpu.memory_space<semaphore_mem>>, %arg14: memref<!tpu.dma_semaphore, #tpu.memory_space<semaphore_mem>>, %arg15: memref<!tpu.dma_semaphore, #tpu.memory_space<semaphore_mem>>, %arg16: memref<!tpu.dma_semaphore, #tpu.memory_space<semaphore_mem>>, %arg17: memref<!tpu.dma_semaphore, #tpu.memory_space<semaphore_mem>>, %arg18: memref<!tpu.dma_semaphore, #tpu.memory_space<semaphore_mem>>, %arg19: memref<!tpu.dma_semaphore, #tpu.memory_space<semaphore_mem>>) attributes {dimension_semantics = [#tpu.dimension_semantics<core_parallel>, #tpu.dimension_semantics<subcore_parallel>], iteration_bounds = array<i64: 2, 16>, scalar_prefetch = 0 : i64, scratch_operands = 14 : i64, tpu.core_type = #tpu.core_type<sc_vector_subcore>, window_params = [{transform_indices = #map}, {transform_indices = #map1}, {transform_indices = #map}, {transform_indices = #map1}]} {
    %mul3A = arith.constant 2 : i32
    %mul3A_0 = arith.muli %arg1, %mul3A : i32
    %add3A = arith.addi %mul3A_0, %arg0 : i32
    %mul3A_1 = arith.constant 50 : i32
    %mul3A_2 = arith.muli %add3A, %mul3A_1 : i32
    %dma_start3A = arith.constant 0 : i32
    %dma_start3A_3 = arith.constant 0 : i32
    %dma_start3A_4 = tpu.memref_slice %arg3[%add3A, %dma_start3A, %dma_start3A_3] : memref<32x50x128xi32, #tpu.memory_space<hbm>> -> memref<1x50x128xi32, #tpu.memory_space<hbm>>
    %dma_start3A_5 = tpu.memref_squeeze %dma_start3A_4 : memref<1x50x128xi32, #tpu.memory_space<hbm>> -> memref<50x128xi32, #tpu.memory_space<hbm>>
    %dma_start3A_6 = arith.constant 0 : i32
    %dma_start3A_7 = arith.constant 0 : i32
    %dma_start3A_8 = tpu.memref_slice %arg3[%add3A, %dma_start3A_6, %dma_start3A_7] : memref<32x50x128xi32, #tpu.memory_space<hbm>> -> memref<1x50x128xi32, #tpu.memory_space<hbm>>
    %dma_start3A_9 = tpu.memref_squeeze %dma_start3A_8 : memref<1x50x128xi32, #tpu.memory_space<hbm>> -> memref<50x128xi32, #tpu.memory_space<hbm>>
    tpu.enqueue_dma source(%dma_start3A_9 : memref<50x128xi32, #tpu.memory_space<hbm>>) target(%arg6 : memref<50x128xi32, #tpu.memory_space<vmem>>) target_semaphore(%arg19 : memref<!tpu.dma_semaphore, #tpu.memory_space<semaphore_mem>>)
    "tpu.region"() ({
      %run_scoped3A = tpu.sem_alloc : memref<!tpu.dma_semaphore, #tpu.memory_space<semaphore_mem>>
      tpu.enqueue_dma source(%arg4 : memref<200x64xf32, #tpu.memory_space<hbm>>) target(%arg7 : memref<200x64xf32, #tpu.memory_space<vmem>>) target_semaphore(%run_scoped3A : memref<!tpu.dma_semaphore, #tpu.memory_space<semaphore_mem>>)
      tpu.wait_dma2 semaphore(%run_scoped3A : memref<!tpu.dma_semaphore, #tpu.memory_space<semaphore_mem>>) src(%arg4 : memref<200x64xf32, #tpu.memory_space<hbm>>) dst(%arg7 : memref<200x64xf32, #tpu.memory_space<vmem>>)
      tpu.yield
    }) : () -> ()
    %dma_wait3A = arith.constant 0 : i32
    %dma_wait3A_10 = arith.constant 0 : i32
    %dma_wait3A_11 = tpu.memref_slice %arg3[%add3A, %dma_wait3A, %dma_wait3A_10] : memref<32x50x128xi32, #tpu.memory_space<hbm>> -> memref<1x50x128xi32, #tpu.memory_space<hbm>>
    %dma_wait3A_12 = tpu.memref_squeeze %dma_wait3A_11 : memref<1x50x128xi32, #tpu.memory_space<hbm>> -> memref<50x128xi32, #tpu.memory_space<hbm>>
    %dma_wait3A_13 = arith.constant 0 : i32
    %dma_wait3A_14 = arith.constant 0 : i32
    %dma_wait3A_15 = tpu.memref_slice %arg3[%add3A, %dma_wait3A_13, %dma_wait3A_14] : memref<32x50x128xi32, #tpu.memory_space<hbm>> -> memref<1x50x128xi32, #tpu.memory_space<hbm>>
    %dma_wait3A_16 = tpu.memref_squeeze %dma_wait3A_15 : memref<1x50x128xi32, #tpu.memory_space<hbm>> -> memref<50x128xi32, #tpu.memory_space<hbm>>
    tpu.wait_dma2 semaphore(%arg19 : memref<!tpu.dma_semaphore, #tpu.memory_space<semaphore_mem>>) src(%dma_wait3A_16 : memref<50x128xi32, #tpu.memory_space<hbm>>) dst(%arg6 : memref<50x128xi32, #tpu.memory_space<vmem>>)
    %dma_start3A_17 = arith.constant 0 : i32
    %dma_start3A_18 = arith.constant 0 : i32
    %dma_start3A_19 = arith.constant 0 : i32
    %dma_start3A_20 = arith.constant 0 : i32
    %dma_start3A_21 = tpu.memref_slice %arg8[%dma_start3A_18, %dma_start3A_19, %dma_start3A_20] : memref<5x128x64xf32, #tpu.memory_space<vmem>> -> memref<1x128x64xf32, #tpu.memory_space<vmem>>
    %dma_start3A_22 = tpu.memref_squeeze %dma_start3A_21 : memref<1x128x64xf32, #tpu.memory_space<vmem>> -> memref<128x64xf32, #tpu.memory_space<vmem>>
    %dma_start3A_23 = arith.constant 0 : i32
    %dma_start3A_24 = tpu.memref_slice %arg6[%dma_start3A_17, %dma_start3A_23] : memref<50x128xi32, #tpu.memory_space<vmem>> -> memref<1x128xi32, #tpu.memory_space<vmem>>
    %dma_start3A_25 = tpu.memref_squeeze %dma_start3A_24 : memref<1x128xi32, #tpu.memory_space<vmem>> -> memref<128xi32, #tpu.memory_space<vmem>>
    %dma_start3A_26 = arith.constant 0 : i32
    %dma_start3A_27 = arith.constant 0 : i32
    %dma_start3A_28 = tpu.memref_slice %arg2[%dma_start3A_26, %dma_start3A_27] : memref<1000000x64xf32, #tpu.memory_space<hbm>> -> memref<1000000x64xf32, #tpu.memory_space<hbm>>
    tpu.enqueue_indirect_dma source(%dma_start3A_28 : memref<1000000x64xf32, #tpu.memory_space<hbm>>) target(%dma_start3A_22 : memref<128x64xf32, #tpu.memory_space<vmem>>) offsets(%dma_start3A_25 : memref<128xi32, #tpu.memory_space<vmem>>) semaphore(%arg9 : memref<!tpu.dma_semaphore, #tpu.memory_space<semaphore_mem>>)
    %dma_start3A_29 = arith.constant 1 : i32
    %dma_start3A_30 = arith.constant 1 : i32
    %dma_start3A_31 = arith.constant 0 : i32
    %dma_start3A_32 = arith.constant 0 : i32
    %dma_start3A_33 = tpu.memref_slice %arg8[%dma_start3A_30, %dma_start3A_31, %dma_start3A_32] : memref<5x128x64xf32, #tpu.memory_space<vmem>> -> memref<1x128x64xf32, #tpu.memory_space<vmem>>
    %dma_start3A_34 = tpu.memref_squeeze %dma_start3A_33 : memref<1x128x64xf32, #tpu.memory_space<vmem>> -> memref<128x64xf32, #tpu.memory_space<vmem>>
    %dma_start3A_35 = arith.constant 0 : i32
    %dma_start3A_36 = tpu.memref_slice %arg6[%dma_start3A_29, %dma_start3A_35] : memref<50x128xi32, #tpu.memory_space<vmem>> -> memref<1x128xi32, #tpu.memory_space<vmem>>
    %dma_start3A_37 = tpu.memref_squeeze %dma_start3A_36 : memref<1x128xi32, #tpu.memory_space<vmem>> -> memref<128xi32, #tpu.memory_space<vmem>>
    %dma_start3A_38 = arith.constant 0 : i32
    %dma_start3A_39 = arith.constant 0 : i32
    %dma_start3A_40 = tpu.memref_slice %arg2[%dma_start3A_38, %dma_start3A_39] : memref<1000000x64xf32, #tpu.memory_space<hbm>> -> memref<1000000x64xf32, #tpu.memory_space<hbm>>
    tpu.enqueue_indirect_dma source(%dma_start3A_40 : memref<1000000x64xf32, #tpu.memory_space<hbm>>) target(%dma_start3A_34 : memref<128x64xf32, #tpu.memory_space<vmem>>) offsets(%dma_start3A_37 : memref<128xi32, #tpu.memory_space<vmem>>) semaphore(%arg10 : memref<!tpu.dma_semaphore, #tpu.memory_space<semaphore_mem>>)
    %dma_start3A_41 = arith.constant 2 : i32
    %dma_start3A_42 = arith.constant 2 : i32
    %dma_start3A_43 = arith.constant 0 : i32
    %dma_start3A_44 = arith.constant 0 : i32
    %dma_start3A_45 = tpu.memref_slice %arg8[%dma_start3A_42, %dma_start3A_43, %dma_start3A_44] : memref<5x128x64xf32, #tpu.memory_space<vmem>> -> memref<1x128x64xf32, #tpu.memory_space<vmem>>
    %dma_start3A_46 = tpu.memref_squeeze %dma_start3A_45 : memref<1x128x64xf32, #tpu.memory_space<vmem>> -> memref<128x64xf32, #tpu.memory_space<vmem>>
    %dma_start3A_47 = arith.constant 0 : i32
    %dma_start3A_48 = tpu.memref_slice %arg6[%dma_start3A_41, %dma_start3A_47] : memref<50x128xi32, #tpu.memory_space<vmem>> -> memref<1x128xi32, #tpu.memory_space<vmem>>
    %dma_start3A_49 = tpu.memref_squeeze %dma_start3A_48 : memref<1x128xi32, #tpu.memory_space<vmem>> -> memref<128xi32, #tpu.memory_space<vmem>>
    %dma_start3A_50 = arith.constant 0 : i32
    %dma_start3A_51 = arith.constant 0 : i32
    %dma_start3A_52 = tpu.memref_slice %arg2[%dma_start3A_50, %dma_start3A_51] : memref<1000000x64xf32, #tpu.memory_space<hbm>> -> memref<1000000x64xf32, #tpu.memory_space<hbm>>
    tpu.enqueue_indirect_dma source(%dma_start3A_52 : memref<1000000x64xf32, #tpu.memory_space<hbm>>) target(%dma_start3A_46 : memref<128x64xf32, #tpu.memory_space<vmem>>) offsets(%dma_start3A_49 : memref<128xi32, #tpu.memory_space<vmem>>) semaphore(%arg11 : memref<!tpu.dma_semaphore, #tpu.memory_space<semaphore_mem>>)
    %dma_start3A_53 = arith.constant 3 : i32
    %dma_start3A_54 = arith.constant 3 : i32
    %dma_start3A_55 = arith.constant 0 : i32
    %dma_start3A_56 = arith.constant 0 : i32
    %dma_start3A_57 = tpu.memref_slice %arg8[%dma_start3A_54, %dma_start3A_55, %dma_start3A_56] : memref<5x128x64xf32, #tpu.memory_space<vmem>> -> memref<1x128x64xf32, #tpu.memory_space<vmem>>
    %dma_start3A_58 = tpu.memref_squeeze %dma_start3A_57 : memref<1x128x64xf32, #tpu.memory_space<vmem>> -> memref<128x64xf32, #tpu.memory_space<vmem>>
    %dma_start3A_59 = arith.constant 0 : i32
    %dma_start3A_60 = tpu.memref_slice %arg6[%dma_start3A_53, %dma_start3A_59] : memref<50x128xi32, #tpu.memory_space<vmem>> -> memref<1x128xi32, #tpu.memory_space<vmem>>
    %dma_start3A_61 = tpu.memref_squeeze %dma_start3A_60 : memref<1x128xi32, #tpu.memory_space<vmem>> -> memref<128xi32, #tpu.memory_space<vmem>>
    %dma_start3A_62 = arith.constant 0 : i32
    %dma_start3A_63 = arith.constant 0 : i32
    %dma_start3A_64 = tpu.memref_slice %arg2[%dma_start3A_62, %dma_start3A_63] : memref<1000000x64xf32, #tpu.memory_space<hbm>> -> memref<1000000x64xf32, #tpu.memory_space<hbm>>
    tpu.enqueue_indirect_dma source(%dma_start3A_64 : memref<1000000x64xf32, #tpu.memory_space<hbm>>) target(%dma_start3A_58 : memref<128x64xf32, #tpu.memory_space<vmem>>) offsets(%dma_start3A_61 : memref<128xi32, #tpu.memory_space<vmem>>) semaphore(%arg12 : memref<!tpu.dma_semaphore, #tpu.memory_space<semaphore_mem>>)
    %dma_start3A_65 = arith.constant 4 : i32
    %dma_start3A_66 = arith.constant 4 : i32
    %dma_start3A_67 = arith.constant 0 : i32
    %dma_start3A_68 = arith.constant 0 : i32
    %dma_start3A_69 = tpu.memref_slice %arg8[%dma_start3A_66, %dma_start3A_67, %dma_start3A_68] : memref<5x128x64xf32, #tpu.memory_space<vmem>> -> memref<1x128x64xf32, #tpu.memory_space<vmem>>
    %dma_start3A_70 = tpu.memref_squeeze %dma_start3A_69 : memref<1x128x64xf32, #tpu.memory_space<vmem>> -> memref<128x64xf32, #tpu.memory_space<vmem>>
    %dma_start3A_71 = arith.constant 0 : i32
    %dma_start3A_72 = tpu.memref_slice %arg6[%dma_start3A_65, %dma_start3A_71] : memref<50x128xi32, #tpu.memory_space<vmem>> -> memref<1x128xi32, #tpu.memory_space<vmem>>
    %dma_start3A_73 = tpu.memref_squeeze %dma_start3A_72 : memref<1x128xi32, #tpu.memory_space<vmem>> -> memref<128xi32, #tpu.memory_space<vmem>>
    %dma_start3A_74 = arith.constant 0 : i32
    %dma_start3A_75 = arith.constant 0 : i32
    %dma_start3A_76 = tpu.memref_slice %arg2[%dma_start3A_74, %dma_start3A_75] : memref<1000000x64xf32, #tpu.memory_space<hbm>> -> memref<1000000x64xf32, #tpu.memory_space<hbm>>
    tpu.enqueue_indirect_dma source(%dma_start3A_76 : memref<1000000x64xf32, #tpu.memory_space<hbm>>) target(%dma_start3A_70 : memref<128x64xf32, #tpu.memory_space<vmem>>) offsets(%dma_start3A_73 : memref<128xi32, #tpu.memory_space<vmem>>) semaphore(%arg13 : memref<!tpu.dma_semaphore, #tpu.memory_space<semaphore_mem>>)
    %scan3A = arith.constant 0 : i32
    %scan3A_77 = arith.constant 0 : i32
    %scan3A_78 = arith.constant 10 : i32
    %scan3A_79 = arith.addi %scan3A_77, %scan3A_78 : i32
    %scan3A_80 = arith.constant 1 : i32
    scf.for %scan3A_199 = %scan3A_77 to %scan3A_79 step %scan3A_80  : i32 {
      %mul3A_200 = arith.constant 5 : i32
      %mul3A_201 = arith.muli %scan3A_199, %mul3A_200 : i32
      %add3A_202 = arith.constant 0 : i32
      %add3A_203 = arith.addi %mul3A_201, %add3A_202 : i32
      %add3A_204 = arith.addi %mul3A_2, %add3A_203 : i32
      %div3A_205 = arith.constant 8 : i32
      %div3A_206 = arith.divsi %add3A_204, %div3A_205 : i32
      %rem3A_207 = arith.constant 8 : i32
      %rem3A_208 = arith.remsi %add3A_204, %rem3A_207 : i32
      %mul3A_209 = arith.constant 128 : i32
      %mul3A_210 = arith.muli %rem3A_208, %mul3A_209 : i32
      %multiple_of3A_211 = tpu.assume_multiple %mul3A_210, 128 : i32
      %dma_wait3A_212 = arith.constant 0 : i32
      %dma_wait3A_213 = arith.constant 0 : i32
      %dma_wait3A_214 = arith.constant 0 : i32
      %dma_wait3A_215 = tpu.memref_slice %arg8[%dma_wait3A_212, %dma_wait3A_213, %dma_wait3A_214] : memref<5x128x64xf32, #tpu.memory_space<vmem>> -> memref<1x128x64xf32, #tpu.memory_space<vmem>>
      %dma_wait3A_216 = tpu.memref_squeeze %dma_wait3A_215 : memref<1x128x64xf32, #tpu.memory_space<vmem>> -> memref<128x64xf32, #tpu.memory_space<vmem>>
      %dma_wait3A_217 = arith.constant 0 : i32
      %dma_wait3A_218 = tpu.memref_slice %arg6[%add3A_203, %dma_wait3A_217] : memref<50x128xi32, #tpu.memory_space<vmem>> -> memref<1x128xi32, #tpu.memory_space<vmem>>
      %dma_wait3A_219 = tpu.memref_squeeze %dma_wait3A_218 : memref<1x128xi32, #tpu.memory_space<vmem>> -> memref<128xi32, #tpu.memory_space<vmem>>
      %dma_wait3A_220 = arith.constant 0 : i32
      %dma_wait3A_221 = arith.constant 0 : i32
      %dma_wait3A_222 = tpu.memref_slice %arg2[%dma_wait3A_220, %dma_wait3A_221] : memref<1000000x64xf32, #tpu.memory_space<hbm>> -> memref<1000000x64xf32, #tpu.memory_space<hbm>>
      tpu.wait_indirect_dma semaphore(%arg9 : memref<!tpu.dma_semaphore, #tpu.memory_space<semaphore_mem>>) src(%dma_wait3A_222 : memref<1000000x64xf32, #tpu.memory_space<hbm>>) dst(%dma_wait3A_216 : memref<128x64xf32, #tpu.memory_space<vmem>>)
      %get3A = arith.index_cast %div3A_206 : i32 to index
      %get3A_223 = arith.constant 0 : index
      %get3A_224 = tpu.vector_load %arg7[%get3A, %get3A_223] {strides = array<i32>} : memref<200x64xf32, #tpu.memory_space<vmem>>, vector<1x16xf32>,
      %get3A_225 = vector.shape_cast %get3A_224 : vector<1x16xf32> to vector<16xf32>
      %get3A_226 = arith.index_cast %div3A_206 : i32 to index
      %get3A_227 = arith.constant 16 : index
      %get3A_228 = tpu.vector_load %arg7[%get3A_226, %get3A_227] {strides = array<i32>} : memref<200x64xf32, #tpu.memory_space<vmem>>, vector<1x16xf32>,
      %get3A_229 = vector.shape_cast %get3A_228 : vector<1x16xf32> to vector<16xf32>
      %get3A_230 = arith.index_cast %div3A_206 : i32 to index
      %get3A_231 = arith.constant 32 : index
      %get3A_232 = tpu.vector_load %arg7[%get3A_230, %get3A_231] {strides = array<i32>} : memref<200x64xf32, #tpu.memory_space<vmem>>, vector<1x16xf32>,
      %get3A_233 = vector.shape_cast %get3A_232 : vector<1x16xf32> to vector<16xf32>
      %get3A_234 = arith.index_cast %div3A_206 : i32 to index
      %get3A_235 = arith.constant 48 : index
      %get3A_236 = tpu.vector_load %arg7[%get3A_234, %get3A_235] {strides = array<i32>} : memref<200x64xf32, #tpu.memory_space<vmem>>, vector<1x16xf32>,
      %get3A_237 = vector.shape_cast %get3A_236 : vector<1x16xf32> to vector<16xf32>
      %scan3A_238 = arith.constant 0 : i32
      %scan3A_239 = arith.constant 128 : i32
      %scan3A_240 = arith.addi %scan3A_238, %scan3A_239 : i32
      %scan3A_241 = arith.constant 4 : i32
      scf.for %scan3A_526 = %scan3A_238 to %scan3A_240 step %scan3A_241  : i32 {
        %get3A_527 = arith.constant 0 : i32
        %get3A_528 = arith.index_cast %get3A_527 : i32 to index
        %get3A_529 = arith.index_cast %scan3A_526 : i32 to index
        %get3A_530 = arith.constant 0 : index
        %get3A_531 = tpu.vector_load %arg8[%get3A_528, %get3A_529, %get3A_530] {strides = array<i32>} : memref<5x128x64xf32, #tpu.memory_space<vmem>>, vector<1x1x16xf32>,
        %get3A_532 = vector.shape_cast %get3A_531 : vector<1x1x16xf32> to vector<16xf32>
        %mul3A_533 = arith.constant 8.000000e+00 : f32
        %mul3A_534 = vector.broadcast %mul3A_533 : f32 to vector<16xf32>
        %mul3A_535 = arith.mulf %get3A_532, %mul3A_534 : vector<16xf32>
        %add3A_536 = arith.addf %mul3A_535, %get3A_225 : vector<16xf32>
        %swap3A = arith.constant 0 : i32
        %swap3A_537 = arith.index_cast %swap3A : i32 to index
        %swap3A_538 = arith.index_cast %scan3A_526 : i32 to index
        %swap3A_539 = arith.constant 0 : index
        %swap3A_540 = tpu.vector_load %arg8[%swap3A_537, %swap3A_538, %swap3A_539] {strides = array<i32>} : memref<5x128x64xf32, #tpu.memory_space<vmem>>, vector<1x1x16xf32>,
        %swap3A_541 = vector.shape_cast %swap3A_540 : vector<1x1x16xf32> to vector<16xf32>
        %swap3A_542 = vector.shape_cast %add3A_536 : vector<16xf32> to vector<1x1x16xf32>
        tpu.vector_store %arg8[%swap3A_537, %swap3A_538, %swap3A_539], %swap3A_542 {strides = array<i32>} : memref<5x128x64xf32, #tpu.memory_space<vmem>>, vector<1x1x16xf32>,
        %get3A_543 = arith.constant 0 : i32
        %get3A_544 = arith.index_cast %get3A_543 : i32 to index
        %get3A_545 = arith.index_cast %scan3A_526 : i32 to index
        %get3A_546 = arith.constant 16 : index
        %get3A_547 = tpu.vector_load %arg8[%get3A_544, %get3A_545, %get3A_546] {strides = array<i32>} : memref<5x128x64xf32, #tpu.memory_space<vmem>>, vector<1x1x16xf32>,
        %get3A_548 = vector.shape_cast %get3A_547 : vector<1x1x16xf32> to vector<16xf32>
        %mul3A_549 = arith.constant 8.000000e+00 : f32
        %mul3A_550 = vector.broadcast %mul3A_549 : f32 to vector<16xf32>
        %mul3A_551 = arith.mulf %get3A_548, %mul3A_550 : vector<16xf32>
        %add3A_552 = arith.addf %mul3A_551, %get3A_229 : vector<16xf32>
        %swap3A_553 = arith.constant 0 : i32
        %swap3A_554 = arith.index_cast %swap3A_553 : i32 to index
        %swap3A_555 = arith.index_cast %scan3A_526 : i32 to index
        %swap3A_556 = arith.constant 16 : index
        %swap3A_557 = tpu.vector_load %arg8[%swap3A_554, %swap3A_555, %swap3A_556] {strides = array<i32>} : memref<5x128x64xf32, #tpu.memory_space<vmem>>, vector<1x1x16xf32>,
        %swap3A_558 = vector.shape_cast %swap3A_557 : vector<1x1x16xf32> to vector<16xf32>
        %swap3A_559 = vector.shape_cast %add3A_552 : vector<16xf32> to vector<1x1x16xf32>
        tpu.vector_store %arg8[%swap3A_554, %swap3A_555, %swap3A_556], %swap3A_559 {strides = array<i32>} : memref<5x128x64xf32, #tpu.memory_space<vmem>>, vector<1x1x16xf32>,
        %get3A_560 = arith.constant 0 : i32
        %get3A_561 = arith.index_cast %get3A_560 : i32 to index
        %get3A_562 = arith.index_cast %scan3A_526 : i32 to index
        %get3A_563 = arith.constant 32 : index
        %get3A_564 = tpu.vector_load %arg8[%get3A_561, %get3A_562, %get3A_563] {strides = array<i32>} : memref<5x128x64xf32, #tpu.memory_space<vmem>>, vector<1x1x16xf32>,
        %get3A_565 = vector.shape_cast %get3A_564 : vector<1x1x16xf32> to vector<16xf32>
        %mul3A_566 = arith.constant 8.000000e+00 : f32
        %mul3A_567 = vector.broadcast %mul3A_566 : f32 to vector<16xf32>
        %mul3A_568 = arith.mulf %get3A_565, %mul3A_567 : vector<16xf32>
        %add3A_569 = arith.addf %mul3A_568, %get3A_233 : vector<16xf32>
        %swap3A_570 = arith.constant 0 : i32
        %swap3A_571 = arith.index_cast %swap3A_570 : i32 to index
        %swap3A_572 = arith.index_cast %scan3A_526 : i32 to index
        %swap3A_573 = arith.constant 32 : index
        %swap3A_574 = tpu.vector_load %arg8[%swap3A_571, %swap3A_572, %swap3A_573] {strides = array<i32>} : memref<5x128x64xf32, #tpu.memory_space<vmem>>, vector<1x1x16xf32>,
        %swap3A_575 = vector.shape_cast %swap3A_574 : vector<1x1x16xf32> to vector<16xf32>
        %swap3A_576 = vector.shape_cast %add3A_569 : vector<16xf32> to vector<1x1x16xf32>
        tpu.vector_store %arg8[%swap3A_571, %swap3A_572, %swap3A_573], %swap3A_576 {strides = array<i32>} : memref<5x128x64xf32, #tpu.memory_space<vmem>>, vector<1x1x16xf32>,
        %get3A_577 = arith.constant 0 : i32
        %get3A_578 = arith.index_cast %get3A_577 : i32 to index
        %get3A_579 = arith.index_cast %scan3A_526 : i32 to index
        %get3A_580 = arith.constant 48 : index
        %get3A_581 = tpu.vector_load %arg8[%get3A_578, %get3A_579, %get3A_580] {strides = array<i32>} : memref<5x128x64xf32, #tpu.memory_space<vmem>>, vector<1x1x16xf32>,
        %get3A_582 = vector.shape_cast %get3A_581 : vector<1x1x16xf32> to vector<16xf32>
        %mul3A_583 = arith.constant 8.000000e+00 : f32
        %mul3A_584 = vector.broadcast %mul3A_583 : f32 to vector<16xf32>
        %mul3A_585 = arith.mulf %get3A_582, %mul3A_584 : vector<16xf32>
        %add3A_586 = arith.addf %mul3A_585, %get3A_237 : vector<16xf32>
        %swap3A_587 = arith.constant 0 : i32
        %swap3A_588 = arith.index_cast %swap3A_587 : i32 to index
        %swap3A_589 = arith.index_cast %scan3A_526 : i32 to index
        %swap3A_590 = arith.constant 48 : index
        %swap3A_591 = tpu.vector_load %arg8[%swap3A_588, %swap3A_589, %swap3A_590] {strides = array<i32>} : memref<5x128x64xf32, #tpu.memory_space<vmem>>, vector<1x1x16xf32>,
        %swap3A_592 = vector.shape_cast %swap3A_591 : vector<1x1x16xf32> to vector<16xf32>
        %swap3A_593 = vector.shape_cast %add3A_586 : vector<16xf32> to vector<1x1x16xf32>
        tpu.vector_store %arg8[%swap3A_588, %swap3A_589, %swap3A_590], %swap3A_593 {strides = array<i32>} : memref<5x128x64xf32, #tpu.memory_space<vmem>>, vector<1x1x16xf32>,
        %scan3A_594 = arith.constant 1 : i32
        %scan3A_595 = arith.addi %scan3A_526, %scan3A_594 : i32
        %get3A_596 = arith.constant 0 : i32
        %get3A_597 = arith.index_cast %get3A_596 : i32 to index
        %get3A_598 = arith.index_cast %scan3A_595 : i32 to index
        %get3A_599 = arith.constant 0 : index
        %get3A_600 = tpu.vector_load %arg8[%get3A_597, %get3A_598, %get3A_599] {strides = array<i32>} : memref<5x128x64xf32, #tpu.memory_space<vmem>>, vector<1x1x16xf32>,
        %get3A_601 = vector.shape_cast %get3A_600 : vector<1x1x16xf32> to vector<16xf32>
        %mul3A_602 = arith.constant 8.000000e+00 : f32
        %mul3A_603 = vector.broadcast %mul3A_602 : f32 to vector<16xf32>
        %mul3A_604 = arith.mulf %get3A_601, %mul3A_603 : vector<16xf32>
        %add3A_605 = arith.addf %mul3A_604, %get3A_225 : vector<16xf32>
        %swap3A_606 = arith.constant 0 : i32
        %swap3A_607 = arith.index_cast %swap3A_606 : i32 to index
        %swap3A_608 = arith.index_cast %scan3A_595 : i32 to index
        %swap3A_609 = arith.constant 0 : index
        %swap3A_610 = tpu.vector_load %arg8[%swap3A_607, %swap3A_608, %swap3A_609] {strides = array<i32>} : memref<5x128x64xf32, #tpu.memory_space<vmem>>, vector<1x1x16xf32>,
        %swap3A_611 = vector.shape_cast %swap3A_610 : vector<1x1x16xf32> to vector<16xf32>
        %swap3A_612 = vector.shape_cast %add3A_605 : vector<16xf32> to vector<1x1x16xf32>
        tpu.vector_store %arg8[%swap3A_607, %swap3A_608, %swap3A_609], %swap3A_612 {strides = array<i32>} : memref<5x128x64xf32, #tpu.memory_space<vmem>>, vector<1x1x16xf32>,
        %get3A_613 = arith.constant 0 : i32
        %get3A_614 = arith.index_cast %get3A_613 : i32 to index
        %get3A_615 = arith.index_cast %scan3A_595 : i32 to index
        %get3A_616 = arith.constant 16 : index
        %get3A_617 = tpu.vector_load %arg8[%get3A_614, %get3A_615, %get3A_616] {strides = array<i32>} : memref<5x128x64xf32, #tpu.memory_space<vmem>>, vector<1x1x16xf32>,
        %get3A_618 = vector.shape_cast %get3A_617 : vector<1x1x16xf32> to vector<16xf32>
        %mul3A_619 = arith.constant 8.000000e+00 : f32
        %mul3A_620 = vector.broadcast %mul3A_619 : f32 to vector<16xf32>
        %mul3A_621 = arith.mulf %get3A_618, %mul3A_620 : vector<16xf32>
        %add3A_622 = arith.addf %mul3A_621, %get3A_229 : vector<16xf32>
        %swap3A_623 = arith.constant 0 : i32
        %swap3A_624 = arith.index_cast %swap3A_623 : i32 to index
        %swap3A_625 = arith.index_cast %scan3A_595 : i32 to index
        %swap3A_626 = arith.constant 16 : index
        %swap3A_627 = tpu.vector_load %arg8[%swap3A_624, %swap3A_625, %swap3A_626] {strides = array<i32>} : memref<5x128x64xf32, #tpu.memory_space<vmem>>, vector<1x1x16xf32>,
        %swap3A_628 = vector.shape_cast %swap3A_627 : vector<1x1x16xf32> to vector<16xf32>
        %swap3A_629 = vector.shape_cast %add3A_622 : vector<16xf32> to vector<1x1x16xf32>
        tpu.vector_store %arg8[%swap3A_624, %swap3A_625, %swap3A_626], %swap3A_629 {strides = array<i32>} : memref<5x128x64xf32, #tpu.memory_space<vmem>>, vector<1x1x16xf32>,
        %get3A_630 = arith.constant 0 : i32
        %get3A_631 = arith.index_cast %get3A_630 : i32 to index
        %get3A_632 = arith.index_cast %scan3A_595 : i32 to index
        %get3A_633 = arith.constant 32 : index
        %get3A_634 = tpu.vector_load %arg8[%get3A_631, %get3A_632, %get3A_633] {strides = array<i32>} : memref<5x128x64xf32, #tpu.memory_space<vmem>>, vector<1x1x16xf32>,
        %get3A_635 = vector.shape_cast %get3A_634 : vector<1x1x16xf32> to vector<16xf32>
        %mul3A_636 = arith.constant 8.000000e+00 : f32
        %mul3A_637 = vector.broadcast %mul3A_636 : f32 to vector<16xf32>
        %mul3A_638 = arith.mulf %get3A_635, %mul3A_637 : vector<16xf32>
        %add3A_639 = arith.addf %mul3A_638, %get3A_233 : vector<16xf32>
        %swap3A_640 = arith.constant 0 : i32
        %swap3A_641 = arith.index_cast %swap3A_640 : i32 to index
        %swap3A_642 = arith.index_cast %scan3A_595 : i32 to index
        %swap3A_643 = arith.constant 32 : index
        %swap3A_644 = tpu.vector_load %arg8[%swap3A_641, %swap3A_642, %swap3A_643] {strides = array<i32>} : memref<5x128x64xf32, #tpu.memory_space<vmem>>, vector<1x1x16xf32>,
        %swap3A_645 = vector.shape_cast %swap3A_644 : vector<1x1x16xf32> to vector<16xf32>
        %swap3A_646 = vector.shape_cast %add3A_639 : vector<16xf32> to vector<1x1x16xf32>
        tpu.vector_store %arg8[%swap3A_641, %swap3A_642, %swap3A_643], %swap3A_646 {strides = array<i32>} : memref<5x128x64xf32, #tpu.memory_space<vmem>>, vector<1x1x16xf32>,
        %get3A_647 = arith.constant 0 : i32
        %get3A_648 = arith.index_cast %get3A_647 : i32 to index
        %get3A_649 = arith.index_cast %scan3A_595 : i32 to index
        %get3A_650 = arith.constant 48 : index
        %get3A_651 = tpu.vector_load %arg8[%get3A_648, %get3A_649, %get3A_650] {strides = array<i32>} : memref<5x128x64xf32, #tpu.memory_space<vmem>>, vector<1x1x16xf32>,
        %get3A_652 = vector.shape_cast %get3A_651 : vector<1x1x16xf32> to vector<16xf32>
        %mul3A_653 = arith.constant 8.000000e+00 : f32
        %mul3A_654 = vector.broadcast %mul3A_653 : f32 to vector<16xf32>
        %mul3A_655 = arith.mulf %get3A_652, %mul3A_654 : vector<16xf32>
        %add3A_656 = arith.addf %mul3A_655, %get3A_237 : vector<16xf32>
        %swap3A_657 = arith.constant 0 : i32
        %swap3A_658 = arith.index_cast %swap3A_657 : i32 to index
        %swap3A_659 = arith.index_cast %scan3A_595 : i32 to index
        %swap3A_660 = arith.constant 48 : index
        %swap3A_661 = tpu.vector_load %arg8[%swap3A_658, %swap3A_659, %swap3A_660] {strides = array<i32>} : memref<5x128x64xf32, #tpu.memory_space<vmem>>, vector<1x1x16xf32>,
        %swap3A_662 = vector.shape_cast %swap3A_661 : vector<1x1x16xf32> to vector<16xf32>
        %swap3A_663 = vector.shape_cast %add3A_656 : vector<16xf32> to vector<1x1x16xf32>
        tpu.vector_store %arg8[%swap3A_658, %swap3A_659, %swap3A_660], %swap3A_663 {strides = array<i32>} : memref<5x128x64xf32, #tpu.memory_space<vmem>>, vector<1x1x16xf32>,
        %scan3A_664 = arith.constant 2 : i32
        %scan3A_665 = arith.addi %scan3A_526, %scan3A_664 : i32
        %get3A_666 = arith.constant 0 : i32
        %get3A_667 = arith.index_cast %get3A_666 : i32 to index
        %get3A_668 = arith.index_cast %scan3A_665 : i32 to index
        %get3A_669 = arith.constant 0 : index
        %get3A_670 = tpu.vector_load %arg8[%get3A_667, %get3A_668, %get3A_669] {strides = array<i32>} : memref<5x128x64xf32, #tpu.memory_space<vmem>>, vector<1x1x16xf32>,
        %get3A_671 = vector.shape_cast %get3A_670 : vector<1x1x16xf32> to vector<16xf32>
        %mul3A_672 = arith.constant 8.000000e+00 : f32
        %mul3A_673 = vector.broadcast %mul3A_672 : f32 to vector<16xf32>
        %mul3A_674 = arith.mulf %get3A_671, %mul3A_673 : vector<16xf32>
        %add3A_675 = arith.addf %mul3A_674, %get3A_225 : vector<16xf32>
        %swap3A_676 = arith.constant 0 : i32
        %swap3A_677 = arith.index_cast %swap3A_676 : i32 to index
        %swap3A_678 = arith.index_cast %scan3A_665 : i32 to index
        %swap3A_679 = arith.constant 0 : index
        %swap3A_680 = tpu.vector_load %arg8[%swap3A_677, %swap3A_678, %swap3A_679] {strides = array<i32>} : memref<5x128x64xf32, #tpu.memory_space<vmem>>, vector<1x1x16xf32>,
        %swap3A_681 = vector.shape_cast %swap3A_680 : vector<1x1x16xf32> to vector<16xf32>
        %swap3A_682 = vector.shape_cast %add3A_675 : vector<16xf32> to vector<1x1x16xf32>
        tpu.vector_store %arg8[%swap3A_677, %swap3A_678, %swap3A_679], %swap3A_682 {strides = array<i32>} : memref<5x128x64xf32, #tpu.memory_space<vmem>>, vector<1x1x16xf32>,
        %get3A_683 = arith.constant 0 : i32
        %get3A_684 = arith.index_cast %get3A_683 : i32 to index
        %get3A_685 = arith.index_cast %scan3A_665 : i32 to index
        %get3A_686 = arith.constant 16 : index
        %get3A_687 = tpu.vector_load %arg8[%get3A_684, %get3A_685, %get3A_686] {strides = array<i32>} : memref<5x128x64xf32, #tpu.memory_space<vmem>>, vector<1x1x16xf32>,
        %get3A_688 = vector.shape_cast %get3A_687 : vector<1x1x16xf32> to vector<16xf32>
        %mul3A_689 = arith.constant 8.000000e+00 : f32
        %mul3A_690 = vector.broadcast %mul3A_689 : f32 to vector<16xf32>
        %mul3A_691 = arith.mulf %get3A_688, %mul3A_690 : vector<16xf32>
        %add3A_692 = arith.addf %mul3A_691, %get3A_229 : vector<16xf32>
        %swap3A_693 = arith.constant 0 : i32
        %swap3A_694 = arith.index_cast %swap3A_693 : i32 to index
        %swap3A_695 = arith.index_cast %scan3A_665 : i32 to index
        %swap3A_696 = arith.constant 16 : index
        %swap3A_697 = tpu.vector_load %arg8[%swap3A_694, %swap3A_695, %swap3A_696] {strides = array<i32>} : memref<5x128x64xf32, #tpu.memory_space<vmem>>, vector<1x1x16xf32>,
        %swap3A_698 = vector.shape_cast %swap3A_697 : vector<1x1x16xf32> to vector<16xf32>
        %swap3A_699 = vector.shape_cast %add3A_692 : vector<16xf32> to vector<1x1x16xf32>
        tpu.vector_store %arg8[%swap3A_694, %swap3A_695, %swap3A_696], %swap3A_699 {strides = array<i32>} : memref<5x128x64xf32, #tpu.memory_space<vmem>>, vector<1x1x16xf32>,
        %get3A_700 = arith.constant 0 : i32
        %get3A_701 = arith.index_cast %get3A_700 : i32 to index
        %get3A_702 = arith.index_cast %scan3A_665 : i32 to index
        %get3A_703 = arith.constant 32 : index
        %get3A_704 = tpu.vector_load %arg8[%get3A_701, %get3A_702, %get3A_703] {strides = array<i32>} : memref<5x128x64xf32, #tpu.memory_space<vmem>>, vector<1x1x16xf32>,
        %get3A_705 = vector.shape_cast %get3A_704 : vector<1x1x16xf32> to vector<16xf32>
        %mul3A_706 = arith.constant 8.000000e+00 : f32
        %mul3A_707 = vector.broadcast %mul3A_706 : f32 to vector<16xf32>
        %mul3A_708 = arith.mulf %get3A_705, %mul3A_707 : vector<16xf32>
        %add3A_709 = arith.addf %mul3A_708, %get3A_233 : vector<16xf32>
        %swap3A_710 = arith.constant 0 : i32
        %swap3A_711 = arith.index_cast %swap3A_710 : i32 to index
        %swap3A_712 = arith.index_cast %scan3A_665 : i32 to index
        %swap3A_713 = arith.constant 32 : index
        %swap3A_714 = tpu.vector_load %arg8[%swap3A_711, %swap3A_712, %swap3A_713] {strides = array<i32>} : memref<5x128x64xf32, #tpu.memory_space<vmem>>, vector<1x1x16xf32>,
        %swap3A_715 = vector.shape_cast %swap3A_714 : vector<1x1x16xf32> to vector<16xf32>
        %swap3A_716 = vector.shape_cast %add3A_709 : vector<16xf32> to vector<1x1x16xf32>
        tpu.vector_store %arg8[%swap3A_711, %swap3A_712, %swap3A_713], %swap3A_716 {strides = array<i32>} : memref<5x128x64xf32, #tpu.memory_space<vmem>>, vector<1x1x16xf32>,
        %get3A_717 = arith.constant 0 : i32
        %get3A_718 = arith.index_cast %get3A_717 : i32 to index
        %get3A_719 = arith.index_cast %scan3A_665 : i32 to index
        %get3A_720 = arith.constant 48 : index
        %get3A_721 = tpu.vector_load %arg8[%get3A_718, %get3A_719, %get3A_720] {strides = array<i32>} : memref<5x128x64xf32, #tpu.memory_space<vmem>>, vector<1x1x16xf32>,
        %get3A_722 = vector.shape_cast %get3A_721 : vector<1x1x16xf32> to vector<16xf32>
        %mul3A_723 = arith.constant 8.000000e+00 : f32
        %mul3A_724 = vector.broadcast %mul3A_723 : f32 to vector<16xf32>
        %mul3A_725 = arith.mulf %get3A_722, %mul3A_724 : vector<16xf32>
        %add3A_726 = arith.addf %mul3A_725, %get3A_237 : vector<16xf32>
        %swap3A_727 = arith.constant 0 : i32
        %swap3A_728 = arith.index_cast %swap3A_727 : i32 to index
        %swap3A_729 = arith.index_cast %scan3A_665 : i32 to index
        %swap3A_730 = arith.constant 48 : index
        %swap3A_731 = tpu.vector_load %arg8[%swap3A_728, %swap3A_729, %swap3A_730] {strides = array<i32>} : memref<5x128x64xf32, #tpu.memory_space<vmem>>, vector<1x1x16xf32>,
        %swap3A_732 = vector.shape_cast %swap3A_731 : vector<1x1x16xf32> to vector<16xf32>
        %swap3A_733 = vector.shape_cast %add3A_726 : vector<16xf32> to vector<1x1x16xf32>
        tpu.vector_store %arg8[%swap3A_728, %swap3A_729, %swap3A_730], %swap3A_733 {strides = array<i32>} : memref<5x128x64xf32, #tpu.memory_space<vmem>>, vector<1x1x16xf32>,
        %scan3A_734 = arith.constant 3 : i32
        %scan3A_735 = arith.addi %scan3A_526, %scan3A_734 : i32
        %get3A_736 = arith.constant 0 : i32
        %get3A_737 = arith.index_cast %get3A_736 : i32 to index
        %get3A_738 = arith.index_cast %scan3A_735 : i32 to index
        %get3A_739 = arith.constant 0 : index
        %get3A_740 = tpu.vector_load %arg8[%get3A_737, %get3A_738, %get3A_739] {strides = array<i32>} : memref<5x128x64xf32, #tpu.memory_space<vmem>>, vector<1x1x16xf32>,
        %get3A_741 = vector.shape_cast %get3A_740 : vector<1x1x16xf32> to vector<16xf32>
        %mul3A_742 = arith.constant 8.000000e+00 : f32
        %mul3A_743 = vector.broadcast %mul3A_742 : f32 to vector<16xf32>
        %mul3A_744 = arith.mulf %get3A_741, %mul3A_743 : vector<16xf32>
        %add3A_745 = arith.addf %mul3A_744, %get3A_225 : vector<16xf32>
        %swap3A_746 = arith.constant 0 : i32
        %swap3A_747 = arith.index_cast %swap3A_746 : i32 to index
        %swap3A_748 = arith.index_cast %scan3A_735 : i32 to index
        %swap3A_749 = arith.constant 0 : index
        %swap3A_750 = tpu.vector_load %arg8[%swap3A_747, %swap3A_748, %swap3A_749] {strides = array<i32>} : memref<5x128x64xf32, #tpu.memory_space<vmem>>, vector<1x1x16xf32>,
        %swap3A_751 = vector.shape_cast %swap3A_750 : vector<1x1x16xf32> to vector<16xf32>
        %swap3A_752 = vector.shape_cast %add3A_745 : vector<16xf32> to vector<1x1x16xf32>
        tpu.vector_store %arg8[%swap3A_747, %swap3A_748, %swap3A_749], %swap3A_752 {strides = array<i32>} : memref<5x128x64xf32, #tpu.memory_space<vmem>>, vector<1x1x16xf32>,
        %get3A_753 = arith.constant 0 : i32
        %get3A_754 = arith.index_cast %get3A_753 : i32 to index
        %get3A_755 = arith.index_cast %scan3A_735 : i32 to index
        %get3A_756 = arith.constant 16 : index
        %get3A_757 = tpu.vector_load %arg8[%get3A_754, %get3A_755, %get3A_756] {strides = array<i32>} : memref<5x128x64xf32, #tpu.memory_space<vmem>>, vector<1x1x16xf32>,
        %get3A_758 = vector.shape_cast %get3A_757 : vector<1x1x16xf32> to vector<16xf32>
        %mul3A_759 = arith.constant 8.000000e+00 : f32
        %mul3A_760 = vector.broadcast %mul3A_759 : f32 to vector<16xf32>
        %mul3A_761 = arith.mulf %get3A_758, %mul3A_760 : vector<16xf32>
        %add3A_762 = arith.addf %mul3A_761, %get3A_229 : vector<16xf32>
        %swap3A_763 = arith.constant 0 : i32
        %swap3A_764 = arith.index_cast %swap3A_763 : i32 to index
        %swap3A_765 = arith.index_cast %scan3A_735 : i32 to index
        %swap3A_766 = arith.constant 16 : index
        %swap3A_767 = tpu.vector_load %arg8[%swap3A_764, %swap3A_765, %swap3A_766] {strides = array<i32>} : memref<5x128x64xf32, #tpu.memory_space<vmem>>, vector<1x1x16xf32>,
        %swap3A_768 = vector.shape_cast %swap3A_767 : vector<1x1x16xf32> to vector<16xf32>
        %swap3A_769 = vector.shape_cast %add3A_762 : vector<16xf32> to vector<1x1x16xf32>
        tpu.vector_store %arg8[%swap3A_764, %swap3A_765, %swap3A_766], %swap3A_769 {strides = array<i32>} : memref<5x128x64xf32, #tpu.memory_space<vmem>>, vector<1x1x16xf32>,
        %get3A_770 = arith.constant 0 : i32
        %get3A_771 = arith.index_cast %get3A_770 : i32 to index
        %get3A_772 = arith.index_cast %scan3A_735 : i32 to index
        %get3A_773 = arith.constant 32 : index
        %get3A_774 = tpu.vector_load %arg8[%get3A_771, %get3A_772, %get3A_773] {strides = array<i32>} : memref<5x128x64xf32, #tpu.memory_space<vmem>>, vector<1x1x16xf32>,
        %get3A_775 = vector.shape_cast %get3A_774 : vector<1x1x16xf32> to vector<16xf32>
        %mul3A_776 = arith.constant 8.000000e+00 : f32
        %mul3A_777 = vector.broadcast %mul3A_776 : f32 to vector<16xf32>
        %mul3A_778 = arith.mulf %get3A_775, %mul3A_777 : vector<16xf32>
        %add3A_779 = arith.addf %mul3A_778, %get3A_233 : vector<16xf32>
        %swap3A_780 = arith.constant 0 : i32
        %swap3A_781 = arith.index_cast %swap3A_780 : i32 to index
        %swap3A_782 = arith.index_cast %scan3A_735 : i32 to index
        %swap3A_783 = arith.constant 32 : index
        %swap3A_784 = tpu.vector_load %arg8[%swap3A_781, %swap3A_782, %swap3A_783] {strides = array<i32>} : memref<5x128x64xf32, #tpu.memory_space<vmem>>, vector<1x1x16xf32>,
        %swap3A_785 = vector.shape_cast %swap3A_784 : vector<1x1x16xf32> to vector<16xf32>
        %swap3A_786 = vector.shape_cast %add3A_779 : vector<16xf32> to vector<1x1x16xf32>
        tpu.vector_store %arg8[%swap3A_781, %swap3A_782, %swap3A_783], %swap3A_786 {strides = array<i32>} : memref<5x128x64xf32, #tpu.memory_space<vmem>>, vector<1x1x16xf32>,
        %get3A_787 = arith.constant 0 : i32
        %get3A_788 = arith.index_cast %get3A_787 : i32 to index
        %get3A_789 = arith.index_cast %scan3A_735 : i32 to index
        %get3A_790 = arith.constant 48 : index
        %get3A_791 = tpu.vector_load %arg8[%get3A_788, %get3A_789, %get3A_790] {strides = array<i32>} : memref<5x128x64xf32, #tpu.memory_space<vmem>>, vector<1x1x16xf32>,
        %get3A_792 = vector.shape_cast %get3A_791 : vector<1x1x16xf32> to vector<16xf32>
        %mul3A_793 = arith.constant 8.000000e+00 : f32
        %mul3A_794 = vector.broadcast %mul3A_793 : f32 to vector<16xf32>
        %mul3A_795 = arith.mulf %get3A_792, %mul3A_794 : vector<16xf32>
        %add3A_796 = arith.addf %mul3A_795, %get3A_237 : vector<16xf32>
        %swap3A_797 = arith.constant 0 : i32
        %swap3A_798 = arith.index_cast %swap3A_797 : i32 to index
        %swap3A_799 = arith.index_cast %scan3A_735 : i32 to index
        %swap3A_800 = arith.constant 48 : index
        %swap3A_801 = tpu.vector_load %arg8[%swap3A_798, %swap3A_799, %swap3A_800] {strides = array<i32>} : memref<5x128x64xf32, #tpu.memory_space<vmem>>, vector<1x1x16xf32>,
        %swap3A_802 = vector.shape_cast %swap3A_801 : vector<1x1x16xf32> to vector<16xf32>
        %swap3A_803 = vector.shape_cast %add3A_796 : vector<16xf32> to vector<1x1x16xf32>
        tpu.vector_store %arg8[%swap3A_798, %swap3A_799, %swap3A_800], %swap3A_803 {strides = array<i32>} : memref<5x128x64xf32, #tpu.memory_space<vmem>>, vector<1x1x16xf32>,
      }
      %scan3A_242 = arith.constant 128 : i32
      %dma_start3A_243 = arith.constant 0 : i32
      %dma_start3A_244 = arith.constant 0 : i32
      %dma_start3A_245 = arith.constant 0 : i32
      %dma_start3A_246 = tpu.memref_slice %arg8[%dma_start3A_243, %dma_start3A_244, %dma_start3A_245] : memref<5x128x64xf32, #tpu.memory_space<vmem>> -> memref<1x128x64xf32, #tpu.memory_space<vmem>>
      %dma_start3A_247 = tpu.memref_squeeze %dma_start3A_246 : memref<1x128x64xf32, #tpu.memory_space<vmem>> -> memref<128x64xf32, #tpu.memory_space<vmem>>
      %dma_start3A_248 = arith.constant 0 : i32
      %dma_start3A_249 = tpu.memref_slice %arg5[%multiple_of3A_211, %div3A_206, %dma_start3A_248] : memref<1024x200x64xf32, #tpu.memory_space<hbm>> -> memref<128x1x64xf32, #tpu.memory_space<hbm>>
      %dma_start3A_250 = tpu.memref_squeeze %dma_start3A_249 : memref<128x1x64xf32, #tpu.memory_space<hbm>> -> memref<128x64xf32, #tpu.memory_space<hbm>>
      %dma_start3A_251 = arith.constant 0 : i32
      %dma_start3A_252 = tpu.memref_slice %arg5[%multiple_of3A_211, %div3A_206, %dma_start3A_251] : memref<1024x200x64xf32, #tpu.memory_space<hbm>> -> memref<128x1x64xf32, #tpu.memory_space<hbm>>
      %dma_start3A_253 = tpu.memref_squeeze %dma_start3A_252 : memref<128x1x64xf32, #tpu.memory_space<hbm>> -> memref<128x64xf32, #tpu.memory_space<hbm>>
      %dma_start3A_254 = arith.constant 0 : i32
      %dma_start3A_255 = arith.constant 0 : i32
      %dma_start3A_256 = tpu.memref_slice %arg8[%dma_start3A_243, %dma_start3A_254, %dma_start3A_255] : memref<5x128x64xf32, #tpu.memory_space<vmem>> -> memref<1x128x64xf32, #tpu.memory_space<vmem>>
      %dma_start3A_257 = tpu.memref_squeeze %dma_start3A_256 : memref<1x128x64xf32, #tpu.memory_space<vmem>> -> memref<128x64xf32, #tpu.memory_space<vmem>>
      tpu.enqueue_dma source(%dma_start3A_257 : memref<128x64xf32, #tpu.memory_space<vmem>>) target(%dma_start3A_253 : memref<128x64xf32, #tpu.memory_space<hbm>>) target_semaphore(%arg14 : memref<!tpu.dma_semaphore, #tpu.memory_space<semaphore_mem>>)
      %add3A_258 = arith.constant 1 : i32
      %add3A_259 = arith.addi %scan3A_199, %add3A_258 : i32
      %lt3A = arith.constant 10 : i32
      %lt3A_260 = arith.cmpi slt, %add3A_259, %lt3A : i32
      %convert_element_type3A = arith.extui %lt3A_260 : i1 to i32
      %cond3A = arith.constant 0 : i32
      %cond3A_261 = arith.cmpi ne, %convert_element_type3A, %cond3A : i32
      scf.if %cond3A_261 {
        %dma_wait3A_526 = arith.constant 0 : i32
        %dma_wait3A_527 = arith.constant 0 : i32
        %dma_wait3A_528 = arith.constant 0 : i32
        %dma_wait3A_529 = tpu.memref_slice %arg8[%dma_wait3A_526, %dma_wait3A_527, %dma_wait3A_528] : memref<5x128x64xf32, #tpu.memory_space<vmem>> -> memref<1x128x64xf32, #tpu.memory_space<vmem>>
        %dma_wait3A_530 = tpu.memref_squeeze %dma_wait3A_529 : memref<1x128x64xf32, #tpu.memory_space<vmem>> -> memref<128x64xf32, #tpu.memory_space<vmem>>
        %dma_wait3A_531 = arith.constant 0 : i32
        %dma_wait3A_532 = tpu.memref_slice %arg5[%multiple_of3A_211, %div3A_206, %dma_wait3A_531] : memref<1024x200x64xf32, #tpu.memory_space<hbm>> -> memref<128x1x64xf32, #tpu.memory_space<hbm>>
        %dma_wait3A_533 = tpu.memref_squeeze %dma_wait3A_532 : memref<128x1x64xf32, #tpu.memory_space<hbm>> -> memref<128x64xf32, #tpu.memory_space<hbm>>
        %dma_wait3A_534 = arith.constant 0 : i32
        %dma_wait3A_535 = tpu.memref_slice %arg5[%multiple_of3A_211, %div3A_206, %dma_wait3A_534] : memref<1024x200x64xf32, #tpu.memory_space<hbm>> -> memref<128x1x64xf32, #tpu.memory_space<hbm>>
        %dma_wait3A_536 = tpu.memref_squeeze %dma_wait3A_535 : memref<128x1x64xf32, #tpu.memory_space<hbm>> -> memref<128x64xf32, #tpu.memory_space<hbm>>
        %dma_wait3A_537 = arith.constant 0 : i32
        %dma_wait3A_538 = arith.constant 0 : i32
        %dma_wait3A_539 = tpu.memref_slice %arg8[%dma_wait3A_526, %dma_wait3A_537, %dma_wait3A_538] : memref<5x128x64xf32, #tpu.memory_space<vmem>> -> memref<1x128x64xf32, #tpu.memory_space<vmem>>
        %dma_wait3A_540 = tpu.memref_squeeze %dma_wait3A_539 : memref<1x128x64xf32, #tpu.memory_space<vmem>> -> memref<128x64xf32, #tpu.memory_space<vmem>>
        tpu.wait_dma2 semaphore(%arg14 : memref<!tpu.dma_semaphore, #tpu.memory_space<semaphore_mem>>) src(%dma_wait3A_540 : memref<128x64xf32, #tpu.memory_space<vmem>>) dst(%dma_wait3A_536 : memref<128x64xf32, #tpu.memory_space<hbm>>)
        %add3A_541 = arith.constant 5 : i32
        %add3A_542 = arith.addi %add3A_203, %add3A_541 : i32
        %dma_start3A_543 = arith.constant 0 : i32
        %dma_start3A_544 = arith.constant 0 : i32
        %dma_start3A_545 = arith.constant 0 : i32
        %dma_start3A_546 = tpu.memref_slice %arg8[%dma_start3A_543, %dma_start3A_544, %dma_start3A_545] : memref<5x128x64xf32, #tpu.memory_space<vmem>> -> memref<1x128x64xf32, #tpu.memory_space<vmem>>
        %dma_start3A_547 = tpu.memref_squeeze %dma_start3A_546 : memref<1x128x64xf32, #tpu.memory_space<vmem>> -> memref<128x64xf32, #tpu.memory_space<vmem>>
        %dma_start3A_548 = arith.constant 0 : i32
        %dma_start3A_549 = tpu.memref_slice %arg6[%add3A_542, %dma_start3A_548] : memref<50x128xi32, #tpu.memory_space<vmem>> -> memref<1x128xi32, #tpu.memory_space<vmem>>
        %dma_start3A_550 = tpu.memref_squeeze %dma_start3A_549 : memref<1x128xi32, #tpu.memory_space<vmem>> -> memref<128xi32, #tpu.memory_space<vmem>>
        %dma_start3A_551 = arith.constant 0 : i32
        %dma_start3A_552 = arith.constant 0 : i32
        %dma_start3A_553 = tpu.memref_slice %arg2[%dma_start3A_551, %dma_start3A_552] : memref<1000000x64xf32, #tpu.memory_space<hbm>> -> memref<1000000x64xf32, #tpu.memory_space<hbm>>
        tpu.enqueue_indirect_dma source(%dma_start3A_553 : memref<1000000x64xf32, #tpu.memory_space<hbm>>) target(%dma_start3A_547 : memref<128x64xf32, #tpu.memory_space<vmem>>) offsets(%dma_start3A_550 : memref<128xi32, #tpu.memory_space<vmem>>) semaphore(%arg9 : memref<!tpu.dma_semaphore, #tpu.memory_space<semaphore_mem>>)
      } else {
      }
      %mul3A_262 = arith.constant 5 : i32
      %mul3A_263 = arith.muli %scan3A_199, %mul3A_262 : i32
      %add3A_264 = arith.constant 1 : i32
      %add3A_265 = arith.addi %mul3A_263, %add3A_264 : i32
      %add3A_266 = arith.addi %mul3A_2, %add3A_265 : i32
      %div3A_267 = arith.constant 8 : i32
      %div3A_268 = arith.divsi %add3A_266, %div3A_267 : i32
      %rem3A_269 = arith.constant 8 : i32
      %rem3A_270 = arith.remsi %add3A_266, %rem3A_269 : i32
      %mul3A_271 = arith.constant 128 : i32
      %mul3A_272 = arith.muli %rem3A_270, %mul3A_271 : i32
      %multiple_of3A_273 = tpu.assume_multiple %mul3A_272, 128 : i32
      %dma_wait3A_274 = arith.constant 1 : i32
      %dma_wait3A_275 = arith.constant 0 : i32
      %dma_wait3A_276 = arith.constant 0 : i32
      %dma_wait3A_277 = tpu.memref_slice %arg8[%dma_wait3A_274, %dma_wait3A_275, %dma_wait3A_276] : memref<5x128x64xf32, #tpu.memory_space<vmem>> -> memref<1x128x64xf32, #tpu.memory_space<vmem>>
      %dma_wait3A_278 = tpu.memref_squeeze %dma_wait3A_277 : memref<1x128x64xf32, #tpu.memory_space<vmem>> -> memref<128x64xf32, #tpu.memory_space<vmem>>
      %dma_wait3A_279 = arith.constant 0 : i32
      %dma_wait3A_280 = tpu.memref_slice %arg6[%add3A_265, %dma_wait3A_279] : memref<50x128xi32, #tpu.memory_space<vmem>> -> memref<1x128xi32, #tpu.memory_space<vmem>>
      %dma_wait3A_281 = tpu.memref_squeeze %dma_wait3A_280 : memref<1x128xi32, #tpu.memory_space<vmem>> -> memref<128xi32, #tpu.memory_space<vmem>>
      %dma_wait3A_282 = arith.constant 0 : i32
      %dma_wait3A_283 = arith.constant 0 : i32
      %dma_wait3A_284 = tpu.memref_slice %arg2[%dma_wait3A_282, %dma_wait3A_283] : memref<1000000x64xf32, #tpu.memory_space<hbm>> -> memref<1000000x64xf32, #tpu.memory_space<hbm>>
      tpu.wait_indirect_dma semaphore(%arg10 : memref<!tpu.dma_semaphore, #tpu.memory_space<semaphore_mem>>) src(%dma_wait3A_284 : memref<1000000x64xf32, #tpu.memory_space<hbm>>) dst(%dma_wait3A_278 : memref<128x64xf32, #tpu.memory_space<vmem>>)
      %get3A_285 = arith.index_cast %div3A_268 : i32 to index
      %get3A_286 = arith.constant 0 : index
      %get3A_287 = tpu.vector_load %arg7[%get3A_285, %get3A_286] {strides = array<i32>} : memref<200x64xf32, #tpu.memory_space<vmem>>, vector<1x16xf32>,
      %get3A_288 = vector.shape_cast %get3A_287 : vector<1x16xf32> to vector<16xf32>
      %get3A_289 = arith.index_cast %div3A_268 : i32 to index
      %get3A_290 = arith.constant 16 : index
      %get3A_291 = tpu.vector_load %arg7[%get3A_289, %get3A_290] {strides = array<i32>} : memref<200x64xf32, #tpu.memory_space<vmem>>, vector<1x16xf32>,
      %get3A_292 = vector.shape_cast %get3A_291 : vector<1x16xf32> to vector<16xf32>
      %get3A_293 = arith.index_cast %div3A_268 : i32 to index
      %get3A_294 = arith.constant 32 : index
      %get3A_295 = tpu.vector_load %arg7[%get3A_293, %get3A_294] {strides = array<i32>} : memref<200x64xf32, #tpu.memory_space<vmem>>, vector<1x16xf32>,
      %get3A_296 = vector.shape_cast %get3A_295 : vector<1x16xf32> to vector<16xf32>
      %get3A_297 = arith.index_cast %div3A_268 : i32 to index
      %get3A_298 = arith.constant 48 : index
      %get3A_299 = tpu.vector_load %arg7[%get3A_297, %get3A_298] {strides = array<i32>} : memref<200x64xf32, #tpu.memory_space<vmem>>, vector<1x16xf32>,
      %get3A_300 = vector.shape_cast %get3A_299 : vector<1x16xf32> to vector<16xf32>
      %scan3A_301 = arith.constant 0 : i32
      %scan3A_302 = arith.constant 128 : i32
      %scan3A_303 = arith.addi %scan3A_301, %scan3A_302 : i32
      %scan3A_304 = arith.constant 4 : i32
      scf.for %scan3A_526 = %scan3A_301 to %scan3A_303 step %scan3A_304  : i32 {
        %get3A_527 = arith.constant 1 : i32
        %get3A_528 = arith.index_cast %get3A_527 : i32 to index
        %get3A_529 = arith.index_cast %scan3A_526 : i32 to index
        %get3A_530 = arith.constant 0 : index
        %get3A_531 = tpu.vector_load %arg8[%get3A_528, %get3A_529, %get3A_530] {strides = array<i32>} : memref<5x128x64xf32, #tpu.memory_space<vmem>>, vector<1x1x16xf32>,
        %get3A_532 = vector.shape_cast %get3A_531 : vector<1x1x16xf32> to vector<16xf32>
        %mul3A_533 = arith.constant 8.000000e+00 : f32
        %mul3A_534 = vector.broadcast %mul3A_533 : f32 to vector<16xf32>
        %mul3A_535 = arith.mulf %get3A_532, %mul3A_534 : vector<16xf32>
        %add3A_536 = arith.addf %mul3A_535, %get3A_288 : vector<16xf32>
        %swap3A = arith.constant 1 : i32
        %swap3A_537 = arith.index_cast %swap3A : i32 to index
        %swap3A_538 = arith.index_cast %scan3A_526 : i32 to index
        %swap3A_539 = arith.constant 0 : index
        %swap3A_540 = tpu.vector_load %arg8[%swap3A_537, %swap3A_538, %swap3A_539] {strides = array<i32>} : memref<5x128x64xf32, #tpu.memory_space<vmem>>, vector<1x1x16xf32>,
        %swap3A_541 = vector.shape_cast %swap3A_540 : vector<1x1x16xf32> to vector<16xf32>
        %swap3A_542 = vector.shape_cast %add3A_536 : vector<16xf32> to vector<1x1x16xf32>
        tpu.vector_store %arg8[%swap3A_537, %swap3A_538, %swap3A_539], %swap3A_542 {strides = array<i32>} : memref<5x128x64xf32, #tpu.memory_space<vmem>>, vector<1x1x16xf32>,
        %get3A_543 = arith.constant 1 : i32
        %get3A_544 = arith.index_cast %get3A_543 : i32 to index
        %get3A_545 = arith.index_cast %scan3A_526 : i32 to index
        %get3A_546 = arith.constant 16 : index
        %get3A_547 = tpu.vector_load %arg8[%get3A_544, %get3A_545, %get3A_546] {strides = array<i32>} : memref<5x128x64xf32, #tpu.memory_space<vmem>>, vector<1x1x16xf32>,
        %get3A_548 = vector.shape_cast %get3A_547 : vector<1x1x16xf32> to vector<16xf32>
        %mul3A_549 = arith.constant 8.000000e+00 : f32
        %mul3A_550 = vector.broadcast %mul3A_549 : f32 to vector<16xf32>
        %mul3A_551 = arith.mulf %get3A_548, %mul3A_550 : vector<16xf32>
        %add3A_552 = arith.addf %mul3A_551, %get3A_292 : vector<16xf32>
        %swap3A_553 = arith.constant 1 : i32
        %swap3A_554 = arith.index_cast %swap3A_553 : i32 to index
        %swap3A_555 = arith.index_cast %scan3A_526 : i32 to index
        %swap3A_556 = arith.constant 16 : index
        %swap3A_557 = tpu.vector_load %arg8[%swap3A_554, %swap3A_555, %swap3A_556] {strides = array<i32>} : memref<5x128x64xf32, #tpu.memory_space<vmem>>, vector<1x1x16xf32>,
        %swap3A_558 = vector.shape_cast %swap3A_557 : vector<1x1x16xf32> to vector<16xf32>
        %swap3A_559 = vector.shape_cast %add3A_552 : vector<16xf32> to vector<1x1x16xf32>
        tpu.vector_store %arg8[%swap3A_554, %swap3A_555, %swap3A_556], %swap3A_559 {strides = array<i32>} : memref<5x128x64xf32, #tpu.memory_space<vmem>>, vector<1x1x16xf32>,
        %get3A_560 = arith.constant 1 : i32
        %get3A_561 = arith.index_cast %get3A_560 : i32 to index
        %get3A_562 = arith.index_cast %scan3A_526 : i32 to index
        %get3A_563 = arith.constant 32 : index
        %get3A_564 = tpu.vector_load %arg8[%get3A_561, %get3A_562, %get3A_563] {strides = array<i32>} : memref<5x128x64xf32, #tpu.memory_space<vmem>>, vector<1x1x16xf32>,
        %get3A_565 = vector.shape_cast %get3A_564 : vector<1x1x16xf32> to vector<16xf32>
        %mul3A_566 = arith.constant 8.000000e+00 : f32
        %mul3A_567 = vector.broadcast %mul3A_566 : f32 to vector<16xf32>
        %mul3A_568 = arith.mulf %get3A_565, %mul3A_567 : vector<16xf32>
        %add3A_569 = arith.addf %mul3A_568, %get3A_296 : vector<16xf32>
        %swap3A_570 = arith.constant 1 : i32
        %swap3A_571 = arith.index_cast %swap3A_570 : i32 to index
        %swap3A_572 = arith.index_cast %scan3A_526 : i32 to index
        %swap3A_573 = arith.constant 32 : index
        %swap3A_574 = tpu.vector_load %arg8[%swap3A_571, %swap3A_572, %swap3A_573] {strides = array<i32>} : memref<5x128x64xf32, #tpu.memory_space<vmem>>, vector<1x1x16xf32>,
        %swap3A_575 = vector.shape_cast %swap3A_574 : vector<1x1x16xf32> to vector<16xf32>
        %swap3A_576 = vector.shape_cast %add3A_569 : vector<16xf32> to vector<1x1x16xf32>
        tpu.vector_store %arg8[%swap3A_571, %swap3A_572, %swap3A_573], %swap3A_576 {strides = array<i32>} : memref<5x128x64xf32, #tpu.memory_space<vmem>>, vector<1x1x16xf32>,
        %get3A_577 = arith.constant 1 : i32
        %get3A_578 = arith.index_cast %get3A_577 : i32 to index
        %get3A_579 = arith.index_cast %scan3A_526 : i32 to index
        %get3A_580 = arith.constant 48 : index
        %get3A_581 = tpu.vector_load %arg8[%get3A_578, %get3A_579, %get3A_580] {strides = array<i32>} : memref<5x128x64xf32, #tpu.memory_space<vmem>>, vector<1x1x16xf32>,
        %get3A_582 = vector.shape_cast %get3A_581 : vector<1x1x16xf32> to vector<16xf32>
        %mul3A_583 = arith.constant 8.000000e+00 : f32
        %mul3A_584 = vector.broadcast %mul3A_583 : f32 to vector<16xf32>
        %mul3A_585 = arith.mulf %get3A_582, %mul3A_584 : vector<16xf32>
        %add3A_586 = arith.addf %mul3A_585, %get3A_300 : vector<16xf32>
        %swap3A_587 = arith.constant 1 : i32
        %swap3A_588 = arith.index_cast %swap3A_587 : i32 to index
        %swap3A_589 = arith.index_cast %scan3A_526 : i32 to index
        %swap3A_590 = arith.constant 48 : index
        %swap3A_591 = tpu.vector_load %arg8[%swap3A_588, %swap3A_589, %swap3A_590] {strides = array<i32>} : memref<5x128x64xf32, #tpu.memory_space<vmem>>, vector<1x1x16xf32>,
        %swap3A_592 = vector.shape_cast %swap3A_591 : vector<1x1x16xf32> to vector<16xf32>
        %swap3A_593 = vector.shape_cast %add3A_586 : vector<16xf32> to vector<1x1x16xf32>
        tpu.vector_store %arg8[%swap3A_588, %swap3A_589, %swap3A_590], %swap3A_593 {strides = array<i32>} : memref<5x128x64xf32, #tpu.memory_space<vmem>>, vector<1x1x16xf32>,
        %scan3A_594 = arith.constant 1 : i32
        %scan3A_595 = arith.addi %scan3A_526, %scan3A_594 : i32
        %get3A_596 = arith.constant 1 : i32
        %get3A_597 = arith.index_cast %get3A_596 : i32 to index
        %get3A_598 = arith.index_cast %scan3A_595 : i32 to index
        %get3A_599 = arith.constant 0 : index
        %get3A_600 = tpu.vector_load %arg8[%get3A_597, %get3A_598, %get3A_599] {strides = array<i32>} : memref<5x128x64xf32, #tpu.memory_space<vmem>>, vector<1x1x16xf32>,
        %get3A_601 = vector.shape_cast %get3A_600 : vector<1x1x16xf32> to vector<16xf32>
        %mul3A_602 = arith.constant 8.000000e+00 : f32
        %mul3A_603 = vector.broadcast %mul3A_602 : f32 to vector<16xf32>
        %mul3A_604 = arith.mulf %get3A_601, %mul3A_603 : vector<16xf32>
        %add3A_605 = arith.addf %mul3A_604, %get3A_288 : vector<16xf32>
        %swap3A_606 = arith.constant 1 : i32
        %swap3A_607 = arith.index_cast %swap3A_606 : i32 to index
        %swap3A_608 = arith.index_cast %scan3A_595 : i32 to index
        %swap3A_609 = arith.constant 0 : index
        %swap3A_610 = tpu.vector_load %arg8[%swap3A_607, %swap3A_608, %swap3A_609] {strides = array<i32>} : memref<5x128x64xf32, #tpu.memory_space<vmem>>, vector<1x1x16xf32>,
        %swap3A_611 = vector.shape_cast %swap3A_610 : vector<1x1x16xf32> to vector<16xf32>
        %swap3A_612 = vector.shape_cast %add3A_605 : vector<16xf32> to vector<1x1x16xf32>
        tpu.vector_store %arg8[%swap3A_607, %swap3A_608, %swap3A_609], %swap3A_612 {strides = array<i32>} : memref<5x128x64xf32, #tpu.memory_space<vmem>>, vector<1x1x16xf32>,
        %get3A_613 = arith.constant 1 : i32
        %get3A_614 = arith.index_cast %get3A_613 : i32 to index
        %get3A_615 = arith.index_cast %scan3A_595 : i32 to index
        %get3A_616 = arith.constant 16 : index
        %get3A_617 = tpu.vector_load %arg8[%get3A_614, %get3A_615, %get3A_616] {strides = array<i32>} : memref<5x128x64xf32, #tpu.memory_space<vmem>>, vector<1x1x16xf32>,
        %get3A_618 = vector.shape_cast %get3A_617 : vector<1x1x16xf32> to vector<16xf32>
        %mul3A_619 = arith.constant 8.000000e+00 : f32
        %mul3A_620 = vector.broadcast %mul3A_619 : f32 to vector<16xf32>
        %mul3A_621 = arith.mulf %get3A_618, %mul3A_620 : vector<16xf32>
        %add3A_622 = arith.addf %mul3A_621, %get3A_292 : vector<16xf32>
        %swap3A_623 = arith.constant 1 : i32
        %swap3A_624 = arith.index_cast %swap3A_623 : i32 to index
        %swap3A_625 = arith.index_cast %scan3A_595 : i32 to index
        %swap3A_626 = arith.constant 16 : index
        %swap3A_627 = tpu.vector_load %arg8[%swap3A_624, %swap3A_625, %swap3A_626] {strides = array<i32>} : memref<5x128x64xf32, #tpu.memory_space<vmem>>, vector<1x1x16xf32>,
        %swap3A_628 = vector.shape_cast %swap3A_627 : vector<1x1x16xf32> to vector<16xf32>
        %swap3A_629 = vector.shape_cast %add3A_622 : vector<16xf32> to vector<1x1x16xf32>
        tpu.vector_store %arg8[%swap3A_624, %swap3A_625, %swap3A_626], %swap3A_629 {strides = array<i32>} : memref<5x128x64xf32, #tpu.memory_space<vmem>>, vector<1x1x16xf32>,
        %get3A_630 = arith.constant 1 : i32
        %get3A_631 = arith.index_cast %get3A_630 : i32 to index
        %get3A_632 = arith.index_cast %scan3A_595 : i32 to index
        %get3A_633 = arith.constant 32 : index
        %get3A_634 = tpu.vector_load %arg8[%get3A_631, %get3A_632, %get3A_633] {strides = array<i32>} : memref<5x128x64xf32, #tpu.memory_space<vmem>>, vector<1x1x16xf32>,
        %get3A_635 = vector.shape_cast %get3A_634 : vector<1x1x16xf32> to vector<16xf32>
        %mul3A_636 = arith.constant 8.000000e+00 : f32
        %mul3A_637 = vector.broadcast %mul3A_636 : f32 to vector<16xf32>
        %mul3A_638 = arith.mulf %get3A_635, %mul3A_637 : vector<16xf32>
        %add3A_639 = arith.addf %mul3A_638, %get3A_296 : vector<16xf32>
        %swap3A_640 = arith.constant 1 : i32
        %swap3A_641 = arith.index_cast %swap3A_640 : i32 to index
        %swap3A_642 = arith.index_cast %scan3A_595 : i32 to index
        %swap3A_643 = arith.constant 32 : index
        %swap3A_644 = tpu.vector_load %arg8[%swap3A_641, %swap3A_642, %swap3A_643] {strides = array<i32>} : memref<5x128x64xf32, #tpu.memory_space<vmem>>, vector<1x1x16xf32>,
        %swap3A_645 = vector.shape_cast %swap3A_644 : vector<1x1x16xf32> to vector<16xf32>
        %swap3A_646 = vector.shape_cast %add3A_639 : vector<16xf32> to vector<1x1x16xf32>
        tpu.vector_store %arg8[%swap3A_641, %swap3A_642, %swap3A_643], %swap3A_646 {strides = array<i32>} : memref<5x128x64xf32, #tpu.memory_space<vmem>>, vector<1x1x16xf32>,
        %get3A_647 = arith.constant 1 : i32
        %get3A_648 = arith.index_cast %get3A_647 : i32 to index
        %get3A_649 = arith.index_cast %scan3A_595 : i32 to index
        %get3A_650 = arith.constant 48 : index
        %get3A_651 = tpu.vector_load %arg8[%get3A_648, %get3A_649, %get3A_650] {strides = array<i32>} : memref<5x128x64xf32, #tpu.memory_space<vmem>>, vector<1x1x16xf32>,
        %get3A_652 = vector.shape_cast %get3A_651 : vector<1x1x16xf32> to vector<16xf32>
        %mul3A_653 = arith.constant 8.000000e+00 : f32
        %mul3A_654 = vector.broadcast %mul3A_653 : f32 to vector<16xf32>
        %mul3A_655 = arith.mulf %get3A_652, %mul3A_654 : vector<16xf32>
        %add3A_656 = arith.addf %mul3A_655, %get3A_300 : vector<16xf32>
        %swap3A_657 = arith.constant 1 : i32
        %swap3A_658 = arith.index_cast %swap3A_657 : i32 to index
        %swap3A_659 = arith.index_cast %scan3A_595 : i32 to index
        %swap3A_660 = arith.constant 48 : index
        %swap3A_661 = tpu.vector_load %arg8[%swap3A_658, %swap3A_659, %swap3A_660] {strides = array<i32>} : memref<5x128x64xf32, #tpu.memory_space<vmem>>, vector<1x1x16xf32>,
        %swap3A_662 = vector.shape_cast %swap3A_661 : vector<1x1x16xf32> to vector<16xf32>
        %swap3A_663 = vector.shape_cast %add3A_656 : vector<16xf32> to vector<1x1x16xf32>
        tpu.vector_store %arg8[%swap3A_658, %swap3A_659, %swap3A_660], %swap3A_663 {strides = array<i32>} : memref<5x128x64xf32, #tpu.memory_space<vmem>>, vector<1x1x16xf32>,
        %scan3A_664 = arith.constant 2 : i32
        %scan3A_665 = arith.addi %scan3A_526, %scan3A_664 : i32
        %get3A_666 = arith.constant 1 : i32
        %get3A_667 = arith.index_cast %get3A_666 : i32 to index
        %get3A_668 = arith.index_cast %scan3A_665 : i32 to index
        %get3A_669 = arith.constant 0 : index
        %get3A_670 = tpu.vector_load %arg8[%get3A_667, %get3A_668, %get3A_669] {strides = array<i32>} : memref<5x128x64xf32, #tpu.memory_space<vmem>>, vector<1x1x16xf32>,
        %get3A_671 = vector.shape_cast %get3A_670 : vector<1x1x16xf32> to vector<16xf32>
        %mul3A_672 = arith.constant 8.000000e+00 : f32
        %mul3A_673 = vector.broadcast %mul3A_672 : f32 to vector<16xf32>
        %mul3A_674 = arith.mulf %get3A_671, %mul3A_673 : vector<16xf32>
        %add3A_675 = arith.addf %mul3A_674, %get3A_288 : vector<16xf32>
        %swap3A_676 = arith.constant 1 : i32
        %swap3A_677 = arith.index_cast %swap3A_676 : i32 to index
        %swap3A_678 = arith.index_cast %scan3A_665 : i32 to index
        %swap3A_679 = arith.constant 0 : index
        %swap3A_680 = tpu.vector_load %arg8[%swap3A_677, %swap3A_678, %swap3A_679] {strides = array<i32>} : memref<5x128x64xf32, #tpu.memory_space<vmem>>, vector<1x1x16xf32>,
        %swap3A_681 = vector.shape_cast %swap3A_680 : vector<1x1x16xf32> to vector<16xf32>
        %swap3A_682 = vector.shape_cast %add3A_675 : vector<16xf32> to vector<1x1x16xf32>
        tpu.vector_store %arg8[%swap3A_677, %swap3A_678, %swap3A_679], %swap3A_682 {strides = array<i32>} : memref<5x128x64xf32, #tpu.memory_space<vmem>>, vector<1x1x16xf32>,
        %get3A_683 = arith.constant 1 : i32
        %get3A_684 = arith.index_cast %get3A_683 : i32 to index
        %get3A_685 = arith.index_cast %scan3A_665 : i32 to index
        %get3A_686 = arith.constant 16 : index
        %get3A_687 = tpu.vector_load %arg8[%get3A_684, %get3A_685, %get3A_686] {strides = array<i32>} : memref<5x128x64xf32, #tpu.memory_space<vmem>>, vector<1x1x16xf32>,
        %get3A_688 = vector.shape_cast %get3A_687 : vector<1x1x16xf32> to vector<16xf32>
        %mul3A_689 = arith.constant 8.000000e+00 : f32
        %mul3A_690 = vector.broadcast %mul3A_689 : f32 to vector<16xf32>
        %mul3A_691 = arith.mulf %get3A_688, %mul3A_690 : vector<16xf32>
        %add3A_692 = arith.addf %mul3A_691, %get3A_292 : vector<16xf32>
        %swap3A_693 = arith.constant 1 : i32
        %swap3A_694 = arith.index_cast %swap3A_693 : i32 to index
        %swap3A_695 = arith.index_cast %scan3A_665 : i32 to index
        %swap3A_696 = arith.constant 16 : index
        %swap3A_697 = tpu.vector_load %arg8[%swap3A_694, %swap3A_695, %swap3A_696] {strides = array<i32>} : memref<5x128x64xf32, #tpu.memory_space<vmem>>, vector<1x1x16xf32>,
        %swap3A_698 = vector.shape_cast %swap3A_697 : vector<1x1x16xf32> to vector<16xf32>
        %swap3A_699 = vector.shape_cast %add3A_692 : vector<16xf32> to vector<1x1x16xf32>
        tpu.vector_store %arg8[%swap3A_694, %swap3A_695, %swap3A_696], %swap3A_699 {strides = array<i32>} : memref<5x128x64xf32, #tpu.memory_space<vmem>>, vector<1x1x16xf32>,
        %get3A_700 = arith.constant 1 : i32
        %get3A_701 = arith.index_cast %get3A_700 : i32 to index
        %get3A_702 = arith.index_cast %scan3A_665 : i32 to index
        %get3A_703 = arith.constant 32 : index
        %get3A_704 = tpu.vector_load %arg8[%get3A_701, %get3A_702, %get3A_703] {strides = array<i32>} : memref<5x128x64xf32, #tpu.memory_space<vmem>>, vector<1x1x16xf32>,
        %get3A_705 = vector.shape_cast %get3A_704 : vector<1x1x16xf32> to vector<16xf32>
        %mul3A_706 = arith.constant 8.000000e+00 : f32
        %mul3A_707 = vector.broadcast %mul3A_706 : f32 to vector<16xf32>
        %mul3A_708 = arith.mulf %get3A_705, %mul3A_707 : vector<16xf32>
        %add3A_709 = arith.addf %mul3A_708, %get3A_296 : vector<16xf32>
        %swap3A_710 = arith.constant 1 : i32
        %swap3A_711 = arith.index_cast %swap3A_710 : i32 to index
        %swap3A_712 = arith.index_cast %scan3A_665 : i32 to index
        %swap3A_713 = arith.constant 32 : index
        %swap3A_714 = tpu.vector_load %arg8[%swap3A_711, %swap3A_712, %swap3A_713] {strides = array<i32>} : memref<5x128x64xf32, #tpu.memory_space<vmem>>, vector<1x1x16xf32>,
        %swap3A_715 = vector.shape_cast %swap3A_714 : vector<1x1x16xf32> to vector<16xf32>
        %swap3A_716 = vector.shape_cast %add3A_709 : vector<16xf32> to vector<1x1x16xf32>
        tpu.vector_store %arg8[%swap3A_711, %swap3A_712, %swap3A_713], %swap3A_716 {strides = array<i32>} : memref<5x128x64xf32, #tpu.memory_space<vmem>>, vector<1x1x16xf32>,
        %get3A_717 = arith.constant 1 : i32
        %get3A_718 = arith.index_cast %get3A_717 : i32 to index
        %get3A_719 = arith.index_cast %scan3A_665 : i32 to index
        %get3A_720 = arith.constant 48 : index
        %get3A_721 = tpu.vector_load %arg8[%get3A_718, %get3A_719, %get3A_720] {strides = array<i32>} : memref<5x128x64xf32, #tpu.memory_space<vmem>>, vector<1x1x16xf32>,
        %get3A_722 = vector.shape_cast %get3A_721 : vector<1x1x16xf32> to vector<16xf32>
        %mul3A_723 = arith.constant 8.000000e+00 : f32
        %mul3A_724 = vector.broadcast %mul3A_723 : f32 to vector<16xf32>
        %mul3A_725 = arith.mulf %get3A_722, %mul3A_724 : vector<16xf32>
        %add3A_726 = arith.addf %mul3A_725, %get3A_300 : vector<16xf32>
        %swap3A_727 = arith.constant 1 : i32
        %swap3A_728 = arith.index_cast %swap3A_727 : i32 to index
        %swap3A_729 = arith.index_cast %scan3A_665 : i32 to index
        %swap3A_730 = arith.constant 48 : index
        %swap3A_731 = tpu.vector_load %arg8[%swap3A_728, %swap3A_729, %swap3A_730] {strides = array<i32>} : memref<5x128x64xf32, #tpu.memory_space<vmem>>, vector<1x1x16xf32>,
        %swap3A_732 = vector.shape_cast %swap3A_731 : vector<1x1x16xf32> to vector<16xf32>
        %swap3A_733 = vector.shape_cast %add3A_726 : vector<16xf32> to vector<1x1x16xf32>
        tpu.vector_store %arg8[%swap3A_728, %swap3A_729, %swap3A_730], %swap3A_733 {strides = array<i32>} : memref<5x128x64xf32, #tpu.memory_space<vmem>>, vector<1x1x16xf32>,
        %scan3A_734 = arith.constant 3 : i32
        %scan3A_735 = arith.addi %scan3A_526, %scan3A_734 : i32
        %get3A_736 = arith.constant 1 : i32
        %get3A_737 = arith.index_cast %get3A_736 : i32 to index
        %get3A_738 = arith.index_cast %scan3A_735 : i32 to index
        %get3A_739 = arith.constant 0 : index
        %get3A_740 = tpu.vector_load %arg8[%get3A_737, %get3A_738, %get3A_739] {strides = array<i32>} : memref<5x128x64xf32, #tpu.memory_space<vmem>>, vector<1x1x16xf32>,
        %get3A_741 = vector.shape_cast %get3A_740 : vector<1x1x16xf32> to vector<16xf32>
        %mul3A_742 = arith.constant 8.000000e+00 : f32
        %mul3A_743 = vector.broadcast %mul3A_742 : f32 to vector<16xf32>
        %mul3A_744 = arith.mulf %get3A_741, %mul3A_743 : vector<16xf32>
        %add3A_745 = arith.addf %mul3A_744, %get3A_288 : vector<16xf32>
        %swap3A_746 = arith.constant 1 : i32
        %swap3A_747 = arith.index_cast %swap3A_746 : i32 to index
        %swap3A_748 = arith.index_cast %scan3A_735 : i32 to index
        %swap3A_749 = arith.constant 0 : index
        %swap3A_750 = tpu.vector_load %arg8[%swap3A_747, %swap3A_748, %swap3A_749] {strides = array<i32>} : memref<5x128x64xf32, #tpu.memory_space<vmem>>, vector<1x1x16xf32>,
        %swap3A_751 = vector.shape_cast %swap3A_750 : vector<1x1x16xf32> to vector<16xf32>
        %swap3A_752 = vector.shape_cast %add3A_745 : vector<16xf32> to vector<1x1x16xf32>
        tpu.vector_store %arg8[%swap3A_747, %swap3A_748, %swap3A_749], %swap3A_752 {strides = array<i32>} : memref<5x128x64xf32, #tpu.memory_space<vmem>>, vector<1x1x16xf32>,
        %get3A_753 = arith.constant 1 : i32
        %get3A_754 = arith.index_cast %get3A_753 : i32 to index
        %get3A_755 = arith.index_cast %scan3A_735 : i32 to index
        %get3A_756 = arith.constant 16 : index
        %get3A_757 = tpu.vector_load %arg8[%get3A_754, %get3A_755, %get3A_756] {strides = array<i32>} : memref<5x128x64xf32, #tpu.memory_space<vmem>>, vector<1x1x16xf32>,
        %get3A_758 = vector.shape_cast %get3A_757 : vector<1x1x16xf32> to vector<16xf32>
        %mul3A_759 = arith.constant 8.000000e+00 : f32
        %mul3A_760 = vector.broadcast %mul3A_759 : f32 to vector<16xf32>
        %mul3A_761 = arith.mulf %get3A_758, %mul3A_760 : vector<16xf32>
        %add3A_762 = arith.addf %mul3A_761, %get3A_292 : vector<16xf32>
        %swap3A_763 = arith.constant 1 : i32
        %swap3A_764 = arith.index_cast %swap3A_763 : i32 to index
        %swap3A_765 = arith.index_cast %scan3A_735 : i32 to index
        %swap3A_766 = arith.constant 16 : index
        %swap3A_767 = tpu.vector_load %arg8[%swap3A_764, %swap3A_765, %swap3A_766] {strides = array<i32>} : memref<5x128x64xf32, #tpu.memory_space<vmem>>, vector<1x1x16xf32>,
        %swap3A_768 = vector.shape_cast %swap3A_767 : vector<1x1x16xf32> to vector<16xf32>
        %swap3A_769 = vector.shape_cast %add3A_762 : vector<16xf32> to vector<1x1x16xf32>
        tpu.vector_store %arg8[%swap3A_764, %swap3A_765, %swap3A_766], %swap3A_769 {strides = array<i32>} : memref<5x128x64xf32, #tpu.memory_space<vmem>>, vector<1x1x16xf32>,
        %get3A_770 = arith.constant 1 : i32
        %get3A_771 = arith.index_cast %get3A_770 : i32 to index
        %get3A_772 = arith.index_cast %scan3A_735 : i32 to index
        %get3A_773 = arith.constant 32 : index
        %get3A_774 = tpu.vector_load %arg8[%get3A_771, %get3A_772, %get3A_773] {strides = array<i32>} : memref<5x128x64xf32, #tpu.memory_space<vmem>>, vector<1x1x16xf32>,
        %get3A_775 = vector.shape_cast %get3A_774 : vector<1x1x16xf32> to vector<16xf32>
        %mul3A_776 = arith.constant 8.000000e+00 : f32
        %mul3A_777 = vector.broadcast %mul3A_776 : f32 to vector<16xf32>
        %mul3A_778 = arith.mulf %get3A_775, %mul3A_777 : vector<16xf32>
        %add3A_779 = arith.addf %mul3A_778, %get3A_296 : vector<16xf32>
        %swap3A_780 = arith.constant 1 : i32
        %swap3A_781 = arith.index_cast %swap3A_780 : i32 to index
        %swap3A_782 = arith.index_cast %scan3A_735 : i32 to index
        %swap3A_783 = arith.constant 32 : index
        %swap3A_784 = tpu.vector_load %arg8[%swap3A_781, %swap3A_782, %swap3A_783] {strides = array<i32>} : memref<5x128x64xf32, #tpu.memory_space<vmem>>, vector<1x1x16xf32>,
        %swap3A_785 = vector.shape_cast %swap3A_784 : vector<1x1x16xf32> to vector<16xf32>
        %swap3A_786 = vector.shape_cast %add3A_779 : vector<16xf32> to vector<1x1x16xf32>
        tpu.vector_store %arg8[%swap3A_781, %swap3A_782, %swap3A_783], %swap3A_786 {strides = array<i32>} : memref<5x128x64xf32, #tpu.memory_space<vmem>>, vector<1x1x16xf32>,
        %get3A_787 = arith.constant 1 : i32
        %get3A_788 = arith.index_cast %get3A_787 : i32 to index
        %get3A_789 = arith.index_cast %scan3A_735 : i32 to index
        %get3A_790 = arith.constant 48 : index
        %get3A_791 = tpu.vector_load %arg8[%get3A_788, %get3A_789, %get3A_790] {strides = array<i32>} : memref<5x128x64xf32, #tpu.memory_space<vmem>>, vector<1x1x16xf32>,
        %get3A_792 = vector.shape_cast %get3A_791 : vector<1x1x16xf32> to vector<16xf32>
        %mul3A_793 = arith.constant 8.000000e+00 : f32
        %mul3A_794 = vector.broadcast %mul3A_793 : f32 to vector<16xf32>
        %mul3A_795 = arith.mulf %get3A_792, %mul3A_794 : vector<16xf32>
        %add3A_796 = arith.addf %mul3A_795, %get3A_300 : vector<16xf32>
        %swap3A_797 = arith.constant 1 : i32
        %swap3A_798 = arith.index_cast %swap3A_797 : i32 to index
        %swap3A_799 = arith.index_cast %scan3A_735 : i32 to index
        %swap3A_800 = arith.constant 48 : index
        %swap3A_801 = tpu.vector_load %arg8[%swap3A_798, %swap3A_799, %swap3A_800] {strides = array<i32>} : memref<5x128x64xf32, #tpu.memory_space<vmem>>, vector<1x1x16xf32>,
        %swap3A_802 = vector.shape_cast %swap3A_801 : vector<1x1x16xf32> to vector<16xf32>
        %swap3A_803 = vector.shape_cast %add3A_796 : vector<16xf32> to vector<1x1x16xf32>
        tpu.vector_store %arg8[%swap3A_798, %swap3A_799, %swap3A_800], %swap3A_803 {strides = array<i32>} : memref<5x128x64xf32, #tpu.memory_space<vmem>>, vector<1x1x16xf32>,
      }
      %scan3A_305 = arith.constant 128 : i32
      %dma_start3A_306 = arith.constant 1 : i32
      %dma_start3A_307 = arith.constant 0 : i32
      %dma_start3A_308 = arith.constant 0 : i32
      %dma_start3A_309 = tpu.memref_slice %arg8[%dma_start3A_306, %dma_start3A_307, %dma_start3A_308] : memref<5x128x64xf32, #tpu.memory_space<vmem>> -> memref<1x128x64xf32, #tpu.memory_space<vmem>>
      %dma_start3A_310 = tpu.memref_squeeze %dma_start3A_309 : memref<1x128x64xf32, #tpu.memory_space<vmem>> -> memref<128x64xf32, #tpu.memory_space<vmem>>
      %dma_start3A_311 = arith.constant 0 : i32
      %dma_start3A_312 = tpu.memref_slice %arg5[%multiple_of3A_273, %div3A_268, %dma_start3A_311] : memref<1024x200x64xf32, #tpu.memory_space<hbm>> -> memref<128x1x64xf32, #tpu.memory_space<hbm>>
      %dma_start3A_313 = tpu.memref_squeeze %dma_start3A_312 : memref<128x1x64xf32, #tpu.memory_space<hbm>> -> memref<128x64xf32, #tpu.memory_space<hbm>>
      %dma_start3A_314 = arith.constant 0 : i32
      %dma_start3A_315 = tpu.memref_slice %arg5[%multiple_of3A_273, %div3A_268, %dma_start3A_314] : memref<1024x200x64xf32, #tpu.memory_space<hbm>> -> memref<128x1x64xf32, #tpu.memory_space<hbm>>
      %dma_start3A_316 = tpu.memref_squeeze %dma_start3A_315 : memref<128x1x64xf32, #tpu.memory_space<hbm>> -> memref<128x64xf32, #tpu.memory_space<hbm>>
      %dma_start3A_317 = arith.constant 0 : i32
      %dma_start3A_318 = arith.constant 0 : i32
      %dma_start3A_319 = tpu.memref_slice %arg8[%dma_start3A_306, %dma_start3A_317, %dma_start3A_318] : memref<5x128x64xf32, #tpu.memory_space<vmem>> -> memref<1x128x64xf32, #tpu.memory_space<vmem>>
      %dma_start3A_320 = tpu.memref_squeeze %dma_start3A_319 : memref<1x128x64xf32, #tpu.memory_space<vmem>> -> memref<128x64xf32, #tpu.memory_space<vmem>>
      tpu.enqueue_dma source(%dma_start3A_320 : memref<128x64xf32, #tpu.memory_space<vmem>>) target(%dma_start3A_316 : memref<128x64xf32, #tpu.memory_space<hbm>>) target_semaphore(%arg15 : memref<!tpu.dma_semaphore, #tpu.memory_space<semaphore_mem>>)
      %add3A_321 = arith.constant 1 : i32
      %add3A_322 = arith.addi %scan3A_199, %add3A_321 : i32
      %lt3A_323 = arith.constant 10 : i32
      %lt3A_324 = arith.cmpi slt, %add3A_322, %lt3A_323 : i32
      %convert_element_type3A_325 = arith.extui %lt3A_324 : i1 to i32
      %cond3A_326 = arith.constant 0 : i32
      %cond3A_327 = arith.cmpi ne, %convert_element_type3A_325, %cond3A_326 : i32
      scf.if %cond3A_327 {
        %dma_wait3A_526 = arith.constant 1 : i32
        %dma_wait3A_527 = arith.constant 0 : i32
        %dma_wait3A_528 = arith.constant 0 : i32
        %dma_wait3A_529 = tpu.memref_slice %arg8[%dma_wait3A_526, %dma_wait3A_527, %dma_wait3A_528] : memref<5x128x64xf32, #tpu.memory_space<vmem>> -> memref<1x128x64xf32, #tpu.memory_space<vmem>>
        %dma_wait3A_530 = tpu.memref_squeeze %dma_wait3A_529 : memref<1x128x64xf32, #tpu.memory_space<vmem>> -> memref<128x64xf32, #tpu.memory_space<vmem>>
        %dma_wait3A_531 = arith.constant 0 : i32
        %dma_wait3A_532 = tpu.memref_slice %arg5[%multiple_of3A_273, %div3A_268, %dma_wait3A_531] : memref<1024x200x64xf32, #tpu.memory_space<hbm>> -> memref<128x1x64xf32, #tpu.memory_space<hbm>>
        %dma_wait3A_533 = tpu.memref_squeeze %dma_wait3A_532 : memref<128x1x64xf32, #tpu.memory_space<hbm>> -> memref<128x64xf32, #tpu.memory_space<hbm>>
        %dma_wait3A_534 = arith.constant 0 : i32
        %dma_wait3A_535 = tpu.memref_slice %arg5[%multiple_of3A_273, %div3A_268, %dma_wait3A_534] : memref<1024x200x64xf32, #tpu.memory_space<hbm>> -> memref<128x1x64xf32, #tpu.memory_space<hbm>>
        %dma_wait3A_536 = tpu.memref_squeeze %dma_wait3A_535 : memref<128x1x64xf32, #tpu.memory_space<hbm>> -> memref<128x64xf32, #tpu.memory_space<hbm>>
        %dma_wait3A_537 = arith.constant 0 : i32
        %dma_wait3A_538 = arith.constant 0 : i32
        %dma_wait3A_539 = tpu.memref_slice %arg8[%dma_wait3A_526, %dma_wait3A_537, %dma_wait3A_538] : memref<5x128x64xf32, #tpu.memory_space<vmem>> -> memref<1x128x64xf32, #tpu.memory_space<vmem>>
        %dma_wait3A_540 = tpu.memref_squeeze %dma_wait3A_539 : memref<1x128x64xf32, #tpu.memory_space<vmem>> -> memref<128x64xf32, #tpu.memory_space<vmem>>
        tpu.wait_dma2 semaphore(%arg15 : memref<!tpu.dma_semaphore, #tpu.memory_space<semaphore_mem>>) src(%dma_wait3A_540 : memref<128x64xf32, #tpu.memory_space<vmem>>) dst(%dma_wait3A_536 : memref<128x64xf32, #tpu.memory_space<hbm>>)
        %add3A_541 = arith.constant 5 : i32
        %add3A_542 = arith.addi %add3A_265, %add3A_541 : i32
        %dma_start3A_543 = arith.constant 1 : i32
        %dma_start3A_544 = arith.constant 0 : i32
        %dma_start3A_545 = arith.constant 0 : i32
        %dma_start3A_546 = tpu.memref_slice %arg8[%dma_start3A_543, %dma_start3A_544, %dma_start3A_545] : memref<5x128x64xf32, #tpu.memory_space<vmem>> -> memref<1x128x64xf32, #tpu.memory_space<vmem>>
        %dma_start3A_547 = tpu.memref_squeeze %dma_start3A_546 : memref<1x128x64xf32, #tpu.memory_space<vmem>> -> memref<128x64xf32, #tpu.memory_space<vmem>>
        %dma_start3A_548 = arith.constant 0 : i32
        %dma_start3A_549 = tpu.memref_slice %arg6[%add3A_542, %dma_start3A_548] : memref<50x128xi32, #tpu.memory_space<vmem>> -> memref<1x128xi32, #tpu.memory_space<vmem>>
        %dma_start3A_550 = tpu.memref_squeeze %dma_start3A_549 : memref<1x128xi32, #tpu.memory_space<vmem>> -> memref<128xi32, #tpu.memory_space<vmem>>
        %dma_start3A_551 = arith.constant 0 : i32
        %dma_start3A_552 = arith.constant 0 : i32
        %dma_start3A_553 = tpu.memref_slice %arg2[%dma_start3A_551, %dma_start3A_552] : memref<1000000x64xf32, #tpu.memory_space<hbm>> -> memref<1000000x64xf32, #tpu.memory_space<hbm>>
        tpu.enqueue_indirect_dma source(%dma_start3A_553 : memref<1000000x64xf32, #tpu.memory_space<hbm>>) target(%dma_start3A_547 : memref<128x64xf32, #tpu.memory_space<vmem>>) offsets(%dma_start3A_550 : memref<128xi32, #tpu.memory_space<vmem>>) semaphore(%arg10 : memref<!tpu.dma_semaphore, #tpu.memory_space<semaphore_mem>>)
      } else {
      }
      %mul3A_328 = arith.constant 5 : i32
      %mul3A_329 = arith.muli %scan3A_199, %mul3A_328 : i32
      %add3A_330 = arith.constant 2 : i32
      %add3A_331 = arith.addi %mul3A_329, %add3A_330 : i32
      %add3A_332 = arith.addi %mul3A_2, %add3A_331 : i32
      %div3A_333 = arith.constant 8 : i32
      %div3A_334 = arith.divsi %add3A_332, %div3A_333 : i32
      %rem3A_335 = arith.constant 8 : i32
      %rem3A_336 = arith.remsi %add3A_332, %rem3A_335 : i32
      %mul3A_337 = arith.constant 128 : i32
      %mul3A_338 = arith.muli %rem3A_336, %mul3A_337 : i32
      %multiple_of3A_339 = tpu.assume_multiple %mul3A_338, 128 : i32
      %dma_wait3A_340 = arith.constant 2 : i32
      %dma_wait3A_341 = arith.constant 0 : i32
      %dma_wait3A_342 = arith.constant 0 : i32
      %dma_wait3A_343 = tpu.memref_slice %arg8[%dma_wait3A_340, %dma_wait3A_341, %dma_wait3A_342] : memref<5x128x64xf32, #tpu.memory_space<vmem>> -> memref<1x128x64xf32, #tpu.memory_space<vmem>>
      %dma_wait3A_344 = tpu.memref_squeeze %dma_wait3A_343 : memref<1x128x64xf32, #tpu.memory_space<vmem>> -> memref<128x64xf32, #tpu.memory_space<vmem>>
      %dma_wait3A_345 = arith.constant 0 : i32
      %dma_wait3A_346 = tpu.memref_slice %arg6[%add3A_331, %dma_wait3A_345] : memref<50x128xi32, #tpu.memory_space<vmem>> -> memref<1x128xi32, #tpu.memory_space<vmem>>
      %dma_wait3A_347 = tpu.memref_squeeze %dma_wait3A_346 : memref<1x128xi32, #tpu.memory_space<vmem>> -> memref<128xi32, #tpu.memory_space<vmem>>
      %dma_wait3A_348 = arith.constant 0 : i32
      %dma_wait3A_349 = arith.constant 0 : i32
      %dma_wait3A_350 = tpu.memref_slice %arg2[%dma_wait3A_348, %dma_wait3A_349] : memref<1000000x64xf32, #tpu.memory_space<hbm>> -> memref<1000000x64xf32, #tpu.memory_space<hbm>>
      tpu.wait_indirect_dma semaphore(%arg11 : memref<!tpu.dma_semaphore, #tpu.memory_space<semaphore_mem>>) src(%dma_wait3A_350 : memref<1000000x64xf32, #tpu.memory_space<hbm>>) dst(%dma_wait3A_344 : memref<128x64xf32, #tpu.memory_space<vmem>>)
      %get3A_351 = arith.index_cast %div3A_334 : i32 to index
      %get3A_352 = arith.constant 0 : index
      %get3A_353 = tpu.vector_load %arg7[%get3A_351, %get3A_352] {strides = array<i32>} : memref<200x64xf32, #tpu.memory_space<vmem>>, vector<1x16xf32>,
      %get3A_354 = vector.shape_cast %get3A_353 : vector<1x16xf32> to vector<16xf32>
      %get3A_355 = arith.index_cast %div3A_334 : i32 to index
      %get3A_356 = arith.constant 16 : index
      %get3A_357 = tpu.vector_load %arg7[%get3A_355, %get3A_356] {strides = array<i32>} : memref<200x64xf32, #tpu.memory_space<vmem>>, vector<1x16xf32>,
      %get3A_358 = vector.shape_cast %get3A_357 : vector<1x16xf32> to vector<16xf32>
      %get3A_359 = arith.index_cast %div3A_334 : i32 to index
      %get3A_360 = arith.constant 32 : index
      %get3A_361 = tpu.vector_load %arg7[%get3A_359, %get3A_360] {strides = array<i32>} : memref<200x64xf32, #tpu.memory_space<vmem>>, vector<1x16xf32>,
      %get3A_362 = vector.shape_cast %get3A_361 : vector<1x16xf32> to vector<16xf32>
      %get3A_363 = arith.index_cast %div3A_334 : i32 to index
      %get3A_364 = arith.constant 48 : index
      %get3A_365 = tpu.vector_load %arg7[%get3A_363, %get3A_364] {strides = array<i32>} : memref<200x64xf32, #tpu.memory_space<vmem>>, vector<1x16xf32>,
      %get3A_366 = vector.shape_cast %get3A_365 : vector<1x16xf32> to vector<16xf32>
      %scan3A_367 = arith.constant 0 : i32
      %scan3A_368 = arith.constant 128 : i32
      %scan3A_369 = arith.addi %scan3A_367, %scan3A_368 : i32
      %scan3A_370 = arith.constant 4 : i32
      scf.for %scan3A_526 = %scan3A_367 to %scan3A_369 step %scan3A_370  : i32 {
        %get3A_527 = arith.constant 2 : i32
        %get3A_528 = arith.index_cast %get3A_527 : i32 to index
        %get3A_529 = arith.index_cast %scan3A_526 : i32 to index
        %get3A_530 = arith.constant 0 : index
        %get3A_531 = tpu.vector_load %arg8[%get3A_528, %get3A_529, %get3A_530] {strides = array<i32>} : memref<5x128x64xf32, #tpu.memory_space<vmem>>, vector<1x1x16xf32>,
        %get3A_532 = vector.shape_cast %get3A_531 : vector<1x1x16xf32> to vector<16xf32>
        %mul3A_533 = arith.constant 8.000000e+00 : f32
        %mul3A_534 = vector.broadcast %mul3A_533 : f32 to vector<16xf32>
        %mul3A_535 = arith.mulf %get3A_532, %mul3A_534 : vector<16xf32>
        %add3A_536 = arith.addf %mul3A_535, %get3A_354 : vector<16xf32>
        %swap3A = arith.constant 2 : i32
        %swap3A_537 = arith.index_cast %swap3A : i32 to index
        %swap3A_538 = arith.index_cast %scan3A_526 : i32 to index
        %swap3A_539 = arith.constant 0 : index
        %swap3A_540 = tpu.vector_load %arg8[%swap3A_537, %swap3A_538, %swap3A_539] {strides = array<i32>} : memref<5x128x64xf32, #tpu.memory_space<vmem>>, vector<1x1x16xf32>,
        %swap3A_541 = vector.shape_cast %swap3A_540 : vector<1x1x16xf32> to vector<16xf32>
        %swap3A_542 = vector.shape_cast %add3A_536 : vector<16xf32> to vector<1x1x16xf32>
        tpu.vector_store %arg8[%swap3A_537, %swap3A_538, %swap3A_539], %swap3A_542 {strides = array<i32>} : memref<5x128x64xf32, #tpu.memory_space<vmem>>, vector<1x1x16xf32>,
        %get3A_543 = arith.constant 2 : i32
        %get3A_544 = arith.index_cast %get3A_543 : i32 to index
        %get3A_545 = arith.index_cast %scan3A_526 : i32 to index
        %get3A_546 = arith.constant 16 : index
        %get3A_547 = tpu.vector_load %arg8[%get3A_544, %get3A_545, %get3A_546] {strides = array<i32>} : memref<5x128x64xf32, #tpu.memory_space<vmem>>, vector<1x1x16xf32>,
        %get3A_548 = vector.shape_cast %get3A_547 : vector<1x1x16xf32> to vector<16xf32>
        %mul3A_549 = arith.constant 8.000000e+00 : f32
        %mul3A_550 = vector.broadcast %mul3A_549 : f32 to vector<16xf32>
        %mul3A_551 = arith.mulf %get3A_548, %mul3A_550 : vector<16xf32>
        %add3A_552 = arith.addf %mul3A_551, %get3A_358 : vector<16xf32>
        %swap3A_553 = arith.constant 2 : i32
        %swap3A_554 = arith.index_cast %swap3A_553 : i32 to index
        %swap3A_555 = arith.index_cast %scan3A_526 : i32 to index
        %swap3A_556 = arith.constant 16 : index
        %swap3A_557 = tpu.vector_load %arg8[%swap3A_554, %swap3A_555, %swap3A_556] {strides = array<i32>} : memref<5x128x64xf32, #tpu.memory_space<vmem>>, vector<1x1x16xf32>,
        %swap3A_558 = vector.shape_cast %swap3A_557 : vector<1x1x16xf32> to vector<16xf32>
        %swap3A_559 = vector.shape_cast %add3A_552 : vector<16xf32> to vector<1x1x16xf32>
        tpu.vector_store %arg8[%swap3A_554, %swap3A_555, %swap3A_556], %swap3A_559 {strides = array<i32>} : memref<5x128x64xf32, #tpu.memory_space<vmem>>, vector<1x1x16xf32>,
        %get3A_560 = arith.constant 2 : i32
        %get3A_561 = arith.index_cast %get3A_560 : i32 to index
        %get3A_562 = arith.index_cast %scan3A_526 : i32 to index
        %get3A_563 = arith.constant 32 : index
        %get3A_564 = tpu.vector_load %arg8[%get3A_561, %get3A_562, %get3A_563] {strides = array<i32>} : memref<5x128x64xf32, #tpu.memory_space<vmem>>, vector<1x1x16xf32>,
        %get3A_565 = vector.shape_cast %get3A_564 : vector<1x1x16xf32> to vector<16xf32>
        %mul3A_566 = arith.constant 8.000000e+00 : f32
        %mul3A_567 = vector.broadcast %mul3A_566 : f32 to vector<16xf32>
        %mul3A_568 = arith.mulf %get3A_565, %mul3A_567 : vector<16xf32>
        %add3A_569 = arith.addf %mul3A_568, %get3A_362 : vector<16xf32>
        %swap3A_570 = arith.constant 2 : i32
        %swap3A_571 = arith.index_cast %swap3A_570 : i32 to index
        %swap3A_572 = arith.index_cast %scan3A_526 : i32 to index
        %swap3A_573 = arith.constant 32 : index
        %swap3A_574 = tpu.vector_load %arg8[%swap3A_571, %swap3A_572, %swap3A_573] {strides = array<i32>} : memref<5x128x64xf32, #tpu.memory_space<vmem>>, vector<1x1x16xf32>,
        %swap3A_575 = vector.shape_cast %swap3A_574 : vector<1x1x16xf32> to vector<16xf32>
        %swap3A_576 = vector.shape_cast %add3A_569 : vector<16xf32> to vector<1x1x16xf32>
        tpu.vector_store %arg8[%swap3A_571, %swap3A_572, %swap3A_573], %swap3A_576 {strides = array<i32>} : memref<5x128x64xf32, #tpu.memory_space<vmem>>, vector<1x1x16xf32>,
        %get3A_577 = arith.constant 2 : i32
        %get3A_578 = arith.index_cast %get3A_577 : i32 to index
        %get3A_579 = arith.index_cast %scan3A_526 : i32 to index
        %get3A_580 = arith.constant 48 : index
        %get3A_581 = tpu.vector_load %arg8[%get3A_578, %get3A_579, %get3A_580] {strides = array<i32>} : memref<5x128x64xf32, #tpu.memory_space<vmem>>, vector<1x1x16xf32>,
        %get3A_582 = vector.shape_cast %get3A_581 : vector<1x1x16xf32> to vector<16xf32>
        %mul3A_583 = arith.constant 8.000000e+00 : f32
        %mul3A_584 = vector.broadcast %mul3A_583 : f32 to vector<16xf32>
        %mul3A_585 = arith.mulf %get3A_582, %mul3A_584 : vector<16xf32>
        %add3A_586 = arith.addf %mul3A_585, %get3A_366 : vector<16xf32>
        %swap3A_587 = arith.constant 2 : i32
        %swap3A_588 = arith.index_cast %swap3A_587 : i32 to index
        %swap3A_589 = arith.index_cast %scan3A_526 : i32 to index
        %swap3A_590 = arith.constant 48 : index
        %swap3A_591 = tpu.vector_load %arg8[%swap3A_588, %swap3A_589, %swap3A_590] {strides = array<i32>} : memref<5x128x64xf32, #tpu.memory_space<vmem>>, vector<1x1x16xf32>,
        %swap3A_592 = vector.shape_cast %swap3A_591 : vector<1x1x16xf32> to vector<16xf32>
        %swap3A_593 = vector.shape_cast %add3A_586 : vector<16xf32> to vector<1x1x16xf32>
        tpu.vector_store %arg8[%swap3A_588, %swap3A_589, %swap3A_590], %swap3A_593 {strides = array<i32>} : memref<5x128x64xf32, #tpu.memory_space<vmem>>, vector<1x1x16xf32>,
        %scan3A_594 = arith.constant 1 : i32
        %scan3A_595 = arith.addi %scan3A_526, %scan3A_594 : i32
        %get3A_596 = arith.constant 2 : i32
        %get3A_597 = arith.index_cast %get3A_596 : i32 to index
        %get3A_598 = arith.index_cast %scan3A_595 : i32 to index
        %get3A_599 = arith.constant 0 : index
        %get3A_600 = tpu.vector_load %arg8[%get3A_597, %get3A_598, %get3A_599] {strides = array<i32>} : memref<5x128x64xf32, #tpu.memory_space<vmem>>, vector<1x1x16xf32>,
        %get3A_601 = vector.shape_cast %get3A_600 : vector<1x1x16xf32> to vector<16xf32>
        %mul3A_602 = arith.constant 8.000000e+00 : f32
        %mul3A_603 = vector.broadcast %mul3A_602 : f32 to vector<16xf32>
        %mul3A_604 = arith.mulf %get3A_601, %mul3A_603 : vector<16xf32>
        %add3A_605 = arith.addf %mul3A_604, %get3A_354 : vector<16xf32>
        %swap3A_606 = arith.constant 2 : i32
        %swap3A_607 = arith.index_cast %swap3A_606 : i32 to index
        %swap3A_608 = arith.index_cast %scan3A_595 : i32 to index
        %swap3A_609 = arith.constant 0 : index
        %swap3A_610 = tpu.vector_load %arg8[%swap3A_607, %swap3A_608, %swap3A_609] {strides = array<i32>} : memref<5x128x64xf32, #tpu.memory_space<vmem>>, vector<1x1x16xf32>,
        %swap3A_611 = vector.shape_cast %swap3A_610 : vector<1x1x16xf32> to vector<16xf32>
        %swap3A_612 = vector.shape_cast %add3A_605 : vector<16xf32> to vector<1x1x16xf32>
        tpu.vector_store %arg8[%swap3A_607, %swap3A_608, %swap3A_609], %swap3A_612 {strides = array<i32>} : memref<5x128x64xf32, #tpu.memory_space<vmem>>, vector<1x1x16xf32>,
        %get3A_613 = arith.constant 2 : i32
        %get3A_614 = arith.index_cast %get3A_613 : i32 to index
        %get3A_615 = arith.index_cast %scan3A_595 : i32 to index
        %get3A_616 = arith.constant 16 : index
        %get3A_617 = tpu.vector_load %arg8[%get3A_614, %get3A_615, %get3A_616] {strides = array<i32>} : memref<5x128x64xf32, #tpu.memory_space<vmem>>, vector<1x1x16xf32>,
        %get3A_618 = vector.shape_cast %get3A_617 : vector<1x1x16xf32> to vector<16xf32>
        %mul3A_619 = arith.constant 8.000000e+00 : f32
        %mul3A_620 = vector.broadcast %mul3A_619 : f32 to vector<16xf32>
        %mul3A_621 = arith.mulf %get3A_618, %mul3A_620 : vector<16xf32>
        %add3A_622 = arith.addf %mul3A_621, %get3A_358 : vector<16xf32>
        %swap3A_623 = arith.constant 2 : i32
        %swap3A_624 = arith.index_cast %swap3A_623 : i32 to index
        %swap3A_625 = arith.index_cast %scan3A_595 : i32 to index
        %swap3A_626 = arith.constant 16 : index
        %swap3A_627 = tpu.vector_load %arg8[%swap3A_624, %swap3A_625, %swap3A_626] {strides = array<i32>} : memref<5x128x64xf32, #tpu.memory_space<vmem>>, vector<1x1x16xf32>,
        %swap3A_628 = vector.shape_cast %swap3A_627 : vector<1x1x16xf32> to vector<16xf32>
        %swap3A_629 = vector.shape_cast %add3A_622 : vector<16xf32> to vector<1x1x16xf32>
        tpu.vector_store %arg8[%swap3A_624, %swap3A_625, %swap3A_626], %swap3A_629 {strides = array<i32>} : memref<5x128x64xf32, #tpu.memory_space<vmem>>, vector<1x1x16xf32>,
        %get3A_630 = arith.constant 2 : i32
        %get3A_631 = arith.index_cast %get3A_630 : i32 to index
        %get3A_632 = arith.index_cast %scan3A_595 : i32 to index
        %get3A_633 = arith.constant 32 : index
        %get3A_634 = tpu.vector_load %arg8[%get3A_631, %get3A_632, %get3A_633] {strides = array<i32>} : memref<5x128x64xf32, #tpu.memory_space<vmem>>, vector<1x1x16xf32>,
        %get3A_635 = vector.shape_cast %get3A_634 : vector<1x1x16xf32> to vector<16xf32>
        %mul3A_636 = arith.constant 8.000000e+00 : f32
        %mul3A_637 = vector.broadcast %mul3A_636 : f32 to vector<16xf32>
        %mul3A_638 = arith.mulf %get3A_635, %mul3A_637 : vector<16xf32>
        %add3A_639 = arith.addf %mul3A_638, %get3A_362 : vector<16xf32>
        %swap3A_640 = arith.constant 2 : i32
        %swap3A_641 = arith.index_cast %swap3A_640 : i32 to index
        %swap3A_642 = arith.index_cast %scan3A_595 : i32 to index
        %swap3A_643 = arith.constant 32 : index
        %swap3A_644 = tpu.vector_load %arg8[%swap3A_641, %swap3A_642, %swap3A_643] {strides = array<i32>} : memref<5x128x64xf32, #tpu.memory_space<vmem>>, vector<1x1x16xf32>,
        %swap3A_645 = vector.shape_cast %swap3A_644 : vector<1x1x16xf32> to vector<16xf32>
        %swap3A_646 = vector.shape_cast %add3A_639 : vector<16xf32> to vector<1x1x16xf32>
        tpu.vector_store %arg8[%swap3A_641, %swap3A_642, %swap3A_643], %swap3A_646 {strides = array<i32>} : memref<5x128x64xf32, #tpu.memory_space<vmem>>, vector<1x1x16xf32>,
        %get3A_647 = arith.constant 2 : i32
        %get3A_648 = arith.index_cast %get3A_647 : i32 to index
        %get3A_649 = arith.index_cast %scan3A_595 : i32 to index
        %get3A_650 = arith.constant 48 : index
        %get3A_651 = tpu.vector_load %arg8[%get3A_648, %get3A_649, %get3A_650] {strides = array<i32>} : memref<5x128x64xf32, #tpu.memory_space<vmem>>, vector<1x1x16xf32>,
        %get3A_652 = vector.shape_cast %get3A_651 : vector<1x1x16xf32> to vector<16xf32>
        %mul3A_653 = arith.constant 8.000000e+00 : f32
        %mul3A_654 = vector.broadcast %mul3A_653 : f32 to vector<16xf32>
        %mul3A_655 = arith.mulf %get3A_652, %mul3A_654 : vector<16xf32>
        %add3A_656 = arith.addf %mul3A_655, %get3A_366 : vector<16xf32>
        %swap3A_657 = arith.constant 2 : i32
        %swap3A_658 = arith.index_cast %swap3A_657 : i32 to index
        %swap3A_659 = arith.index_cast %scan3A_595 : i32 to index
        %swap3A_660 = arith.constant 48 : index
        %swap3A_661 = tpu.vector_load %arg8[%swap3A_658, %swap3A_659, %swap3A_660] {strides = array<i32>} : memref<5x128x64xf32, #tpu.memory_space<vmem>>, vector<1x1x16xf32>,
        %swap3A_662 = vector.shape_cast %swap3A_661 : vector<1x1x16xf32> to vector<16xf32>
        %swap3A_663 = vector.shape_cast %add3A_656 : vector<16xf32> to vector<1x1x16xf32>
        tpu.vector_store %arg8[%swap3A_658, %swap3A_659, %swap3A_660], %swap3A_663 {strides = array<i32>} : memref<5x128x64xf32, #tpu.memory_space<vmem>>, vector<1x1x16xf32>,
        %scan3A_664 = arith.constant 2 : i32
        %scan3A_665 = arith.addi %scan3A_526, %scan3A_664 : i32
        %get3A_666 = arith.constant 2 : i32
        %get3A_667 = arith.index_cast %get3A_666 : i32 to index
        %get3A_668 = arith.index_cast %scan3A_665 : i32 to index
        %get3A_669 = arith.constant 0 : index
        %get3A_670 = tpu.vector_load %arg8[%get3A_667, %get3A_668, %get3A_669] {strides = array<i32>} : memref<5x128x64xf32, #tpu.memory_space<vmem>>, vector<1x1x16xf32>,
        %get3A_671 = vector.shape_cast %get3A_670 : vector<1x1x16xf32> to vector<16xf32>
        %mul3A_672 = arith.constant 8.000000e+00 : f32
        %mul3A_673 = vector.broadcast %mul3A_672 : f32 to vector<16xf32>
        %mul3A_674 = arith.mulf %get3A_671, %mul3A_673 : vector<16xf32>
        %add3A_675 = arith.addf %mul3A_674, %get3A_354 : vector<16xf32>
        %swap3A_676 = arith.constant 2 : i32
        %swap3A_677 = arith.index_cast %swap3A_676 : i32 to index
        %swap3A_678 = arith.index_cast %scan3A_665 : i32 to index
        %swap3A_679 = arith.constant 0 : index
        %swap3A_680 = tpu.vector_load %arg8[%swap3A_677, %swap3A_678, %swap3A_679] {strides = array<i32>} : memref<5x128x64xf32, #tpu.memory_space<vmem>>, vector<1x1x16xf32>,
        %swap3A_681 = vector.shape_cast %swap3A_680 : vector<1x1x16xf32> to vector<16xf32>
        %swap3A_682 = vector.shape_cast %add3A_675 : vector<16xf32> to vector<1x1x16xf32>
        tpu.vector_store %arg8[%swap3A_677, %swap3A_678, %swap3A_679], %swap3A_682 {strides = array<i32>} : memref<5x128x64xf32, #tpu.memory_space<vmem>>, vector<1x1x16xf32>,
        %get3A_683 = arith.constant 2 : i32
        %get3A_684 = arith.index_cast %get3A_683 : i32 to index
        %get3A_685 = arith.index_cast %scan3A_665 : i32 to index
        %get3A_686 = arith.constant 16 : index
        %get3A_687 = tpu.vector_load %arg8[%get3A_684, %get3A_685, %get3A_686] {strides = array<i32>} : memref<5x128x64xf32, #tpu.memory_space<vmem>>, vector<1x1x16xf32>,
        %get3A_688 = vector.shape_cast %get3A_687 : vector<1x1x16xf32> to vector<16xf32>
        %mul3A_689 = arith.constant 8.000000e+00 : f32
        %mul3A_690 = vector.broadcast %mul3A_689 : f32 to vector<16xf32>
        %mul3A_691 = arith.mulf %get3A_688, %mul3A_690 : vector<16xf32>
        %add3A_692 = arith.addf %mul3A_691, %get3A_358 : vector<16xf32>
        %swap3A_693 = arith.constant 2 : i32
        %swap3A_694 = arith.index_cast %swap3A_693 : i32 to index
        %swap3A_695 = arith.index_cast %scan3A_665 : i32 to index
        %swap3A_696 = arith.constant 16 : index
        %swap3A_697 = tpu.vector_load %arg8[%swap3A_694, %swap3A_695, %swap3A_696] {strides = array<i32>} : memref<5x128x64xf32, #tpu.memory_space<vmem>>, vector<1x1x16xf32>,
        %swap3A_698 = vector.shape_cast %swap3A_697 : vector<1x1x16xf32> to vector<16xf32>
        %swap3A_699 = vector.shape_cast %add3A_692 : vector<16xf32> to vector<1x1x16xf32>
        tpu.vector_store %arg8[%swap3A_694, %swap3A_695, %swap3A_696], %swap3A_699 {strides = array<i32>} : memref<5x128x64xf32, #tpu.memory_space<vmem>>, vector<1x1x16xf32>,
        %get3A_700 = arith.constant 2 : i32
        %get3A_701 = arith.index_cast %get3A_700 : i32 to index
        %get3A_702 = arith.index_cast %scan3A_665 : i32 to index
        %get3A_703 = arith.constant 32 : index
        %get3A_704 = tpu.vector_load %arg8[%get3A_701, %get3A_702, %get3A_703] {strides = array<i32>} : memref<5x128x64xf32, #tpu.memory_space<vmem>>, vector<1x1x16xf32>,
        %get3A_705 = vector.shape_cast %get3A_704 : vector<1x1x16xf32> to vector<16xf32>
        %mul3A_706 = arith.constant 8.000000e+00 : f32
        %mul3A_707 = vector.broadcast %mul3A_706 : f32 to vector<16xf32>
        %mul3A_708 = arith.mulf %get3A_705, %mul3A_707 : vector<16xf32>
        %add3A_709 = arith.addf %mul3A_708, %get3A_362 : vector<16xf32>
        %swap3A_710 = arith.constant 2 : i32
        %swap3A_711 = arith.index_cast %swap3A_710 : i32 to index
        %swap3A_712 = arith.index_cast %scan3A_665 : i32 to index
        %swap3A_713 = arith.constant 32 : index
        %swap3A_714 = tpu.vector_load %arg8[%swap3A_711, %swap3A_712, %swap3A_713] {strides = array<i32>} : memref<5x128x64xf32, #tpu.memory_space<vmem>>, vector<1x1x16xf32>,
        %swap3A_715 = vector.shape_cast %swap3A_714 : vector<1x1x16xf32> to vector<16xf32>
        %swap3A_716 = vector.shape_cast %add3A_709 : vector<16xf32> to vector<1x1x16xf32>
        tpu.vector_store %arg8[%swap3A_711, %swap3A_712, %swap3A_713], %swap3A_716 {strides = array<i32>} : memref<5x128x64xf32, #tpu.memory_space<vmem>>, vector<1x1x16xf32>,
        %get3A_717 = arith.constant 2 : i32
        %get3A_718 = arith.index_cast %get3A_717 : i32 to index
        %get3A_719 = arith.index_cast %scan3A_665 : i32 to index
        %get3A_720 = arith.constant 48 : index
        %get3A_721 = tpu.vector_load %arg8[%get3A_718, %get3A_719, %get3A_720] {strides = array<i32>} : memref<5x128x64xf32, #tpu.memory_space<vmem>>, vector<1x1x16xf32>,
        %get3A_722 = vector.shape_cast %get3A_721 : vector<1x1x16xf32> to vector<16xf32>
        %mul3A_723 = arith.constant 8.000000e+00 : f32
        %mul3A_724 = vector.broadcast %mul3A_723 : f32 to vector<16xf32>
        %mul3A_725 = arith.mulf %get3A_722, %mul3A_724 : vector<16xf32>
        %add3A_726 = arith.addf %mul3A_725, %get3A_366 : vector<16xf32>
        %swap3A_727 = arith.constant 2 : i32
        %swap3A_728 = arith.index_cast %swap3A_727 : i32 to index
        %swap3A_729 = arith.index_cast %scan3A_665 : i32 to index
        %swap3A_730 = arith.constant 48 : index
        %swap3A_731 = tpu.vector_load %arg8[%swap3A_728, %swap3A_729, %swap3A_730] {strides = array<i32>} : memref<5x128x64xf32, #tpu.memory_space<vmem>>, vector<1x1x16xf32>,
        %swap3A_732 = vector.shape_cast %swap3A_731 : vector<1x1x16xf32> to vector<16xf32>
        %swap3A_733 = vector.shape_cast %add3A_726 : vector<16xf32> to vector<1x1x16xf32>
        tpu.vector_store %arg8[%swap3A_728, %swap3A_729, %swap3A_730], %swap3A_733 {strides = array<i32>} : memref<5x128x64xf32, #tpu.memory_space<vmem>>, vector<1x1x16xf32>,
        %scan3A_734 = arith.constant 3 : i32
        %scan3A_735 = arith.addi %scan3A_526, %scan3A_734 : i32
        %get3A_736 = arith.constant 2 : i32
        %get3A_737 = arith.index_cast %get3A_736 : i32 to index
        %get3A_738 = arith.index_cast %scan3A_735 : i32 to index
        %get3A_739 = arith.constant 0 : index
        %get3A_740 = tpu.vector_load %arg8[%get3A_737, %get3A_738, %get3A_739] {strides = array<i32>} : memref<5x128x64xf32, #tpu.memory_space<vmem>>, vector<1x1x16xf32>,
        %get3A_741 = vector.shape_cast %get3A_740 : vector<1x1x16xf32> to vector<16xf32>
        %mul3A_742 = arith.constant 8.000000e+00 : f32
        %mul3A_743 = vector.broadcast %mul3A_742 : f32 to vector<16xf32>
        %mul3A_744 = arith.mulf %get3A_741, %mul3A_743 : vector<16xf32>
        %add3A_745 = arith.addf %mul3A_744, %get3A_354 : vector<16xf32>
        %swap3A_746 = arith.constant 2 : i32
        %swap3A_747 = arith.index_cast %swap3A_746 : i32 to index
        %swap3A_748 = arith.index_cast %scan3A_735 : i32 to index
        %swap3A_749 = arith.constant 0 : index
        %swap3A_750 = tpu.vector_load %arg8[%swap3A_747, %swap3A_748, %swap3A_749] {strides = array<i32>} : memref<5x128x64xf32, #tpu.memory_space<vmem>>, vector<1x1x16xf32>,
        %swap3A_751 = vector.shape_cast %swap3A_750 : vector<1x1x16xf32> to vector<16xf32>
        %swap3A_752 = vector.shape_cast %add3A_745 : vector<16xf32> to vector<1x1x16xf32>
        tpu.vector_store %arg8[%swap3A_747, %swap3A_748, %swap3A_749], %swap3A_752 {strides = array<i32>} : memref<5x128x64xf32, #tpu.memory_space<vmem>>, vector<1x1x16xf32>,
        %get3A_753 = arith.constant 2 : i32
        %get3A_754 = arith.index_cast %get3A_753 : i32 to index
        %get3A_755 = arith.index_cast %scan3A_735 : i32 to index
        %get3A_756 = arith.constant 16 : index
        %get3A_757 = tpu.vector_load %arg8[%get3A_754, %get3A_755, %get3A_756] {strides = array<i32>} : memref<5x128x64xf32, #tpu.memory_space<vmem>>, vector<1x1x16xf32>,
        %get3A_758 = vector.shape_cast %get3A_757 : vector<1x1x16xf32> to vector<16xf32>
        %mul3A_759 = arith.constant 8.000000e+00 : f32
        %mul3A_760 = vector.broadcast %mul3A_759 : f32 to vector<16xf32>
        %mul3A_761 = arith.mulf %get3A_758, %mul3A_760 : vector<16xf32>
        %add3A_762 = arith.addf %mul3A_761, %get3A_358 : vector<16xf32>
        %swap3A_763 = arith.constant 2 : i32
        %swap3A_764 = arith.index_cast %swap3A_763 : i32 to index
        %swap3A_765 = arith.index_cast %scan3A_735 : i32 to index
        %swap3A_766 = arith.constant 16 : index
        %swap3A_767 = tpu.vector_load %arg8[%swap3A_764, %swap3A_765, %swap3A_766] {strides = array<i32>} : memref<5x128x64xf32, #tpu.memory_space<vmem>>, vector<1x1x16xf32>,
        %swap3A_768 = vector.shape_cast %swap3A_767 : vector<1x1x16xf32> to vector<16xf32>
        %swap3A_769 = vector.shape_cast %add3A_762 : vector<16xf32> to vector<1x1x16xf32>
        tpu.vector_store %arg8[%swap3A_764, %swap3A_765, %swap3A_766], %swap3A_769 {strides = array<i32>} : memref<5x128x64xf32, #tpu.memory_space<vmem>>, vector<1x1x16xf32>,
        %get3A_770 = arith.constant 2 : i32
        %get3A_771 = arith.index_cast %get3A_770 : i32 to index
        %get3A_772 = arith.index_cast %scan3A_735 : i32 to index
        %get3A_773 = arith.constant 32 : index
        %get3A_774 = tpu.vector_load %arg8[%get3A_771, %get3A_772, %get3A_773] {strides = array<i32>} : memref<5x128x64xf32, #tpu.memory_space<vmem>>, vector<1x1x16xf32>,
        %get3A_775 = vector.shape_cast %get3A_774 : vector<1x1x16xf32> to vector<16xf32>
        %mul3A_776 = arith.constant 8.000000e+00 : f32
        %mul3A_777 = vector.broadcast %mul3A_776 : f32 to vector<16xf32>
        %mul3A_778 = arith.mulf %get3A_775, %mul3A_777 : vector<16xf32>
        %add3A_779 = arith.addf %mul3A_778, %get3A_362 : vector<16xf32>
        %swap3A_780 = arith.constant 2 : i32
        %swap3A_781 = arith.index_cast %swap3A_780 : i32 to index
        %swap3A_782 = arith.index_cast %scan3A_735 : i32 to index
        %swap3A_783 = arith.constant 32 : index
        %swap3A_784 = tpu.vector_load %arg8[%swap3A_781, %swap3A_782, %swap3A_783] {strides = array<i32>} : memref<5x128x64xf32, #tpu.memory_space<vmem>>, vector<1x1x16xf32>,
        %swap3A_785 = vector.shape_cast %swap3A_784 : vector<1x1x16xf32> to vector<16xf32>
        %swap3A_786 = vector.shape_cast %add3A_779 : vector<16xf32> to vector<1x1x16xf32>
        tpu.vector_store %arg8[%swap3A_781, %swap3A_782, %swap3A_783], %swap3A_786 {strides = array<i32>} : memref<5x128x64xf32, #tpu.memory_space<vmem>>, vector<1x1x16xf32>,
        %get3A_787 = arith.constant 2 : i32
        %get3A_788 = arith.index_cast %get3A_787 : i32 to index
        %get3A_789 = arith.index_cast %scan3A_735 : i32 to index
        %get3A_790 = arith.constant 48 : index
        %get3A_791 = tpu.vector_load %arg8[%get3A_788, %get3A_789, %get3A_790] {strides = array<i32>} : memref<5x128x64xf32, #tpu.memory_space<vmem>>, vector<1x1x16xf32>,
        %get3A_792 = vector.shape_cast %get3A_791 : vector<1x1x16xf32> to vector<16xf32>
        %mul3A_793 = arith.constant 8.000000e+00 : f32
        %mul3A_794 = vector.broadcast %mul3A_793 : f32 to vector<16xf32>
        %mul3A_795 = arith.mulf %get3A_792, %mul3A_794 : vector<16xf32>
        %add3A_796 = arith.addf %mul3A_795, %get3A_366 : vector<16xf32>
        %swap3A_797 = arith.constant 2 : i32
        %swap3A_798 = arith.index_cast %swap3A_797 : i32 to index
        %swap3A_799 = arith.index_cast %scan3A_735 : i32 to index
        %swap3A_800 = arith.constant 48 : index
        %swap3A_801 = tpu.vector_load %arg8[%swap3A_798, %swap3A_799, %swap3A_800] {strides = array<i32>} : memref<5x128x64xf32, #tpu.memory_space<vmem>>, vector<1x1x16xf32>,
        %swap3A_802 = vector.shape_cast %swap3A_801 : vector<1x1x16xf32> to vector<16xf32>
        %swap3A_803 = vector.shape_cast %add3A_796 : vector<16xf32> to vector<1x1x16xf32>
        tpu.vector_store %arg8[%swap3A_798, %swap3A_799, %swap3A_800], %swap3A_803 {strides = array<i32>} : memref<5x128x64xf32, #tpu.memory_space<vmem>>, vector<1x1x16xf32>,
      }
      %scan3A_371 = arith.constant 128 : i32
      %dma_start3A_372 = arith.constant 2 : i32
      %dma_start3A_373 = arith.constant 0 : i32
      %dma_start3A_374 = arith.constant 0 : i32
      %dma_start3A_375 = tpu.memref_slice %arg8[%dma_start3A_372, %dma_start3A_373, %dma_start3A_374] : memref<5x128x64xf32, #tpu.memory_space<vmem>> -> memref<1x128x64xf32, #tpu.memory_space<vmem>>
      %dma_start3A_376 = tpu.memref_squeeze %dma_start3A_375 : memref<1x128x64xf32, #tpu.memory_space<vmem>> -> memref<128x64xf32, #tpu.memory_space<vmem>>
      %dma_start3A_377 = arith.constant 0 : i32
      %dma_start3A_378 = tpu.memref_slice %arg5[%multiple_of3A_339, %div3A_334, %dma_start3A_377] : memref<1024x200x64xf32, #tpu.memory_space<hbm>> -> memref<128x1x64xf32, #tpu.memory_space<hbm>>
      %dma_start3A_379 = tpu.memref_squeeze %dma_start3A_378 : memref<128x1x64xf32, #tpu.memory_space<hbm>> -> memref<128x64xf32, #tpu.memory_space<hbm>>
      %dma_start3A_380 = arith.constant 0 : i32
      %dma_start3A_381 = tpu.memref_slice %arg5[%multiple_of3A_339, %div3A_334, %dma_start3A_380] : memref<1024x200x64xf32, #tpu.memory_space<hbm>> -> memref<128x1x64xf32, #tpu.memory_space<hbm>>
      %dma_start3A_382 = tpu.memref_squeeze %dma_start3A_381 : memref<128x1x64xf32, #tpu.memory_space<hbm>> -> memref<128x64xf32, #tpu.memory_space<hbm>>
      %dma_start3A_383 = arith.constant 0 : i32
      %dma_start3A_384 = arith.constant 0 : i32
      %dma_start3A_385 = tpu.memref_slice %arg8[%dma_start3A_372, %dma_start3A_383, %dma_start3A_384] : memref<5x128x64xf32, #tpu.memory_space<vmem>> -> memref<1x128x64xf32, #tpu.memory_space<vmem>>
      %dma_start3A_386 = tpu.memref_squeeze %dma_start3A_385 : memref<1x128x64xf32, #tpu.memory_space<vmem>> -> memref<128x64xf32, #tpu.memory_space<vmem>>
      tpu.enqueue_dma source(%dma_start3A_386 : memref<128x64xf32, #tpu.memory_space<vmem>>) target(%dma_start3A_382 : memref<128x64xf32, #tpu.memory_space<hbm>>) target_semaphore(%arg16 : memref<!tpu.dma_semaphore, #tpu.memory_space<semaphore_mem>>)
      %add3A_387 = arith.constant 1 : i32
      %add3A_388 = arith.addi %scan3A_199, %add3A_387 : i32
      %lt3A_389 = arith.constant 10 : i32
      %lt3A_390 = arith.cmpi slt, %add3A_388, %lt3A_389 : i32
      %convert_element_type3A_391 = arith.extui %lt3A_390 : i1 to i32
      %cond3A_392 = arith.constant 0 : i32
      %cond3A_393 = arith.cmpi ne, %convert_element_type3A_391, %cond3A_392 : i32
      scf.if %cond3A_393 {
        %dma_wait3A_526 = arith.constant 2 : i32
        %dma_wait3A_527 = arith.constant 0 : i32
        %dma_wait3A_528 = arith.constant 0 : i32
        %dma_wait3A_529 = tpu.memref_slice %arg8[%dma_wait3A_526, %dma_wait3A_527, %dma_wait3A_528] : memref<5x128x64xf32, #tpu.memory_space<vmem>> -> memref<1x128x64xf32, #tpu.memory_space<vmem>>
        %dma_wait3A_530 = tpu.memref_squeeze %dma_wait3A_529 : memref<1x128x64xf32, #tpu.memory_space<vmem>> -> memref<128x64xf32, #tpu.memory_space<vmem>>
        %dma_wait3A_531 = arith.constant 0 : i32
        %dma_wait3A_532 = tpu.memref_slice %arg5[%multiple_of3A_339, %div3A_334, %dma_wait3A_531] : memref<1024x200x64xf32, #tpu.memory_space<hbm>> -> memref<128x1x64xf32, #tpu.memory_space<hbm>>
        %dma_wait3A_533 = tpu.memref_squeeze %dma_wait3A_532 : memref<128x1x64xf32, #tpu.memory_space<hbm>> -> memref<128x64xf32, #tpu.memory_space<hbm>>
        %dma_wait3A_534 = arith.constant 0 : i32
        %dma_wait3A_535 = tpu.memref_slice %arg5[%multiple_of3A_339, %div3A_334, %dma_wait3A_534] : memref<1024x200x64xf32, #tpu.memory_space<hbm>> -> memref<128x1x64xf32, #tpu.memory_space<hbm>>
        %dma_wait3A_536 = tpu.memref_squeeze %dma_wait3A_535 : memref<128x1x64xf32, #tpu.memory_space<hbm>> -> memref<128x64xf32, #tpu.memory_space<hbm>>
        %dma_wait3A_537 = arith.constant 0 : i32
        %dma_wait3A_538 = arith.constant 0 : i32
        %dma_wait3A_539 = tpu.memref_slice %arg8[%dma_wait3A_526, %dma_wait3A_537, %dma_wait3A_538] : memref<5x128x64xf32, #tpu.memory_space<vmem>> -> memref<1x128x64xf32, #tpu.memory_space<vmem>>
        %dma_wait3A_540 = tpu.memref_squeeze %dma_wait3A_539 : memref<1x128x64xf32, #tpu.memory_space<vmem>> -> memref<128x64xf32, #tpu.memory_space<vmem>>
        tpu.wait_dma2 semaphore(%arg16 : memref<!tpu.dma_semaphore, #tpu.memory_space<semaphore_mem>>) src(%dma_wait3A_540 : memref<128x64xf32, #tpu.memory_space<vmem>>) dst(%dma_wait3A_536 : memref<128x64xf32, #tpu.memory_space<hbm>>)
        %add3A_541 = arith.constant 5 : i32
        %add3A_542 = arith.addi %add3A_331, %add3A_541 : i32
        %dma_start3A_543 = arith.constant 2 : i32
        %dma_start3A_544 = arith.constant 0 : i32
        %dma_start3A_545 = arith.constant 0 : i32
        %dma_start3A_546 = tpu.memref_slice %arg8[%dma_start3A_543, %dma_start3A_544, %dma_start3A_545] : memref<5x128x64xf32, #tpu.memory_space<vmem>> -> memref<1x128x64xf32, #tpu.memory_space<vmem>>
        %dma_start3A_547 = tpu.memref_squeeze %dma_start3A_546 : memref<1x128x64xf32, #tpu.memory_space<vmem>> -> memref<128x64xf32, #tpu.memory_space<vmem>>
        %dma_start3A_548 = arith.constant 0 : i32
        %dma_start3A_549 = tpu.memref_slice %arg6[%add3A_542, %dma_start3A_548] : memref<50x128xi32, #tpu.memory_space<vmem>> -> memref<1x128xi32, #tpu.memory_space<vmem>>
        %dma_start3A_550 = tpu.memref_squeeze %dma_start3A_549 : memref<1x128xi32, #tpu.memory_space<vmem>> -> memref<128xi32, #tpu.memory_space<vmem>>
        %dma_start3A_551 = arith.constant 0 : i32
        %dma_start3A_552 = arith.constant 0 : i32
        %dma_start3A_553 = tpu.memref_slice %arg2[%dma_start3A_551, %dma_start3A_552] : memref<1000000x64xf32, #tpu.memory_space<hbm>> -> memref<1000000x64xf32, #tpu.memory_space<hbm>>
        tpu.enqueue_indirect_dma source(%dma_start3A_553 : memref<1000000x64xf32, #tpu.memory_space<hbm>>) target(%dma_start3A_547 : memref<128x64xf32, #tpu.memory_space<vmem>>) offsets(%dma_start3A_550 : memref<128xi32, #tpu.memory_space<vmem>>) semaphore(%arg11 : memref<!tpu.dma_semaphore, #tpu.memory_space<semaphore_mem>>)
      } else {
      }
      %mul3A_394 = arith.constant 5 : i32
      %mul3A_395 = arith.muli %scan3A_199, %mul3A_394 : i32
      %add3A_396 = arith.constant 3 : i32
      %add3A_397 = arith.addi %mul3A_395, %add3A_396 : i32
      %add3A_398 = arith.addi %mul3A_2, %add3A_397 : i32
      %div3A_399 = arith.constant 8 : i32
      %div3A_400 = arith.divsi %add3A_398, %div3A_399 : i32
      %rem3A_401 = arith.constant 8 : i32
      %rem3A_402 = arith.remsi %add3A_398, %rem3A_401 : i32
      %mul3A_403 = arith.constant 128 : i32
      %mul3A_404 = arith.muli %rem3A_402, %mul3A_403 : i32
      %multiple_of3A_405 = tpu.assume_multiple %mul3A_404, 128 : i32
      %dma_wait3A_406 = arith.constant 3 : i32
      %dma_wait3A_407 = arith.constant 0 : i32
      %dma_wait3A_408 = arith.constant 0 : i32
      %dma_wait3A_409 = tpu.memref_slice %arg8[%dma_wait3A_406, %dma_wait3A_407, %dma_wait3A_408] : memref<5x128x64xf32, #tpu.memory_space<vmem>> -> memref<1x128x64xf32, #tpu.memory_space<vmem>>
      %dma_wait3A_410 = tpu.memref_squeeze %dma_wait3A_409 : memref<1x128x64xf32, #tpu.memory_space<vmem>> -> memref<128x64xf32, #tpu.memory_space<vmem>>
      %dma_wait3A_411 = arith.constant 0 : i32
      %dma_wait3A_412 = tpu.memref_slice %arg6[%add3A_397, %dma_wait3A_411] : memref<50x128xi32, #tpu.memory_space<vmem>> -> memref<1x128xi32, #tpu.memory_space<vmem>>
      %dma_wait3A_413 = tpu.memref_squeeze %dma_wait3A_412 : memref<1x128xi32, #tpu.memory_space<vmem>> -> memref<128xi32, #tpu.memory_space<vmem>>
      %dma_wait3A_414 = arith.constant 0 : i32
      %dma_wait3A_415 = arith.constant 0 : i32
      %dma_wait3A_416 = tpu.memref_slice %arg2[%dma_wait3A_414, %dma_wait3A_415] : memref<1000000x64xf32, #tpu.memory_space<hbm>> -> memref<1000000x64xf32, #tpu.memory_space<hbm>>
      tpu.wait_indirect_dma semaphore(%arg12 : memref<!tpu.dma_semaphore, #tpu.memory_space<semaphore_mem>>) src(%dma_wait3A_416 : memref<1000000x64xf32, #tpu.memory_space<hbm>>) dst(%dma_wait3A_410 : memref<128x64xf32, #tpu.memory_space<vmem>>)
      %get3A_417 = arith.index_cast %div3A_400 : i32 to index
      %get3A_418 = arith.constant 0 : index
      %get3A_419 = tpu.vector_load %arg7[%get3A_417, %get3A_418] {strides = array<i32>} : memref<200x64xf32, #tpu.memory_space<vmem>>, vector<1x16xf32>,
      %get3A_420 = vector.shape_cast %get3A_419 : vector<1x16xf32> to vector<16xf32>
      %get3A_421 = arith.index_cast %div3A_400 : i32 to index
      %get3A_422 = arith.constant 16 : index
      %get3A_423 = tpu.vector_load %arg7[%get3A_421, %get3A_422] {strides = array<i32>} : memref<200x64xf32, #tpu.memory_space<vmem>>, vector<1x16xf32>,
      %get3A_424 = vector.shape_cast %get3A_423 : vector<1x16xf32> to vector<16xf32>
      %get3A_425 = arith.index_cast %div3A_400 : i32 to index
      %get3A_426 = arith.constant 32 : index
      %get3A_427 = tpu.vector_load %arg7[%get3A_425, %get3A_426] {strides = array<i32>} : memref<200x64xf32, #tpu.memory_space<vmem>>, vector<1x16xf32>,
      %get3A_428 = vector.shape_cast %get3A_427 : vector<1x16xf32> to vector<16xf32>
      %get3A_429 = arith.index_cast %div3A_400 : i32 to index
      %get3A_430 = arith.constant 48 : index
      %get3A_431 = tpu.vector_load %arg7[%get3A_429, %get3A_430] {strides = array<i32>} : memref<200x64xf32, #tpu.memory_space<vmem>>, vector<1x16xf32>,
      %get3A_432 = vector.shape_cast %get3A_431 : vector<1x16xf32> to vector<16xf32>
      %scan3A_433 = arith.constant 0 : i32
      %scan3A_434 = arith.constant 128 : i32
      %scan3A_435 = arith.addi %scan3A_433, %scan3A_434 : i32
      %scan3A_436 = arith.constant 4 : i32
      scf.for %scan3A_526 = %scan3A_433 to %scan3A_435 step %scan3A_436  : i32 {
        %get3A_527 = arith.constant 3 : i32
        %get3A_528 = arith.index_cast %get3A_527 : i32 to index
        %get3A_529 = arith.index_cast %scan3A_526 : i32 to index
        %get3A_530 = arith.constant 0 : index
        %get3A_531 = tpu.vector_load %arg8[%get3A_528, %get3A_529, %get3A_530] {strides = array<i32>} : memref<5x128x64xf32, #tpu.memory_space<vmem>>, vector<1x1x16xf32>,
        %get3A_532 = vector.shape_cast %get3A_531 : vector<1x1x16xf32> to vector<16xf32>
        %mul3A_533 = arith.constant 8.000000e+00 : f32
        %mul3A_534 = vector.broadcast %mul3A_533 : f32 to vector<16xf32>
        %mul3A_535 = arith.mulf %get3A_532, %mul3A_534 : vector<16xf32>
        %add3A_536 = arith.addf %mul3A_535, %get3A_420 : vector<16xf32>
        %swap3A = arith.constant 3 : i32
        %swap3A_537 = arith.index_cast %swap3A : i32 to index
        %swap3A_538 = arith.index_cast %scan3A_526 : i32 to index
        %swap3A_539 = arith.constant 0 : index
        %swap3A_540 = tpu.vector_load %arg8[%swap3A_537, %swap3A_538, %swap3A_539] {strides = array<i32>} : memref<5x128x64xf32, #tpu.memory_space<vmem>>, vector<1x1x16xf32>,
        %swap3A_541 = vector.shape_cast %swap3A_540 : vector<1x1x16xf32> to vector<16xf32>
        %swap3A_542 = vector.shape_cast %add3A_536 : vector<16xf32> to vector<1x1x16xf32>
        tpu.vector_store %arg8[%swap3A_537, %swap3A_538, %swap3A_539], %swap3A_542 {strides = array<i32>} : memref<5x128x64xf32, #tpu.memory_space<vmem>>, vector<1x1x16xf32>,
        %get3A_543 = arith.constant 3 : i32
        %get3A_544 = arith.index_cast %get3A_543 : i32 to index
        %get3A_545 = arith.index_cast %scan3A_526 : i32 to index
        %get3A_546 = arith.constant 16 : index
        %get3A_547 = tpu.vector_load %arg8[%get3A_544, %get3A_545, %get3A_546] {strides = array<i32>} : memref<5x128x64xf32, #tpu.memory_space<vmem>>, vector<1x1x16xf32>,
        %get3A_548 = vector.shape_cast %get3A_547 : vector<1x1x16xf32> to vector<16xf32>
        %mul3A_549 = arith.constant 8.000000e+00 : f32
        %mul3A_550 = vector.broadcast %mul3A_549 : f32 to vector<16xf32>
        %mul3A_551 = arith.mulf %get3A_548, %mul3A_550 : vector<16xf32>
        %add3A_552 = arith.addf %mul3A_551, %get3A_424 : vector<16xf32>
        %swap3A_553 = arith.constant 3 : i32
        %swap3A_554 = arith.index_cast %swap3A_553 : i32 to index
        %swap3A_555 = arith.index_cast %scan3A_526 : i32 to index
        %swap3A_556 = arith.constant 16 : index
        %swap3A_557 = tpu.vector_load %arg8[%swap3A_554, %swap3A_555, %swap3A_556] {strides = array<i32>} : memref<5x128x64xf32, #tpu.memory_space<vmem>>, vector<1x1x16xf32>,
        %swap3A_558 = vector.shape_cast %swap3A_557 : vector<1x1x16xf32> to vector<16xf32>
        %swap3A_559 = vector.shape_cast %add3A_552 : vector<16xf32> to vector<1x1x16xf32>
        tpu.vector_store %arg8[%swap3A_554, %swap3A_555, %swap3A_556], %swap3A_559 {strides = array<i32>} : memref<5x128x64xf32, #tpu.memory_space<vmem>>, vector<1x1x16xf32>,
        %get3A_560 = arith.constant 3 : i32
        %get3A_561 = arith.index_cast %get3A_560 : i32 to index
        %get3A_562 = arith.index_cast %scan3A_526 : i32 to index
        %get3A_563 = arith.constant 32 : index
        %get3A_564 = tpu.vector_load %arg8[%get3A_561, %get3A_562, %get3A_563] {strides = array<i32>} : memref<5x128x64xf32, #tpu.memory_space<vmem>>, vector<1x1x16xf32>,
        %get3A_565 = vector.shape_cast %get3A_564 : vector<1x1x16xf32> to vector<16xf32>
        %mul3A_566 = arith.constant 8.000000e+00 : f32
        %mul3A_567 = vector.broadcast %mul3A_566 : f32 to vector<16xf32>
        %mul3A_568 = arith.mulf %get3A_565, %mul3A_567 : vector<16xf32>
        %add3A_569 = arith.addf %mul3A_568, %get3A_428 : vector<16xf32>
        %swap3A_570 = arith.constant 3 : i32
        %swap3A_571 = arith.index_cast %swap3A_570 : i32 to index
        %swap3A_572 = arith.index_cast %scan3A_526 : i32 to index
        %swap3A_573 = arith.constant 32 : index
        %swap3A_574 = tpu.vector_load %arg8[%swap3A_571, %swap3A_572, %swap3A_573] {strides = array<i32>} : memref<5x128x64xf32, #tpu.memory_space<vmem>>, vector<1x1x16xf32>,
        %swap3A_575 = vector.shape_cast %swap3A_574 : vector<1x1x16xf32> to vector<16xf32>
        %swap3A_576 = vector.shape_cast %add3A_569 : vector<16xf32> to vector<1x1x16xf32>
        tpu.vector_store %arg8[%swap3A_571, %swap3A_572, %swap3A_573], %swap3A_576 {strides = array<i32>} : memref<5x128x64xf32, #tpu.memory_space<vmem>>, vector<1x1x16xf32>,
        %get3A_577 = arith.constant 3 : i32
        %get3A_578 = arith.index_cast %get3A_577 : i32 to index
        %get3A_579 = arith.index_cast %scan3A_526 : i32 to index
        %get3A_580 = arith.constant 48 : index
        %get3A_581 = tpu.vector_load %arg8[%get3A_578, %get3A_579, %get3A_580] {strides = array<i32>} : memref<5x128x64xf32, #tpu.memory_space<vmem>>, vector<1x1x16xf32>,
        %get3A_582 = vector.shape_cast %get3A_581 : vector<1x1x16xf32> to vector<16xf32>
        %mul3A_583 = arith.constant 8.000000e+00 : f32
        %mul3A_584 = vector.broadcast %mul3A_583 : f32 to vector<16xf32>
        %mul3A_585 = arith.mulf %get3A_582, %mul3A_584 : vector<16xf32>
        %add3A_586 = arith.addf %mul3A_585, %get3A_432 : vector<16xf32>
        %swap3A_587 = arith.constant 3 : i32
        %swap3A_588 = arith.index_cast %swap3A_587 : i32 to index
        %swap3A_589 = arith.index_cast %scan3A_526 : i32 to index
        %swap3A_590 = arith.constant 48 : index
        %swap3A_591 = tpu.vector_load %arg8[%swap3A_588, %swap3A_589, %swap3A_590] {strides = array<i32>} : memref<5x128x64xf32, #tpu.memory_space<vmem>>, vector<1x1x16xf32>,
        %swap3A_592 = vector.shape_cast %swap3A_591 : vector<1x1x16xf32> to vector<16xf32>
        %swap3A_593 = vector.shape_cast %add3A_586 : vector<16xf32> to vector<1x1x16xf32>
        tpu.vector_store %arg8[%swap3A_588, %swap3A_589, %swap3A_590], %swap3A_593 {strides = array<i32>} : memref<5x128x64xf32, #tpu.memory_space<vmem>>, vector<1x1x16xf32>,
        %scan3A_594 = arith.constant 1 : i32
        %scan3A_595 = arith.addi %scan3A_526, %scan3A_594 : i32
        %get3A_596 = arith.constant 3 : i32
        %get3A_597 = arith.index_cast %get3A_596 : i32 to index
        %get3A_598 = arith.index_cast %scan3A_595 : i32 to index
        %get3A_599 = arith.constant 0 : index
        %get3A_600 = tpu.vector_load %arg8[%get3A_597, %get3A_598, %get3A_599] {strides = array<i32>} : memref<5x128x64xf32, #tpu.memory_space<vmem>>, vector<1x1x16xf32>,
        %get3A_601 = vector.shape_cast %get3A_600 : vector<1x1x16xf32> to vector<16xf32>
        %mul3A_602 = arith.constant 8.000000e+00 : f32
        %mul3A_603 = vector.broadcast %mul3A_602 : f32 to vector<16xf32>
        %mul3A_604 = arith.mulf %get3A_601, %mul3A_603 : vector<16xf32>
        %add3A_605 = arith.addf %mul3A_604, %get3A_420 : vector<16xf32>
        %swap3A_606 = arith.constant 3 : i32
        %swap3A_607 = arith.index_cast %swap3A_606 : i32 to index
        %swap3A_608 = arith.index_cast %scan3A_595 : i32 to index
        %swap3A_609 = arith.constant 0 : index
        %swap3A_610 = tpu.vector_load %arg8[%swap3A_607, %swap3A_608, %swap3A_609] {strides = array<i32>} : memref<5x128x64xf32, #tpu.memory_space<vmem>>, vector<1x1x16xf32>,
        %swap3A_611 = vector.shape_cast %swap3A_610 : vector<1x1x16xf32> to vector<16xf32>
        %swap3A_612 = vector.shape_cast %add3A_605 : vector<16xf32> to vector<1x1x16xf32>
        tpu.vector_store %arg8[%swap3A_607, %swap3A_608, %swap3A_609], %swap3A_612 {strides = array<i32>} : memref<5x128x64xf32, #tpu.memory_space<vmem>>, vector<1x1x16xf32>,
        %get3A_613 = arith.constant 3 : i32
        %get3A_614 = arith.index_cast %get3A_613 : i32 to index
        %get3A_615 = arith.index_cast %scan3A_595 : i32 to index
        %get3A_616 = arith.constant 16 : index
        %get3A_617 = tpu.vector_load %arg8[%get3A_614, %get3A_615, %get3A_616] {strides = array<i32>} : memref<5x128x64xf32, #tpu.memory_space<vmem>>, vector<1x1x16xf32>,
        %get3A_618 = vector.shape_cast %get3A_617 : vector<1x1x16xf32> to vector<16xf32>
        %mul3A_619 = arith.constant 8.000000e+00 : f32
        %mul3A_620 = vector.broadcast %mul3A_619 : f32 to vector<16xf32>
        %mul3A_621 = arith.mulf %get3A_618, %mul3A_620 : vector<16xf32>
        %add3A_622 = arith.addf %mul3A_621, %get3A_424 : vector<16xf32>
        %swap3A_623 = arith.constant 3 : i32
        %swap3A_624 = arith.index_cast %swap3A_623 : i32 to index
        %swap3A_625 = arith.index_cast %scan3A_595 : i32 to index
        %swap3A_626 = arith.constant 16 : index
        %swap3A_627 = tpu.vector_load %arg8[%swap3A_624, %swap3A_625, %swap3A_626] {strides = array<i32>} : memref<5x128x64xf32, #tpu.memory_space<vmem>>, vector<1x1x16xf32>,
        %swap3A_628 = vector.shape_cast %swap3A_627 : vector<1x1x16xf32> to vector<16xf32>
        %swap3A_629 = vector.shape_cast %add3A_622 : vector<16xf32> to vector<1x1x16xf32>
        tpu.vector_store %arg8[%swap3A_624, %swap3A_625, %swap3A_626], %swap3A_629 {strides = array<i32>} : memref<5x128x64xf32, #tpu.memory_space<vmem>>, vector<1x1x16xf32>,
        %get3A_630 = arith.constant 3 : i32
        %get3A_631 = arith.index_cast %get3A_630 : i32 to index
        %get3A_632 = arith.index_cast %scan3A_595 : i32 to index
        %get3A_633 = arith.constant 32 : index
        %get3A_634 = tpu.vector_load %arg8[%get3A_631, %get3A_632, %get3A_633] {strides = array<i32>} : memref<5x128x64xf32, #tpu.memory_space<vmem>>, vector<1x1x16xf32>,
        %get3A_635 = vector.shape_cast %get3A_634 : vector<1x1x16xf32> to vector<16xf32>
        %mul3A_636 = arith.constant 8.000000e+00 : f32
        %mul3A_637 = vector.broadcast %mul3A_636 : f32 to vector<16xf32>
        %mul3A_638 = arith.mulf %get3A_635, %mul3A_637 : vector<16xf32>
        %add3A_639 = arith.addf %mul3A_638, %get3A_428 : vector<16xf32>
        %swap3A_640 = arith.constant 3 : i32
        %swap3A_641 = arith.index_cast %swap3A_640 : i32 to index
        %swap3A_642 = arith.index_cast %scan3A_595 : i32 to index
        %swap3A_643 = arith.constant 32 : index
        %swap3A_644 = tpu.vector_load %arg8[%swap3A_641, %swap3A_642, %swap3A_643] {strides = array<i32>} : memref<5x128x64xf32, #tpu.memory_space<vmem>>, vector<1x1x16xf32>,
        %swap3A_645 = vector.shape_cast %swap3A_644 : vector<1x1x16xf32> to vector<16xf32>
        %swap3A_646 = vector.shape_cast %add3A_639 : vector<16xf32> to vector<1x1x16xf32>
        tpu.vector_store %arg8[%swap3A_641, %swap3A_642, %swap3A_643], %swap3A_646 {strides = array<i32>} : memref<5x128x64xf32, #tpu.memory_space<vmem>>, vector<1x1x16xf32>,
        %get3A_647 = arith.constant 3 : i32
        %get3A_648 = arith.index_cast %get3A_647 : i32 to index
        %get3A_649 = arith.index_cast %scan3A_595 : i32 to index
        %get3A_650 = arith.constant 48 : index
        %get3A_651 = tpu.vector_load %arg8[%get3A_648, %get3A_649, %get3A_650] {strides = array<i32>} : memref<5x128x64xf32, #tpu.memory_space<vmem>>, vector<1x1x16xf32>,
        %get3A_652 = vector.shape_cast %get3A_651 : vector<1x1x16xf32> to vector<16xf32>
        %mul3A_653 = arith.constant 8.000000e+00 : f32
        %mul3A_654 = vector.broadcast %mul3A_653 : f32 to vector<16xf32>
        %mul3A_655 = arith.mulf %get3A_652, %mul3A_654 : vector<16xf32>
        %add3A_656 = arith.addf %mul3A_655, %get3A_432 : vector<16xf32>
        %swap3A_657 = arith.constant 3 : i32
        %swap3A_658 = arith.index_cast %swap3A_657 : i32 to index
        %swap3A_659 = arith.index_cast %scan3A_595 : i32 to index
        %swap3A_660 = arith.constant 48 : index
        %swap3A_661 = tpu.vector_load %arg8[%swap3A_658, %swap3A_659, %swap3A_660] {strides = array<i32>} : memref<5x128x64xf32, #tpu.memory_space<vmem>>, vector<1x1x16xf32>,
        %swap3A_662 = vector.shape_cast %swap3A_661 : vector<1x1x16xf32> to vector<16xf32>
        %swap3A_663 = vector.shape_cast %add3A_656 : vector<16xf32> to vector<1x1x16xf32>
        tpu.vector_store %arg8[%swap3A_658, %swap3A_659, %swap3A_660], %swap3A_663 {strides = array<i32>} : memref<5x128x64xf32, #tpu.memory_space<vmem>>, vector<1x1x16xf32>,
        %scan3A_664 = arith.constant 2 : i32
        %scan3A_665 = arith.addi %scan3A_526, %scan3A_664 : i32
        %get3A_666 = arith.constant 3 : i32
        %get3A_667 = arith.index_cast %get3A_666 : i32 to index
        %get3A_668 = arith.index_cast %scan3A_665 : i32 to index
        %get3A_669 = arith.constant 0 : index
        %get3A_670 = tpu.vector_load %arg8[%get3A_667, %get3A_668, %get3A_669] {strides = array<i32>} : memref<5x128x64xf32, #tpu.memory_space<vmem>>, vector<1x1x16xf32>,
        %get3A_671 = vector.shape_cast %get3A_670 : vector<1x1x16xf32> to vector<16xf32>
        %mul3A_672 = arith.constant 8.000000e+00 : f32
        %mul3A_673 = vector.broadcast %mul3A_672 : f32 to vector<16xf32>
        %mul3A_674 = arith.mulf %get3A_671, %mul3A_673 : vector<16xf32>
        %add3A_675 = arith.addf %mul3A_674, %get3A_420 : vector<16xf32>
        %swap3A_676 = arith.constant 3 : i32
        %swap3A_677 = arith.index_cast %swap3A_676 : i32 to index
        %swap3A_678 = arith.index_cast %scan3A_665 : i32 to index
        %swap3A_679 = arith.constant 0 : index
        %swap3A_680 = tpu.vector_load %arg8[%swap3A_677, %swap3A_678, %swap3A_679] {strides = array<i32>} : memref<5x128x64xf32, #tpu.memory_space<vmem>>, vector<1x1x16xf32>,
        %swap3A_681 = vector.shape_cast %swap3A_680 : vector<1x1x16xf32> to vector<16xf32>
        %swap3A_682 = vector.shape_cast %add3A_675 : vector<16xf32> to vector<1x1x16xf32>
        tpu.vector_store %arg8[%swap3A_677, %swap3A_678, %swap3A_679], %swap3A_682 {strides = array<i32>} : memref<5x128x64xf32, #tpu.memory_space<vmem>>, vector<1x1x16xf32>,
        %get3A_683 = arith.constant 3 : i32
        %get3A_684 = arith.index_cast %get3A_683 : i32 to index
        %get3A_685 = arith.index_cast %scan3A_665 : i32 to index
        %get3A_686 = arith.constant 16 : index
        %get3A_687 = tpu.vector_load %arg8[%get3A_684, %get3A_685, %get3A_686] {strides = array<i32>} : memref<5x128x64xf32, #tpu.memory_space<vmem>>, vector<1x1x16xf32>,
        %get3A_688 = vector.shape_cast %get3A_687 : vector<1x1x16xf32> to vector<16xf32>
        %mul3A_689 = arith.constant 8.000000e+00 : f32
        %mul3A_690 = vector.broadcast %mul3A_689 : f32 to vector<16xf32>
        %mul3A_691 = arith.mulf %get3A_688, %mul3A_690 : vector<16xf32>
        %add3A_692 = arith.addf %mul3A_691, %get3A_424 : vector<16xf32>
        %swap3A_693 = arith.constant 3 : i32
        %swap3A_694 = arith.index_cast %swap3A_693 : i32 to index
        %swap3A_695 = arith.index_cast %scan3A_665 : i32 to index
        %swap3A_696 = arith.constant 16 : index
        %swap3A_697 = tpu.vector_load %arg8[%swap3A_694, %swap3A_695, %swap3A_696] {strides = array<i32>} : memref<5x128x64xf32, #tpu.memory_space<vmem>>, vector<1x1x16xf32>,
        %swap3A_698 = vector.shape_cast %swap3A_697 : vector<1x1x16xf32> to vector<16xf32>
        %swap3A_699 = vector.shape_cast %add3A_692 : vector<16xf32> to vector<1x1x16xf32>
        tpu.vector_store %arg8[%swap3A_694, %swap3A_695, %swap3A_696], %swap3A_699 {strides = array<i32>} : memref<5x128x64xf32, #tpu.memory_space<vmem>>, vector<1x1x16xf32>,
        %get3A_700 = arith.constant 3 : i32
        %get3A_701 = arith.index_cast %get3A_700 : i32 to index
        %get3A_702 = arith.index_cast %scan3A_665 : i32 to index
        %get3A_703 = arith.constant 32 : index
        %get3A_704 = tpu.vector_load %arg8[%get3A_701, %get3A_702, %get3A_703] {strides = array<i32>} : memref<5x128x64xf32, #tpu.memory_space<vmem>>, vector<1x1x16xf32>,
        %get3A_705 = vector.shape_cast %get3A_704 : vector<1x1x16xf32> to vector<16xf32>
        %mul3A_706 = arith.constant 8.000000e+00 : f32
        %mul3A_707 = vector.broadcast %mul3A_706 : f32 to vector<16xf32>
        %mul3A_708 = arith.mulf %get3A_705, %mul3A_707 : vector<16xf32>
        %add3A_709 = arith.addf %mul3A_708, %get3A_428 : vector<16xf32>
        %swap3A_710 = arith.constant 3 : i32
        %swap3A_711 = arith.index_cast %swap3A_710 : i32 to index
        %swap3A_712 = arith.index_cast %scan3A_665 : i32 to index
        %swap3A_713 = arith.constant 32 : index
        %swap3A_714 = tpu.vector_load %arg8[%swap3A_711, %swap3A_712, %swap3A_713] {strides = array<i32>} : memref<5x128x64xf32, #tpu.memory_space<vmem>>, vector<1x1x16xf32>,
        %swap3A_715 = vector.shape_cast %swap3A_714 : vector<1x1x16xf32> to vector<16xf32>
        %swap3A_716 = vector.shape_cast %add3A_709 : vector<16xf32> to vector<1x1x16xf32>
        tpu.vector_store %arg8[%swap3A_711, %swap3A_712, %swap3A_713], %swap3A_716 {strides = array<i32>} : memref<5x128x64xf32, #tpu.memory_space<vmem>>, vector<1x1x16xf32>,
        %get3A_717 = arith.constant 3 : i32
        %get3A_718 = arith.index_cast %get3A_717 : i32 to index
        %get3A_719 = arith.index_cast %scan3A_665 : i32 to index
        %get3A_720 = arith.constant 48 : index
        %get3A_721 = tpu.vector_load %arg8[%get3A_718, %get3A_719, %get3A_720] {strides = array<i32>} : memref<5x128x64xf32, #tpu.memory_space<vmem>>, vector<1x1x16xf32>,
        %get3A_722 = vector.shape_cast %get3A_721 : vector<1x1x16xf32> to vector<16xf32>
        %mul3A_723 = arith.constant 8.000000e+00 : f32
        %mul3A_724 = vector.broadcast %mul3A_723 : f32 to vector<16xf32>
        %mul3A_725 = arith.mulf %get3A_722, %mul3A_724 : vector<16xf32>
        %add3A_726 = arith.addf %mul3A_725, %get3A_432 : vector<16xf32>
        %swap3A_727 = arith.constant 3 : i32
        %swap3A_728 = arith.index_cast %swap3A_727 : i32 to index
        %swap3A_729 = arith.index_cast %scan3A_665 : i32 to index
        %swap3A_730 = arith.constant 48 : index
        %swap3A_731 = tpu.vector_load %arg8[%swap3A_728, %swap3A_729, %swap3A_730] {strides = array<i32>} : memref<5x128x64xf32, #tpu.memory_space<vmem>>, vector<1x1x16xf32>,
        %swap3A_732 = vector.shape_cast %swap3A_731 : vector<1x1x16xf32> to vector<16xf32>
        %swap3A_733 = vector.shape_cast %add3A_726 : vector<16xf32> to vector<1x1x16xf32>
        tpu.vector_store %arg8[%swap3A_728, %swap3A_729, %swap3A_730], %swap3A_733 {strides = array<i32>} : memref<5x128x64xf32, #tpu.memory_space<vmem>>, vector<1x1x16xf32>,
        %scan3A_734 = arith.constant 3 : i32
        %scan3A_735 = arith.addi %scan3A_526, %scan3A_734 : i32
        %get3A_736 = arith.constant 3 : i32
        %get3A_737 = arith.index_cast %get3A_736 : i32 to index
        %get3A_738 = arith.index_cast %scan3A_735 : i32 to index
        %get3A_739 = arith.constant 0 : index
        %get3A_740 = tpu.vector_load %arg8[%get3A_737, %get3A_738, %get3A_739] {strides = array<i32>} : memref<5x128x64xf32, #tpu.memory_space<vmem>>, vector<1x1x16xf32>,
        %get3A_741 = vector.shape_cast %get3A_740 : vector<1x1x16xf32> to vector<16xf32>
        %mul3A_742 = arith.constant 8.000000e+00 : f32
        %mul3A_743 = vector.broadcast %mul3A_742 : f32 to vector<16xf32>
        %mul3A_744 = arith.mulf %get3A_741, %mul3A_743 : vector<16xf32>
        %add3A_745 = arith.addf %mul3A_744, %get3A_420 : vector<16xf32>
        %swap3A_746 = arith.constant 3 : i32
        %swap3A_747 = arith.index_cast %swap3A_746 : i32 to index
        %swap3A_748 = arith.index_cast %scan3A_735 : i32 to index
        %swap3A_749 = arith.constant 0 : index
        %swap3A_750 = tpu.vector_load %arg8[%swap3A_747, %swap3A_748, %swap3A_749] {strides = array<i32>} : memref<5x128x64xf32, #tpu.memory_space<vmem>>, vector<1x1x16xf32>,
        %swap3A_751 = vector.shape_cast %swap3A_750 : vector<1x1x16xf32> to vector<16xf32>
        %swap3A_752 = vector.shape_cast %add3A_745 : vector<16xf32> to vector<1x1x16xf32>
        tpu.vector_store %arg8[%swap3A_747, %swap3A_748, %swap3A_749], %swap3A_752 {strides = array<i32>} : memref<5x128x64xf32, #tpu.memory_space<vmem>>, vector<1x1x16xf32>,
        %get3A_753 = arith.constant 3 : i32
        %get3A_754 = arith.index_cast %get3A_753 : i32 to index
        %get3A_755 = arith.index_cast %scan3A_735 : i32 to index
        %get3A_756 = arith.constant 16 : index
        %get3A_757 = tpu.vector_load %arg8[%get3A_754, %get3A_755, %get3A_756] {strides = array<i32>} : memref<5x128x64xf32, #tpu.memory_space<vmem>>, vector<1x1x16xf32>,
        %get3A_758 = vector.shape_cast %get3A_757 : vector<1x1x16xf32> to vector<16xf32>
        %mul3A_759 = arith.constant 8.000000e+00 : f32
        %mul3A_760 = vector.broadcast %mul3A_759 : f32 to vector<16xf32>
        %mul3A_761 = arith.mulf %get3A_758, %mul3A_760 : vector<16xf32>
        %add3A_762 = arith.addf %mul3A_761, %get3A_424 : vector<16xf32>
        %swap3A_763 = arith.constant 3 : i32
        %swap3A_764 = arith.index_cast %swap3A_763 : i32 to index
        %swap3A_765 = arith.index_cast %scan3A_735 : i32 to index
        %swap3A_766 = arith.constant 16 : index
        %swap3A_767 = tpu.vector_load %arg8[%swap3A_764, %swap3A_765, %swap3A_766] {strides = array<i32>} : memref<5x128x64xf32, #tpu.memory_space<vmem>>, vector<1x1x16xf32>,
        %swap3A_768 = vector.shape_cast %swap3A_767 : vector<1x1x16xf32> to vector<16xf32>
        %swap3A_769 = vector.shape_cast %add3A_762 : vector<16xf32> to vector<1x1x16xf32>
        tpu.vector_store %arg8[%swap3A_764, %swap3A_765, %swap3A_766], %swap3A_769 {strides = array<i32>} : memref<5x128x64xf32, #tpu.memory_space<vmem>>, vector<1x1x16xf32>,
        %get3A_770 = arith.constant 3 : i32
        %get3A_771 = arith.index_cast %get3A_770 : i32 to index
        %get3A_772 = arith.index_cast %scan3A_735 : i32 to index
        %get3A_773 = arith.constant 32 : index
        %get3A_774 = tpu.vector_load %arg8[%get3A_771, %get3A_772, %get3A_773] {strides = array<i32>} : memref<5x128x64xf32, #tpu.memory_space<vmem>>, vector<1x1x16xf32>,
        %get3A_775 = vector.shape_cast %get3A_774 : vector<1x1x16xf32> to vector<16xf32>
        %mul3A_776 = arith.constant 8.000000e+00 : f32
        %mul3A_777 = vector.broadcast %mul3A_776 : f32 to vector<16xf32>
        %mul3A_778 = arith.mulf %get3A_775, %mul3A_777 : vector<16xf32>
        %add3A_779 = arith.addf %mul3A_778, %get3A_428 : vector<16xf32>
        %swap3A_780 = arith.constant 3 : i32
        %swap3A_781 = arith.index_cast %swap3A_780 : i32 to index
        %swap3A_782 = arith.index_cast %scan3A_735 : i32 to index
        %swap3A_783 = arith.constant 32 : index
        %swap3A_784 = tpu.vector_load %arg8[%swap3A_781, %swap3A_782, %swap3A_783] {strides = array<i32>} : memref<5x128x64xf32, #tpu.memory_space<vmem>>, vector<1x1x16xf32>,
        %swap3A_785 = vector.shape_cast %swap3A_784 : vector<1x1x16xf32> to vector<16xf32>
        %swap3A_786 = vector.shape_cast %add3A_779 : vector<16xf32> to vector<1x1x16xf32>
        tpu.vector_store %arg8[%swap3A_781, %swap3A_782, %swap3A_783], %swap3A_786 {strides = array<i32>} : memref<5x128x64xf32, #tpu.memory_space<vmem>>, vector<1x1x16xf32>,
        %get3A_787 = arith.constant 3 : i32
        %get3A_788 = arith.index_cast %get3A_787 : i32 to index
        %get3A_789 = arith.index_cast %scan3A_735 : i32 to index
        %get3A_790 = arith.constant 48 : index
        %get3A_791 = tpu.vector_load %arg8[%get3A_788, %get3A_789, %get3A_790] {strides = array<i32>} : memref<5x128x64xf32, #tpu.memory_space<vmem>>, vector<1x1x16xf32>,
        %get3A_792 = vector.shape_cast %get3A_791 : vector<1x1x16xf32> to vector<16xf32>
        %mul3A_793 = arith.constant 8.000000e+00 : f32
        %mul3A_794 = vector.broadcast %mul3A_793 : f32 to vector<16xf32>
        %mul3A_795 = arith.mulf %get3A_792, %mul3A_794 : vector<16xf32>
        %add3A_796 = arith.addf %mul3A_795, %get3A_432 : vector<16xf32>
        %swap3A_797 = arith.constant 3 : i32
        %swap3A_798 = arith.index_cast %swap3A_797 : i32 to index
        %swap3A_799 = arith.index_cast %scan3A_735 : i32 to index
        %swap3A_800 = arith.constant 48 : index
        %swap3A_801 = tpu.vector_load %arg8[%swap3A_798, %swap3A_799, %swap3A_800] {strides = array<i32>} : memref<5x128x64xf32, #tpu.memory_space<vmem>>, vector<1x1x16xf32>,
        %swap3A_802 = vector.shape_cast %swap3A_801 : vector<1x1x16xf32> to vector<16xf32>
        %swap3A_803 = vector.shape_cast %add3A_796 : vector<16xf32> to vector<1x1x16xf32>
        tpu.vector_store %arg8[%swap3A_798, %swap3A_799, %swap3A_800], %swap3A_803 {strides = array<i32>} : memref<5x128x64xf32, #tpu.memory_space<vmem>>, vector<1x1x16xf32>,
      }
      %scan3A_437 = arith.constant 128 : i32
      %dma_start3A_438 = arith.constant 3 : i32
      %dma_start3A_439 = arith.constant 0 : i32
      %dma_start3A_440 = arith.constant 0 : i32
      %dma_start3A_441 = tpu.memref_slice %arg8[%dma_start3A_438, %dma_start3A_439, %dma_start3A_440] : memref<5x128x64xf32, #tpu.memory_space<vmem>> -> memref<1x128x64xf32, #tpu.memory_space<vmem>>
      %dma_start3A_442 = tpu.memref_squeeze %dma_start3A_441 : memref<1x128x64xf32, #tpu.memory_space<vmem>> -> memref<128x64xf32, #tpu.memory_space<vmem>>
      %dma_start3A_443 = arith.constant 0 : i32
      %dma_start3A_444 = tpu.memref_slice %arg5[%multiple_of3A_405, %div3A_400, %dma_start3A_443] : memref<1024x200x64xf32, #tpu.memory_space<hbm>> -> memref<128x1x64xf32, #tpu.memory_space<hbm>>
      %dma_start3A_445 = tpu.memref_squeeze %dma_start3A_444 : memref<128x1x64xf32, #tpu.memory_space<hbm>> -> memref<128x64xf32, #tpu.memory_space<hbm>>
      %dma_start3A_446 = arith.constant 0 : i32
      %dma_start3A_447 = tpu.memref_slice %arg5[%multiple_of3A_405, %div3A_400, %dma_start3A_446] : memref<1024x200x64xf32, #tpu.memory_space<hbm>> -> memref<128x1x64xf32, #tpu.memory_space<hbm>>
      %dma_start3A_448 = tpu.memref_squeeze %dma_start3A_447 : memref<128x1x64xf32, #tpu.memory_space<hbm>> -> memref<128x64xf32, #tpu.memory_space<hbm>>
      %dma_start3A_449 = arith.constant 0 : i32
      %dma_start3A_450 = arith.constant 0 : i32
      %dma_start3A_451 = tpu.memref_slice %arg8[%dma_start3A_438, %dma_start3A_449, %dma_start3A_450] : memref<5x128x64xf32, #tpu.memory_space<vmem>> -> memref<1x128x64xf32, #tpu.memory_space<vmem>>
      %dma_start3A_452 = tpu.memref_squeeze %dma_start3A_451 : memref<1x128x64xf32, #tpu.memory_space<vmem>> -> memref<128x64xf32, #tpu.memory_space<vmem>>
      tpu.enqueue_dma source(%dma_start3A_452 : memref<128x64xf32, #tpu.memory_space<vmem>>) target(%dma_start3A_448 : memref<128x64xf32, #tpu.memory_space<hbm>>) target_semaphore(%arg17 : memref<!tpu.dma_semaphore, #tpu.memory_space<semaphore_mem>>)
      %add3A_453 = arith.constant 1 : i32
      %add3A_454 = arith.addi %scan3A_199, %add3A_453 : i32
      %lt3A_455 = arith.constant 10 : i32
      %lt3A_456 = arith.cmpi slt, %add3A_454, %lt3A_455 : i32
      %convert_element_type3A_457 = arith.extui %lt3A_456 : i1 to i32
      %cond3A_458 = arith.constant 0 : i32
      %cond3A_459 = arith.cmpi ne, %convert_element_type3A_457, %cond3A_458 : i32
      scf.if %cond3A_459 {
        %dma_wait3A_526 = arith.constant 3 : i32
        %dma_wait3A_527 = arith.constant 0 : i32
        %dma_wait3A_528 = arith.constant 0 : i32
        %dma_wait3A_529 = tpu.memref_slice %arg8[%dma_wait3A_526, %dma_wait3A_527, %dma_wait3A_528] : memref<5x128x64xf32, #tpu.memory_space<vmem>> -> memref<1x128x64xf32, #tpu.memory_space<vmem>>
        %dma_wait3A_530 = tpu.memref_squeeze %dma_wait3A_529 : memref<1x128x64xf32, #tpu.memory_space<vmem>> -> memref<128x64xf32, #tpu.memory_space<vmem>>
        %dma_wait3A_531 = arith.constant 0 : i32
        %dma_wait3A_532 = tpu.memref_slice %arg5[%multiple_of3A_405, %div3A_400, %dma_wait3A_531] : memref<1024x200x64xf32, #tpu.memory_space<hbm>> -> memref<128x1x64xf32, #tpu.memory_space<hbm>>
        %dma_wait3A_533 = tpu.memref_squeeze %dma_wait3A_532 : memref<128x1x64xf32, #tpu.memory_space<hbm>> -> memref<128x64xf32, #tpu.memory_space<hbm>>
        %dma_wait3A_534 = arith.constant 0 : i32
        %dma_wait3A_535 = tpu.memref_slice %arg5[%multiple_of3A_405, %div3A_400, %dma_wait3A_534] : memref<1024x200x64xf32, #tpu.memory_space<hbm>> -> memref<128x1x64xf32, #tpu.memory_space<hbm>>
        %dma_wait3A_536 = tpu.memref_squeeze %dma_wait3A_535 : memref<128x1x64xf32, #tpu.memory_space<hbm>> -> memref<128x64xf32, #tpu.memory_space<hbm>>
        %dma_wait3A_537 = arith.constant 0 : i32
        %dma_wait3A_538 = arith.constant 0 : i32
        %dma_wait3A_539 = tpu.memref_slice %arg8[%dma_wait3A_526, %dma_wait3A_537, %dma_wait3A_538] : memref<5x128x64xf32, #tpu.memory_space<vmem>> -> memref<1x128x64xf32, #tpu.memory_space<vmem>>
        %dma_wait3A_540 = tpu.memref_squeeze %dma_wait3A_539 : memref<1x128x64xf32, #tpu.memory_space<vmem>> -> memref<128x64xf32, #tpu.memory_space<vmem>>
        tpu.wait_dma2 semaphore(%arg17 : memref<!tpu.dma_semaphore, #tpu.memory_space<semaphore_mem>>) src(%dma_wait3A_540 : memref<128x64xf32, #tpu.memory_space<vmem>>) dst(%dma_wait3A_536 : memref<128x64xf32, #tpu.memory_space<hbm>>)
        %add3A_541 = arith.constant 5 : i32
        %add3A_542 = arith.addi %add3A_397, %add3A_541 : i32
        %dma_start3A_543 = arith.constant 3 : i32
        %dma_start3A_544 = arith.constant 0 : i32
        %dma_start3A_545 = arith.constant 0 : i32
        %dma_start3A_546 = tpu.memref_slice %arg8[%dma_start3A_543, %dma_start3A_544, %dma_start3A_545] : memref<5x128x64xf32, #tpu.memory_space<vmem>> -> memref<1x128x64xf32, #tpu.memory_space<vmem>>
        %dma_start3A_547 = tpu.memref_squeeze %dma_start3A_546 : memref<1x128x64xf32, #tpu.memory_space<vmem>> -> memref<128x64xf32, #tpu.memory_space<vmem>>
        %dma_start3A_548 = arith.constant 0 : i32
        %dma_start3A_549 = tpu.memref_slice %arg6[%add3A_542, %dma_start3A_548] : memref<50x128xi32, #tpu.memory_space<vmem>> -> memref<1x128xi32, #tpu.memory_space<vmem>>
        %dma_start3A_550 = tpu.memref_squeeze %dma_start3A_549 : memref<1x128xi32, #tpu.memory_space<vmem>> -> memref<128xi32, #tpu.memory_space<vmem>>
        %dma_start3A_551 = arith.constant 0 : i32
        %dma_start3A_552 = arith.constant 0 : i32
        %dma_start3A_553 = tpu.memref_slice %arg2[%dma_start3A_551, %dma_start3A_552] : memref<1000000x64xf32, #tpu.memory_space<hbm>> -> memref<1000000x64xf32, #tpu.memory_space<hbm>>
        tpu.enqueue_indirect_dma source(%dma_start3A_553 : memref<1000000x64xf32, #tpu.memory_space<hbm>>) target(%dma_start3A_547 : memref<128x64xf32, #tpu.memory_space<vmem>>) offsets(%dma_start3A_550 : memref<128xi32, #tpu.memory_space<vmem>>) semaphore(%arg12 : memref<!tpu.dma_semaphore, #tpu.memory_space<semaphore_mem>>)
      } else {
      }
      %mul3A_460 = arith.constant 5 : i32
      %mul3A_461 = arith.muli %scan3A_199, %mul3A_460 : i32
      %add3A_462 = arith.constant 4 : i32
      %add3A_463 = arith.addi %mul3A_461, %add3A_462 : i32
      %add3A_464 = arith.addi %mul3A_2, %add3A_463 : i32
      %div3A_465 = arith.constant 8 : i32
      %div3A_466 = arith.divsi %add3A_464, %div3A_465 : i32
      %rem3A_467 = arith.constant 8 : i32
      %rem3A_468 = arith.remsi %add3A_464, %rem3A_467 : i32
      %mul3A_469 = arith.constant 128 : i32
      %mul3A_470 = arith.muli %rem3A_468, %mul3A_469 : i32
      %multiple_of3A_471 = tpu.assume_multiple %mul3A_470, 128 : i32
      %dma_wait3A_472 = arith.constant 4 : i32
      %dma_wait3A_473 = arith.constant 0 : i32
      %dma_wait3A_474 = arith.constant 0 : i32
      %dma_wait3A_475 = tpu.memref_slice %arg8[%dma_wait3A_472, %dma_wait3A_473, %dma_wait3A_474] : memref<5x128x64xf32, #tpu.memory_space<vmem>> -> memref<1x128x64xf32, #tpu.memory_space<vmem>>
      %dma_wait3A_476 = tpu.memref_squeeze %dma_wait3A_475 : memref<1x128x64xf32, #tpu.memory_space<vmem>> -> memref<128x64xf32, #tpu.memory_space<vmem>>
      %dma_wait3A_477 = arith.constant 0 : i32
      %dma_wait3A_478 = tpu.memref_slice %arg6[%add3A_463, %dma_wait3A_477] : memref<50x128xi32, #tpu.memory_space<vmem>> -> memref<1x128xi32, #tpu.memory_space<vmem>>
      %dma_wait3A_479 = tpu.memref_squeeze %dma_wait3A_478 : memref<1x128xi32, #tpu.memory_space<vmem>> -> memref<128xi32, #tpu.memory_space<vmem>>
      %dma_wait3A_480 = arith.constant 0 : i32
      %dma_wait3A_481 = arith.constant 0 : i32
      %dma_wait3A_482 = tpu.memref_slice %arg2[%dma_wait3A_480, %dma_wait3A_481] : memref<1000000x64xf32, #tpu.memory_space<hbm>> -> memref<1000000x64xf32, #tpu.memory_space<hbm>>
      tpu.wait_indirect_dma semaphore(%arg13 : memref<!tpu.dma_semaphore, #tpu.memory_space<semaphore_mem>>) src(%dma_wait3A_482 : memref<1000000x64xf32, #tpu.memory_space<hbm>>) dst(%dma_wait3A_476 : memref<128x64xf32, #tpu.memory_space<vmem>>)
      %get3A_483 = arith.index_cast %div3A_466 : i32 to index
      %get3A_484 = arith.constant 0 : index
      %get3A_485 = tpu.vector_load %arg7[%get3A_483, %get3A_484] {strides = array<i32>} : memref<200x64xf32, #tpu.memory_space<vmem>>, vector<1x16xf32>,
      %get3A_486 = vector.shape_cast %get3A_485 : vector<1x16xf32> to vector<16xf32>
      %get3A_487 = arith.index_cast %div3A_466 : i32 to index
      %get3A_488 = arith.constant 16 : index
      %get3A_489 = tpu.vector_load %arg7[%get3A_487, %get3A_488] {strides = array<i32>} : memref<200x64xf32, #tpu.memory_space<vmem>>, vector<1x16xf32>,
      %get3A_490 = vector.shape_cast %get3A_489 : vector<1x16xf32> to vector<16xf32>
      %get3A_491 = arith.index_cast %div3A_466 : i32 to index
      %get3A_492 = arith.constant 32 : index
      %get3A_493 = tpu.vector_load %arg7[%get3A_491, %get3A_492] {strides = array<i32>} : memref<200x64xf32, #tpu.memory_space<vmem>>, vector<1x16xf32>,
      %get3A_494 = vector.shape_cast %get3A_493 : vector<1x16xf32> to vector<16xf32>
      %get3A_495 = arith.index_cast %div3A_466 : i32 to index
      %get3A_496 = arith.constant 48 : index
      %get3A_497 = tpu.vector_load %arg7[%get3A_495, %get3A_496] {strides = array<i32>} : memref<200x64xf32, #tpu.memory_space<vmem>>, vector<1x16xf32>,
      %get3A_498 = vector.shape_cast %get3A_497 : vector<1x16xf32> to vector<16xf32>
      %scan3A_499 = arith.constant 0 : i32
      %scan3A_500 = arith.constant 128 : i32
      %scan3A_501 = arith.addi %scan3A_499, %scan3A_500 : i32
      %scan3A_502 = arith.constant 4 : i32
      scf.for %scan3A_526 = %scan3A_499 to %scan3A_501 step %scan3A_502  : i32 {
        %get3A_527 = arith.constant 4 : i32
        %get3A_528 = arith.index_cast %get3A_527 : i32 to index
        %get3A_529 = arith.index_cast %scan3A_526 : i32 to index
        %get3A_530 = arith.constant 0 : index
        %get3A_531 = tpu.vector_load %arg8[%get3A_528, %get3A_529, %get3A_530] {strides = array<i32>} : memref<5x128x64xf32, #tpu.memory_space<vmem>>, vector<1x1x16xf32>,
        %get3A_532 = vector.shape_cast %get3A_531 : vector<1x1x16xf32> to vector<16xf32>
        %mul3A_533 = arith.constant 8.000000e+00 : f32
        %mul3A_534 = vector.broadcast %mul3A_533 : f32 to vector<16xf32>
        %mul3A_535 = arith.mulf %get3A_532, %mul3A_534 : vector<16xf32>
        %add3A_536 = arith.addf %mul3A_535, %get3A_486 : vector<16xf32>
        %swap3A = arith.constant 4 : i32
        %swap3A_537 = arith.index_cast %swap3A : i32 to index
        %swap3A_538 = arith.index_cast %scan3A_526 : i32 to index
        %swap3A_539 = arith.constant 0 : index
        %swap3A_540 = tpu.vector_load %arg8[%swap3A_537, %swap3A_538, %swap3A_539] {strides = array<i32>} : memref<5x128x64xf32, #tpu.memory_space<vmem>>, vector<1x1x16xf32>,
        %swap3A_541 = vector.shape_cast %swap3A_540 : vector<1x1x16xf32> to vector<16xf32>
        %swap3A_542 = vector.shape_cast %add3A_536 : vector<16xf32> to vector<1x1x16xf32>
        tpu.vector_store %arg8[%swap3A_537, %swap3A_538, %swap3A_539], %swap3A_542 {strides = array<i32>} : memref<5x128x64xf32, #tpu.memory_space<vmem>>, vector<1x1x16xf32>,
        %get3A_543 = arith.constant 4 : i32
        %get3A_544 = arith.index_cast %get3A_543 : i32 to index
        %get3A_545 = arith.index_cast %scan3A_526 : i32 to index
        %get3A_546 = arith.constant 16 : index
        %get3A_547 = tpu.vector_load %arg8[%get3A_544, %get3A_545, %get3A_546] {strides = array<i32>} : memref<5x128x64xf32, #tpu.memory_space<vmem>>, vector<1x1x16xf32>,
        %get3A_548 = vector.shape_cast %get3A_547 : vector<1x1x16xf32> to vector<16xf32>
        %mul3A_549 = arith.constant 8.000000e+00 : f32
        %mul3A_550 = vector.broadcast %mul3A_549 : f32 to vector<16xf32>
        %mul3A_551 = arith.mulf %get3A_548, %mul3A_550 : vector<16xf32>
        %add3A_552 = arith.addf %mul3A_551, %get3A_490 : vector<16xf32>
        %swap3A_553 = arith.constant 4 : i32
        %swap3A_554 = arith.index_cast %swap3A_553 : i32 to index
        %swap3A_555 = arith.index_cast %scan3A_526 : i32 to index
        %swap3A_556 = arith.constant 16 : index
        %swap3A_557 = tpu.vector_load %arg8[%swap3A_554, %swap3A_555, %swap3A_556] {strides = array<i32>} : memref<5x128x64xf32, #tpu.memory_space<vmem>>, vector<1x1x16xf32>,
        %swap3A_558 = vector.shape_cast %swap3A_557 : vector<1x1x16xf32> to vector<16xf32>
        %swap3A_559 = vector.shape_cast %add3A_552 : vector<16xf32> to vector<1x1x16xf32>
        tpu.vector_store %arg8[%swap3A_554, %swap3A_555, %swap3A_556], %swap3A_559 {strides = array<i32>} : memref<5x128x64xf32, #tpu.memory_space<vmem>>, vector<1x1x16xf32>,
        %get3A_560 = arith.constant 4 : i32
        %get3A_561 = arith.index_cast %get3A_560 : i32 to index
        %get3A_562 = arith.index_cast %scan3A_526 : i32 to index
        %get3A_563 = arith.constant 32 : index
        %get3A_564 = tpu.vector_load %arg8[%get3A_561, %get3A_562, %get3A_563] {strides = array<i32>} : memref<5x128x64xf32, #tpu.memory_space<vmem>>, vector<1x1x16xf32>,
        %get3A_565 = vector.shape_cast %get3A_564 : vector<1x1x16xf32> to vector<16xf32>
        %mul3A_566 = arith.constant 8.000000e+00 : f32
        %mul3A_567 = vector.broadcast %mul3A_566 : f32 to vector<16xf32>
        %mul3A_568 = arith.mulf %get3A_565, %mul3A_567 : vector<16xf32>
        %add3A_569 = arith.addf %mul3A_568, %get3A_494 : vector<16xf32>
        %swap3A_570 = arith.constant 4 : i32
        %swap3A_571 = arith.index_cast %swap3A_570 : i32 to index
        %swap3A_572 = arith.index_cast %scan3A_526 : i32 to index
        %swap3A_573 = arith.constant 32 : index
        %swap3A_574 = tpu.vector_load %arg8[%swap3A_571, %swap3A_572, %swap3A_573] {strides = array<i32>} : memref<5x128x64xf32, #tpu.memory_space<vmem>>, vector<1x1x16xf32>,
        %swap3A_575 = vector.shape_cast %swap3A_574 : vector<1x1x16xf32> to vector<16xf32>
        %swap3A_576 = vector.shape_cast %add3A_569 : vector<16xf32> to vector<1x1x16xf32>
        tpu.vector_store %arg8[%swap3A_571, %swap3A_572, %swap3A_573], %swap3A_576 {strides = array<i32>} : memref<5x128x64xf32, #tpu.memory_space<vmem>>, vector<1x1x16xf32>,
        %get3A_577 = arith.constant 4 : i32
        %get3A_578 = arith.index_cast %get3A_577 : i32 to index
        %get3A_579 = arith.index_cast %scan3A_526 : i32 to index
        %get3A_580 = arith.constant 48 : index
        %get3A_581 = tpu.vector_load %arg8[%get3A_578, %get3A_579, %get3A_580] {strides = array<i32>} : memref<5x128x64xf32, #tpu.memory_space<vmem>>, vector<1x1x16xf32>,
        %get3A_582 = vector.shape_cast %get3A_581 : vector<1x1x16xf32> to vector<16xf32>
        %mul3A_583 = arith.constant 8.000000e+00 : f32
        %mul3A_584 = vector.broadcast %mul3A_583 : f32 to vector<16xf32>
        %mul3A_585 = arith.mulf %get3A_582, %mul3A_584 : vector<16xf32>
        %add3A_586 = arith.addf %mul3A_585, %get3A_498 : vector<16xf32>
        %swap3A_587 = arith.constant 4 : i32
        %swap3A_588 = arith.index_cast %swap3A_587 : i32 to index
        %swap3A_589 = arith.index_cast %scan3A_526 : i32 to index
        %swap3A_590 = arith.constant 48 : index
        %swap3A_591 = tpu.vector_load %arg8[%swap3A_588, %swap3A_589, %swap3A_590] {strides = array<i32>} : memref<5x128x64xf32, #tpu.memory_space<vmem>>, vector<1x1x16xf32>,
        %swap3A_592 = vector.shape_cast %swap3A_591 : vector<1x1x16xf32> to vector<16xf32>
        %swap3A_593 = vector.shape_cast %add3A_586 : vector<16xf32> to vector<1x1x16xf32>
        tpu.vector_store %arg8[%swap3A_588, %swap3A_589, %swap3A_590], %swap3A_593 {strides = array<i32>} : memref<5x128x64xf32, #tpu.memory_space<vmem>>, vector<1x1x16xf32>,
        %scan3A_594 = arith.constant 1 : i32
        %scan3A_595 = arith.addi %scan3A_526, %scan3A_594 : i32
        %get3A_596 = arith.constant 4 : i32
        %get3A_597 = arith.index_cast %get3A_596 : i32 to index
        %get3A_598 = arith.index_cast %scan3A_595 : i32 to index
        %get3A_599 = arith.constant 0 : index
        %get3A_600 = tpu.vector_load %arg8[%get3A_597, %get3A_598, %get3A_599] {strides = array<i32>} : memref<5x128x64xf32, #tpu.memory_space<vmem>>, vector<1x1x16xf32>,
        %get3A_601 = vector.shape_cast %get3A_600 : vector<1x1x16xf32> to vector<16xf32>
        %mul3A_602 = arith.constant 8.000000e+00 : f32
        %mul3A_603 = vector.broadcast %mul3A_602 : f32 to vector<16xf32>
        %mul3A_604 = arith.mulf %get3A_601, %mul3A_603 : vector<16xf32>
        %add3A_605 = arith.addf %mul3A_604, %get3A_486 : vector<16xf32>
        %swap3A_606 = arith.constant 4 : i32
        %swap3A_607 = arith.index_cast %swap3A_606 : i32 to index
        %swap3A_608 = arith.index_cast %scan3A_595 : i32 to index
        %swap3A_609 = arith.constant 0 : index
        %swap3A_610 = tpu.vector_load %arg8[%swap3A_607, %swap3A_608, %swap3A_609] {strides = array<i32>} : memref<5x128x64xf32, #tpu.memory_space<vmem>>, vector<1x1x16xf32>,
        %swap3A_611 = vector.shape_cast %swap3A_610 : vector<1x1x16xf32> to vector<16xf32>
        %swap3A_612 = vector.shape_cast %add3A_605 : vector<16xf32> to vector<1x1x16xf32>
        tpu.vector_store %arg8[%swap3A_607, %swap3A_608, %swap3A_609], %swap3A_612 {strides = array<i32>} : memref<5x128x64xf32, #tpu.memory_space<vmem>>, vector<1x1x16xf32>,
        %get3A_613 = arith.constant 4 : i32
        %get3A_614 = arith.index_cast %get3A_613 : i32 to index
        %get3A_615 = arith.index_cast %scan3A_595 : i32 to index
        %get3A_616 = arith.constant 16 : index
        %get3A_617 = tpu.vector_load %arg8[%get3A_614, %get3A_615, %get3A_616] {strides = array<i32>} : memref<5x128x64xf32, #tpu.memory_space<vmem>>, vector<1x1x16xf32>,
        %get3A_618 = vector.shape_cast %get3A_617 : vector<1x1x16xf32> to vector<16xf32>
        %mul3A_619 = arith.constant 8.000000e+00 : f32
        %mul3A_620 = vector.broadcast %mul3A_619 : f32 to vector<16xf32>
        %mul3A_621 = arith.mulf %get3A_618, %mul3A_620 : vector<16xf32>
        %add3A_622 = arith.addf %mul3A_621, %get3A_490 : vector<16xf32>
        %swap3A_623 = arith.constant 4 : i32
        %swap3A_624 = arith.index_cast %swap3A_623 : i32 to index
        %swap3A_625 = arith.index_cast %scan3A_595 : i32 to index
        %swap3A_626 = arith.constant 16 : index
        %swap3A_627 = tpu.vector_load %arg8[%swap3A_624, %swap3A_625, %swap3A_626] {strides = array<i32>} : memref<5x128x64xf32, #tpu.memory_space<vmem>>, vector<1x1x16xf32>,
        %swap3A_628 = vector.shape_cast %swap3A_627 : vector<1x1x16xf32> to vector<16xf32>
        %swap3A_629 = vector.shape_cast %add3A_622 : vector<16xf32> to vector<1x1x16xf32>
        tpu.vector_store %arg8[%swap3A_624, %swap3A_625, %swap3A_626], %swap3A_629 {strides = array<i32>} : memref<5x128x64xf32, #tpu.memory_space<vmem>>, vector<1x1x16xf32>,
        %get3A_630 = arith.constant 4 : i32
        %get3A_631 = arith.index_cast %get3A_630 : i32 to index
        %get3A_632 = arith.index_cast %scan3A_595 : i32 to index
        %get3A_633 = arith.constant 32 : index
        %get3A_634 = tpu.vector_load %arg8[%get3A_631, %get3A_632, %get3A_633] {strides = array<i32>} : memref<5x128x64xf32, #tpu.memory_space<vmem>>, vector<1x1x16xf32>,
        %get3A_635 = vector.shape_cast %get3A_634 : vector<1x1x16xf32> to vector<16xf32>
        %mul3A_636 = arith.constant 8.000000e+00 : f32
        %mul3A_637 = vector.broadcast %mul3A_636 : f32 to vector<16xf32>
        %mul3A_638 = arith.mulf %get3A_635, %mul3A_637 : vector<16xf32>
        %add3A_639 = arith.addf %mul3A_638, %get3A_494 : vector<16xf32>
        %swap3A_640 = arith.constant 4 : i32
        %swap3A_641 = arith.index_cast %swap3A_640 : i32 to index
        %swap3A_642 = arith.index_cast %scan3A_595 : i32 to index
        %swap3A_643 = arith.constant 32 : index
        %swap3A_644 = tpu.vector_load %arg8[%swap3A_641, %swap3A_642, %swap3A_643] {strides = array<i32>} : memref<5x128x64xf32, #tpu.memory_space<vmem>>, vector<1x1x16xf32>,
        %swap3A_645 = vector.shape_cast %swap3A_644 : vector<1x1x16xf32> to vector<16xf32>
        %swap3A_646 = vector.shape_cast %add3A_639 : vector<16xf32> to vector<1x1x16xf32>
        tpu.vector_store %arg8[%swap3A_641, %swap3A_642, %swap3A_643], %swap3A_646 {strides = array<i32>} : memref<5x128x64xf32, #tpu.memory_space<vmem>>, vector<1x1x16xf32>,
        %get3A_647 = arith.constant 4 : i32
        %get3A_648 = arith.index_cast %get3A_647 : i32 to index
        %get3A_649 = arith.index_cast %scan3A_595 : i32 to index
        %get3A_650 = arith.constant 48 : index
        %get3A_651 = tpu.vector_load %arg8[%get3A_648, %get3A_649, %get3A_650] {strides = array<i32>} : memref<5x128x64xf32, #tpu.memory_space<vmem>>, vector<1x1x16xf32>,
        %get3A_652 = vector.shape_cast %get3A_651 : vector<1x1x16xf32> to vector<16xf32>
        %mul3A_653 = arith.constant 8.000000e+00 : f32
        %mul3A_654 = vector.broadcast %mul3A_653 : f32 to vector<16xf32>
        %mul3A_655 = arith.mulf %get3A_652, %mul3A_654 : vector<16xf32>
        %add3A_656 = arith.addf %mul3A_655, %get3A_498 : vector<16xf32>
        %swap3A_657 = arith.constant 4 : i32
        %swap3A_658 = arith.index_cast %swap3A_657 : i32 to index
        %swap3A_659 = arith.index_cast %scan3A_595 : i32 to index
        %swap3A_660 = arith.constant 48 : index
        %swap3A_661 = tpu.vector_load %arg8[%swap3A_658, %swap3A_659, %swap3A_660] {strides = array<i32>} : memref<5x128x64xf32, #tpu.memory_space<vmem>>, vector<1x1x16xf32>,
        %swap3A_662 = vector.shape_cast %swap3A_661 : vector<1x1x16xf32> to vector<16xf32>
        %swap3A_663 = vector.shape_cast %add3A_656 : vector<16xf32> to vector<1x1x16xf32>
        tpu.vector_store %arg8[%swap3A_658, %swap3A_659, %swap3A_660], %swap3A_663 {strides = array<i32>} : memref<5x128x64xf32, #tpu.memory_space<vmem>>, vector<1x1x16xf32>,
        %scan3A_664 = arith.constant 2 : i32
        %scan3A_665 = arith.addi %scan3A_526, %scan3A_664 : i32
        %get3A_666 = arith.constant 4 : i32
        %get3A_667 = arith.index_cast %get3A_666 : i32 to index
        %get3A_668 = arith.index_cast %scan3A_665 : i32 to index
        %get3A_669 = arith.constant 0 : index
        %get3A_670 = tpu.vector_load %arg8[%get3A_667, %get3A_668, %get3A_669] {strides = array<i32>} : memref<5x128x64xf32, #tpu.memory_space<vmem>>, vector<1x1x16xf32>,
        %get3A_671 = vector.shape_cast %get3A_670 : vector<1x1x16xf32> to vector<16xf32>
        %mul3A_672 = arith.constant 8.000000e+00 : f32
        %mul3A_673 = vector.broadcast %mul3A_672 : f32 to vector<16xf32>
        %mul3A_674 = arith.mulf %get3A_671, %mul3A_673 : vector<16xf32>
        %add3A_675 = arith.addf %mul3A_674, %get3A_486 : vector<16xf32>
        %swap3A_676 = arith.constant 4 : i32
        %swap3A_677 = arith.index_cast %swap3A_676 : i32 to index
        %swap3A_678 = arith.index_cast %scan3A_665 : i32 to index
        %swap3A_679 = arith.constant 0 : index
        %swap3A_680 = tpu.vector_load %arg8[%swap3A_677, %swap3A_678, %swap3A_679] {strides = array<i32>} : memref<5x128x64xf32, #tpu.memory_space<vmem>>, vector<1x1x16xf32>,
        %swap3A_681 = vector.shape_cast %swap3A_680 : vector<1x1x16xf32> to vector<16xf32>
        %swap3A_682 = vector.shape_cast %add3A_675 : vector<16xf32> to vector<1x1x16xf32>
        tpu.vector_store %arg8[%swap3A_677, %swap3A_678, %swap3A_679], %swap3A_682 {strides = array<i32>} : memref<5x128x64xf32, #tpu.memory_space<vmem>>, vector<1x1x16xf32>,
        %get3A_683 = arith.constant 4 : i32
        %get3A_684 = arith.index_cast %get3A_683 : i32 to index
        %get3A_685 = arith.index_cast %scan3A_665 : i32 to index
        %get3A_686 = arith.constant 16 : index
        %get3A_687 = tpu.vector_load %arg8[%get3A_684, %get3A_685, %get3A_686] {strides = array<i32>} : memref<5x128x64xf32, #tpu.memory_space<vmem>>, vector<1x1x16xf32>,
        %get3A_688 = vector.shape_cast %get3A_687 : vector<1x1x16xf32> to vector<16xf32>
        %mul3A_689 = arith.constant 8.000000e+00 : f32
        %mul3A_690 = vector.broadcast %mul3A_689 : f32 to vector<16xf32>
        %mul3A_691 = arith.mulf %get3A_688, %mul3A_690 : vector<16xf32>
        %add3A_692 = arith.addf %mul3A_691, %get3A_490 : vector<16xf32>
        %swap3A_693 = arith.constant 4 : i32
        %swap3A_694 = arith.index_cast %swap3A_693 : i32 to index
        %swap3A_695 = arith.index_cast %scan3A_665 : i32 to index
        %swap3A_696 = arith.constant 16 : index
        %swap3A_697 = tpu.vector_load %arg8[%swap3A_694, %swap3A_695, %swap3A_696] {strides = array<i32>} : memref<5x128x64xf32, #tpu.memory_space<vmem>>, vector<1x1x16xf32>,
        %swap3A_698 = vector.shape_cast %swap3A_697 : vector<1x1x16xf32> to vector<16xf32>
        %swap3A_699 = vector.shape_cast %add3A_692 : vector<16xf32> to vector<1x1x16xf32>
        tpu.vector_store %arg8[%swap3A_694, %swap3A_695, %swap3A_696], %swap3A_699 {strides = array<i32>} : memref<5x128x64xf32, #tpu.memory_space<vmem>>, vector<1x1x16xf32>,
        %get3A_700 = arith.constant 4 : i32
        %get3A_701 = arith.index_cast %get3A_700 : i32 to index
        %get3A_702 = arith.index_cast %scan3A_665 : i32 to index
        %get3A_703 = arith.constant 32 : index
        %get3A_704 = tpu.vector_load %arg8[%get3A_701, %get3A_702, %get3A_703] {strides = array<i32>} : memref<5x128x64xf32, #tpu.memory_space<vmem>>, vector<1x1x16xf32>,
        %get3A_705 = vector.shape_cast %get3A_704 : vector<1x1x16xf32> to vector<16xf32>
        %mul3A_706 = arith.constant 8.000000e+00 : f32
        %mul3A_707 = vector.broadcast %mul3A_706 : f32 to vector<16xf32>
        %mul3A_708 = arith.mulf %get3A_705, %mul3A_707 : vector<16xf32>
        %add3A_709 = arith.addf %mul3A_708, %get3A_494 : vector<16xf32>
        %swap3A_710 = arith.constant 4 : i32
        %swap3A_711 = arith.index_cast %swap3A_710 : i32 to index
        %swap3A_712 = arith.index_cast %scan3A_665 : i32 to index
        %swap3A_713 = arith.constant 32 : index
        %swap3A_714 = tpu.vector_load %arg8[%swap3A_711, %swap3A_712, %swap3A_713] {strides = array<i32>} : memref<5x128x64xf32, #tpu.memory_space<vmem>>, vector<1x1x16xf32>,
        %swap3A_715 = vector.shape_cast %swap3A_714 : vector<1x1x16xf32> to vector<16xf32>
        %swap3A_716 = vector.shape_cast %add3A_709 : vector<16xf32> to vector<1x1x16xf32>
        tpu.vector_store %arg8[%swap3A_711, %swap3A_712, %swap3A_713], %swap3A_716 {strides = array<i32>} : memref<5x128x64xf32, #tpu.memory_space<vmem>>, vector<1x1x16xf32>,
        %get3A_717 = arith.constant 4 : i32
        %get3A_718 = arith.index_cast %get3A_717 : i32 to index
        %get3A_719 = arith.index_cast %scan3A_665 : i32 to index
        %get3A_720 = arith.constant 48 : index
        %get3A_721 = tpu.vector_load %arg8[%get3A_718, %get3A_719, %get3A_720] {strides = array<i32>} : memref<5x128x64xf32, #tpu.memory_space<vmem>>, vector<1x1x16xf32>,
        %get3A_722 = vector.shape_cast %get3A_721 : vector<1x1x16xf32> to vector<16xf32>
        %mul3A_723 = arith.constant 8.000000e+00 : f32
        %mul3A_724 = vector.broadcast %mul3A_723 : f32 to vector<16xf32>
        %mul3A_725 = arith.mulf %get3A_722, %mul3A_724 : vector<16xf32>
        %add3A_726 = arith.addf %mul3A_725, %get3A_498 : vector<16xf32>
        %swap3A_727 = arith.constant 4 : i32
        %swap3A_728 = arith.index_cast %swap3A_727 : i32 to index
        %swap3A_729 = arith.index_cast %scan3A_665 : i32 to index
        %swap3A_730 = arith.constant 48 : index
        %swap3A_731 = tpu.vector_load %arg8[%swap3A_728, %swap3A_729, %swap3A_730] {strides = array<i32>} : memref<5x128x64xf32, #tpu.memory_space<vmem>>, vector<1x1x16xf32>,
        %swap3A_732 = vector.shape_cast %swap3A_731 : vector<1x1x16xf32> to vector<16xf32>
        %swap3A_733 = vector.shape_cast %add3A_726 : vector<16xf32> to vector<1x1x16xf32>
        tpu.vector_store %arg8[%swap3A_728, %swap3A_729, %swap3A_730], %swap3A_733 {strides = array<i32>} : memref<5x128x64xf32, #tpu.memory_space<vmem>>, vector<1x1x16xf32>,
        %scan3A_734 = arith.constant 3 : i32
        %scan3A_735 = arith.addi %scan3A_526, %scan3A_734 : i32
        %get3A_736 = arith.constant 4 : i32
        %get3A_737 = arith.index_cast %get3A_736 : i32 to index
        %get3A_738 = arith.index_cast %scan3A_735 : i32 to index
        %get3A_739 = arith.constant 0 : index
        %get3A_740 = tpu.vector_load %arg8[%get3A_737, %get3A_738, %get3A_739] {strides = array<i32>} : memref<5x128x64xf32, #tpu.memory_space<vmem>>, vector<1x1x16xf32>,
        %get3A_741 = vector.shape_cast %get3A_740 : vector<1x1x16xf32> to vector<16xf32>
        %mul3A_742 = arith.constant 8.000000e+00 : f32
        %mul3A_743 = vector.broadcast %mul3A_742 : f32 to vector<16xf32>
        %mul3A_744 = arith.mulf %get3A_741, %mul3A_743 : vector<16xf32>
        %add3A_745 = arith.addf %mul3A_744, %get3A_486 : vector<16xf32>
        %swap3A_746 = arith.constant 4 : i32
        %swap3A_747 = arith.index_cast %swap3A_746 : i32 to index
        %swap3A_748 = arith.index_cast %scan3A_735 : i32 to index
        %swap3A_749 = arith.constant 0 : index
        %swap3A_750 = tpu.vector_load %arg8[%swap3A_747, %swap3A_748, %swap3A_749] {strides = array<i32>} : memref<5x128x64xf32, #tpu.memory_space<vmem>>, vector<1x1x16xf32>,
        %swap3A_751 = vector.shape_cast %swap3A_750 : vector<1x1x16xf32> to vector<16xf32>
        %swap3A_752 = vector.shape_cast %add3A_745 : vector<16xf32> to vector<1x1x16xf32>
        tpu.vector_store %arg8[%swap3A_747, %swap3A_748, %swap3A_749], %swap3A_752 {strides = array<i32>} : memref<5x128x64xf32, #tpu.memory_space<vmem>>, vector<1x1x16xf32>,
        %get3A_753 = arith.constant 4 : i32
        %get3A_754 = arith.index_cast %get3A_753 : i32 to index
        %get3A_755 = arith.index_cast %scan3A_735 : i32 to index
        %get3A_756 = arith.constant 16 : index
        %get3A_757 = tpu.vector_load %arg8[%get3A_754, %get3A_755, %get3A_756] {strides = array<i32>} : memref<5x128x64xf32, #tpu.memory_space<vmem>>, vector<1x1x16xf32>,
        %get3A_758 = vector.shape_cast %get3A_757 : vector<1x1x16xf32> to vector<16xf32>
        %mul3A_759 = arith.constant 8.000000e+00 : f32
        %mul3A_760 = vector.broadcast %mul3A_759 : f32 to vector<16xf32>
        %mul3A_761 = arith.mulf %get3A_758, %mul3A_760 : vector<16xf32>
        %add3A_762 = arith.addf %mul3A_761, %get3A_490 : vector<16xf32>
        %swap3A_763 = arith.constant 4 : i32
        %swap3A_764 = arith.index_cast %swap3A_763 : i32 to index
        %swap3A_765 = arith.index_cast %scan3A_735 : i32 to index
        %swap3A_766 = arith.constant 16 : index
        %swap3A_767 = tpu.vector_load %arg8[%swap3A_764, %swap3A_765, %swap3A_766] {strides = array<i32>} : memref<5x128x64xf32, #tpu.memory_space<vmem>>, vector<1x1x16xf32>,
        %swap3A_768 = vector.shape_cast %swap3A_767 : vector<1x1x16xf32> to vector<16xf32>
        %swap3A_769 = vector.shape_cast %add3A_762 : vector<16xf32> to vector<1x1x16xf32>
        tpu.vector_store %arg8[%swap3A_764, %swap3A_765, %swap3A_766], %swap3A_769 {strides = array<i32>} : memref<5x128x64xf32, #tpu.memory_space<vmem>>, vector<1x1x16xf32>,
        %get3A_770 = arith.constant 4 : i32
        %get3A_771 = arith.index_cast %get3A_770 : i32 to index
        %get3A_772 = arith.index_cast %scan3A_735 : i32 to index
        %get3A_773 = arith.constant 32 : index
        %get3A_774 = tpu.vector_load %arg8[%get3A_771, %get3A_772, %get3A_773] {strides = array<i32>} : memref<5x128x64xf32, #tpu.memory_space<vmem>>, vector<1x1x16xf32>,
        %get3A_775 = vector.shape_cast %get3A_774 : vector<1x1x16xf32> to vector<16xf32>
        %mul3A_776 = arith.constant 8.000000e+00 : f32
        %mul3A_777 = vector.broadcast %mul3A_776 : f32 to vector<16xf32>
        %mul3A_778 = arith.mulf %get3A_775, %mul3A_777 : vector<16xf32>
        %add3A_779 = arith.addf %mul3A_778, %get3A_494 : vector<16xf32>
        %swap3A_780 = arith.constant 4 : i32
        %swap3A_781 = arith.index_cast %swap3A_780 : i32 to index
        %swap3A_782 = arith.index_cast %scan3A_735 : i32 to index
        %swap3A_783 = arith.constant 32 : index
        %swap3A_784 = tpu.vector_load %arg8[%swap3A_781, %swap3A_782, %swap3A_783] {strides = array<i32>} : memref<5x128x64xf32, #tpu.memory_space<vmem>>, vector<1x1x16xf32>,
        %swap3A_785 = vector.shape_cast %swap3A_784 : vector<1x1x16xf32> to vector<16xf32>
        %swap3A_786 = vector.shape_cast %add3A_779 : vector<16xf32> to vector<1x1x16xf32>
        tpu.vector_store %arg8[%swap3A_781, %swap3A_782, %swap3A_783], %swap3A_786 {strides = array<i32>} : memref<5x128x64xf32, #tpu.memory_space<vmem>>, vector<1x1x16xf32>,
        %get3A_787 = arith.constant 4 : i32
        %get3A_788 = arith.index_cast %get3A_787 : i32 to index
        %get3A_789 = arith.index_cast %scan3A_735 : i32 to index
        %get3A_790 = arith.constant 48 : index
        %get3A_791 = tpu.vector_load %arg8[%get3A_788, %get3A_789, %get3A_790] {strides = array<i32>} : memref<5x128x64xf32, #tpu.memory_space<vmem>>, vector<1x1x16xf32>,
        %get3A_792 = vector.shape_cast %get3A_791 : vector<1x1x16xf32> to vector<16xf32>
        %mul3A_793 = arith.constant 8.000000e+00 : f32
        %mul3A_794 = vector.broadcast %mul3A_793 : f32 to vector<16xf32>
        %mul3A_795 = arith.mulf %get3A_792, %mul3A_794 : vector<16xf32>
        %add3A_796 = arith.addf %mul3A_795, %get3A_498 : vector<16xf32>
        %swap3A_797 = arith.constant 4 : i32
        %swap3A_798 = arith.index_cast %swap3A_797 : i32 to index
        %swap3A_799 = arith.index_cast %scan3A_735 : i32 to index
        %swap3A_800 = arith.constant 48 : index
        %swap3A_801 = tpu.vector_load %arg8[%swap3A_798, %swap3A_799, %swap3A_800] {strides = array<i32>} : memref<5x128x64xf32, #tpu.memory_space<vmem>>, vector<1x1x16xf32>,
        %swap3A_802 = vector.shape_cast %swap3A_801 : vector<1x1x16xf32> to vector<16xf32>
        %swap3A_803 = vector.shape_cast %add3A_796 : vector<16xf32> to vector<1x1x16xf32>
        tpu.vector_store %arg8[%swap3A_798, %swap3A_799, %swap3A_800], %swap3A_803 {strides = array<i32>} : memref<5x128x64xf32, #tpu.memory_space<vmem>>, vector<1x1x16xf32>,
      }
      %scan3A_503 = arith.constant 128 : i32
      %dma_start3A_504 = arith.constant 4 : i32
      %dma_start3A_505 = arith.constant 0 : i32
      %dma_start3A_506 = arith.constant 0 : i32
      %dma_start3A_507 = tpu.memref_slice %arg8[%dma_start3A_504, %dma_start3A_505, %dma_start3A_506] : memref<5x128x64xf32, #tpu.memory_space<vmem>> -> memref<1x128x64xf32, #tpu.memory_space<vmem>>
      %dma_start3A_508 = tpu.memref_squeeze %dma_start3A_507 : memref<1x128x64xf32, #tpu.memory_space<vmem>> -> memref<128x64xf32, #tpu.memory_space<vmem>>
      %dma_start3A_509 = arith.constant 0 : i32
      %dma_start3A_510 = tpu.memref_slice %arg5[%multiple_of3A_471, %div3A_466, %dma_start3A_509] : memref<1024x200x64xf32, #tpu.memory_space<hbm>> -> memref<128x1x64xf32, #tpu.memory_space<hbm>>
      %dma_start3A_511 = tpu.memref_squeeze %dma_start3A_510 : memref<128x1x64xf32, #tpu.memory_space<hbm>> -> memref<128x64xf32, #tpu.memory_space<hbm>>
      %dma_start3A_512 = arith.constant 0 : i32
      %dma_start3A_513 = tpu.memref_slice %arg5[%multiple_of3A_471, %div3A_466, %dma_start3A_512] : memref<1024x200x64xf32, #tpu.memory_space<hbm>> -> memref<128x1x64xf32, #tpu.memory_space<hbm>>
      %dma_start3A_514 = tpu.memref_squeeze %dma_start3A_513 : memref<128x1x64xf32, #tpu.memory_space<hbm>> -> memref<128x64xf32, #tpu.memory_space<hbm>>
      %dma_start3A_515 = arith.constant 0 : i32
      %dma_start3A_516 = arith.constant 0 : i32
      %dma_start3A_517 = tpu.memref_slice %arg8[%dma_start3A_504, %dma_start3A_515, %dma_start3A_516] : memref<5x128x64xf32, #tpu.memory_space<vmem>> -> memref<1x128x64xf32, #tpu.memory_space<vmem>>
      %dma_start3A_518 = tpu.memref_squeeze %dma_start3A_517 : memref<1x128x64xf32, #tpu.memory_space<vmem>> -> memref<128x64xf32, #tpu.memory_space<vmem>>
      tpu.enqueue_dma source(%dma_start3A_518 : memref<128x64xf32, #tpu.memory_space<vmem>>) target(%dma_start3A_514 : memref<128x64xf32, #tpu.memory_space<hbm>>) target_semaphore(%arg18 : memref<!tpu.dma_semaphore, #tpu.memory_space<semaphore_mem>>)
      %add3A_519 = arith.constant 1 : i32
      %add3A_520 = arith.addi %scan3A_199, %add3A_519 : i32
      %lt3A_521 = arith.constant 10 : i32
      %lt3A_522 = arith.cmpi slt, %add3A_520, %lt3A_521 : i32
      %convert_element_type3A_523 = arith.extui %lt3A_522 : i1 to i32
      %cond3A_524 = arith.constant 0 : i32
      %cond3A_525 = arith.cmpi ne, %convert_element_type3A_523, %cond3A_524 : i32
      scf.if %cond3A_525 {
        %dma_wait3A_526 = arith.constant 4 : i32
        %dma_wait3A_527 = arith.constant 0 : i32
        %dma_wait3A_528 = arith.constant 0 : i32
        %dma_wait3A_529 = tpu.memref_slice %arg8[%dma_wait3A_526, %dma_wait3A_527, %dma_wait3A_528] : memref<5x128x64xf32, #tpu.memory_space<vmem>> -> memref<1x128x64xf32, #tpu.memory_space<vmem>>
        %dma_wait3A_530 = tpu.memref_squeeze %dma_wait3A_529 : memref<1x128x64xf32, #tpu.memory_space<vmem>> -> memref<128x64xf32, #tpu.memory_space<vmem>>
        %dma_wait3A_531 = arith.constant 0 : i32
        %dma_wait3A_532 = tpu.memref_slice %arg5[%multiple_of3A_471, %div3A_466, %dma_wait3A_531] : memref<1024x200x64xf32, #tpu.memory_space<hbm>> -> memref<128x1x64xf32, #tpu.memory_space<hbm>>
        %dma_wait3A_533 = tpu.memref_squeeze %dma_wait3A_532 : memref<128x1x64xf32, #tpu.memory_space<hbm>> -> memref<128x64xf32, #tpu.memory_space<hbm>>
        %dma_wait3A_534 = arith.constant 0 : i32
        %dma_wait3A_535 = tpu.memref_slice %arg5[%multiple_of3A_471, %div3A_466, %dma_wait3A_534] : memref<1024x200x64xf32, #tpu.memory_space<hbm>> -> memref<128x1x64xf32, #tpu.memory_space<hbm>>
        %dma_wait3A_536 = tpu.memref_squeeze %dma_wait3A_535 : memref<128x1x64xf32, #tpu.memory_space<hbm>> -> memref<128x64xf32, #tpu.memory_space<hbm>>
        %dma_wait3A_537 = arith.constant 0 : i32
        %dma_wait3A_538 = arith.constant 0 : i32
        %dma_wait3A_539 = tpu.memref_slice %arg8[%dma_wait3A_526, %dma_wait3A_537, %dma_wait3A_538] : memref<5x128x64xf32, #tpu.memory_space<vmem>> -> memref<1x128x64xf32, #tpu.memory_space<vmem>>
        %dma_wait3A_540 = tpu.memref_squeeze %dma_wait3A_539 : memref<1x128x64xf32, #tpu.memory_space<vmem>> -> memref<128x64xf32, #tpu.memory_space<vmem>>
        tpu.wait_dma2 semaphore(%arg18 : memref<!tpu.dma_semaphore, #tpu.memory_space<semaphore_mem>>) src(%dma_wait3A_540 : memref<128x64xf32, #tpu.memory_space<vmem>>) dst(%dma_wait3A_536 : memref<128x64xf32, #tpu.memory_space<hbm>>)
        %add3A_541 = arith.constant 5 : i32
        %add3A_542 = arith.addi %add3A_463, %add3A_541 : i32
        %dma_start3A_543 = arith.constant 4 : i32
        %dma_start3A_544 = arith.constant 0 : i32
        %dma_start3A_545 = arith.constant 0 : i32
        %dma_start3A_546 = tpu.memref_slice %arg8[%dma_start3A_543, %dma_start3A_544, %dma_start3A_545] : memref<5x128x64xf32, #tpu.memory_space<vmem>> -> memref<1x128x64xf32, #tpu.memory_space<vmem>>
        %dma_start3A_547 = tpu.memref_squeeze %dma_start3A_546 : memref<1x128x64xf32, #tpu.memory_space<vmem>> -> memref<128x64xf32, #tpu.memory_space<vmem>>
        %dma_start3A_548 = arith.constant 0 : i32
        %dma_start3A_549 = tpu.memref_slice %arg6[%add3A_542, %dma_start3A_548] : memref<50x128xi32, #tpu.memory_space<vmem>> -> memref<1x128xi32, #tpu.memory_space<vmem>>
        %dma_start3A_550 = tpu.memref_squeeze %dma_start3A_549 : memref<1x128xi32, #tpu.memory_space<vmem>> -> memref<128xi32, #tpu.memory_space<vmem>>
        %dma_start3A_551 = arith.constant 0 : i32
        %dma_start3A_552 = arith.constant 0 : i32
        %dma_start3A_553 = tpu.memref_slice %arg2[%dma_start3A_551, %dma_start3A_552] : memref<1000000x64xf32, #tpu.memory_space<hbm>> -> memref<1000000x64xf32, #tpu.memory_space<hbm>>
        tpu.enqueue_indirect_dma source(%dma_start3A_553 : memref<1000000x64xf32, #tpu.memory_space<hbm>>) target(%dma_start3A_547 : memref<128x64xf32, #tpu.memory_space<vmem>>) offsets(%dma_start3A_550 : memref<128xi32, #tpu.memory_space<vmem>>) semaphore(%arg13 : memref<!tpu.dma_semaphore, #tpu.memory_space<semaphore_mem>>)
      } else {
      }
    }
    %scan3A_81 = arith.constant 10 : i32
    %add3A_82 = arith.constant 45 : i32
    %add3A_83 = arith.addi %mul3A_2, %add3A_82 : i32
    %div3A = arith.constant 8 : i32
    %div3A_84 = arith.divsi %add3A_83, %div3A : i32
    %rem3A = arith.constant 8 : i32
    %rem3A_85 = arith.remsi %add3A_83, %rem3A : i32
    %mul3A_86 = arith.constant 128 : i32
    %mul3A_87 = arith.muli %rem3A_85, %mul3A_86 : i32
    %multiple_of3A = tpu.assume_multiple %mul3A_87, 128 : i32
    %dma_wait3A_88 = arith.constant 0 : i32
    %dma_wait3A_89 = arith.constant 0 : i32
    %dma_wait3A_90 = arith.constant 0 : i32
    %dma_wait3A_91 = tpu.memref_slice %arg8[%dma_wait3A_88, %dma_wait3A_89, %dma_wait3A_90] : memref<5x128x64xf32, #tpu.memory_space<vmem>> -> memref<1x128x64xf32, #tpu.memory_space<vmem>>
    %dma_wait3A_92 = tpu.memref_squeeze %dma_wait3A_91 : memref<1x128x64xf32, #tpu.memory_space<vmem>> -> memref<128x64xf32, #tpu.memory_space<vmem>>
    %dma_wait3A_93 = arith.constant 0 : i32
    %dma_wait3A_94 = tpu.memref_slice %arg5[%multiple_of3A, %div3A_84, %dma_wait3A_93] : memref<1024x200x64xf32, #tpu.memory_space<hbm>> -> memref<128x1x64xf32, #tpu.memory_space<hbm>>
    %dma_wait3A_95 = tpu.memref_squeeze %dma_wait3A_94 : memref<128x1x64xf32, #tpu.memory_space<hbm>> -> memref<128x64xf32, #tpu.memory_space<hbm>>
    %dma_wait3A_96 = arith.constant 0 : i32
    %dma_wait3A_97 = tpu.memref_slice %arg5[%multiple_of3A, %div3A_84, %dma_wait3A_96] : memref<1024x200x64xf32, #tpu.memory_space<hbm>> -> memref<128x1x64xf32, #tpu.memory_space<hbm>>
    %dma_wait3A_98 = tpu.memref_squeeze %dma_wait3A_97 : memref<128x1x64xf32, #tpu.memory_space<hbm>> -> memref<128x64xf32, #tpu.memory_space<hbm>>
    %dma_wait3A_99 = arith.constant 0 : i32
    %dma_wait3A_100 = arith.constant 0 : i32
    %dma_wait3A_101 = tpu.memref_slice %arg8[%dma_wait3A_88, %dma_wait3A_99, %dma_wait3A_100] : memref<5x128x64xf32, #tpu.memory_space<vmem>> -> memref<1x128x64xf32, #tpu.memory_space<vmem>>
    %dma_wait3A_102 = tpu.memref_squeeze %dma_wait3A_101 : memref<1x128x64xf32, #tpu.memory_space<vmem>> -> memref<128x64xf32, #tpu.memory_space<vmem>>
    tpu.wait_dma2 semaphore(%arg14 : memref<!tpu.dma_semaphore, #tpu.memory_space<semaphore_mem>>) src(%dma_wait3A_102 : memref<128x64xf32, #tpu.memory_space<vmem>>) dst(%dma_wait3A_98 : memref<128x64xf32, #tpu.memory_space<hbm>>)
    %add3A_103 = arith.constant 46 : i32
    %add3A_104 = arith.addi %mul3A_2, %add3A_103 : i32
    %div3A_105 = arith.constant 8 : i32
    %div3A_106 = arith.divsi %add3A_104, %div3A_105 : i32
    %rem3A_107 = arith.constant 8 : i32
    %rem3A_108 = arith.remsi %add3A_104, %rem3A_107 : i32
    %mul3A_109 = arith.constant 128 : i32
    %mul3A_110 = arith.muli %rem3A_108, %mul3A_109 : i32
    %multiple_of3A_111 = tpu.assume_multiple %mul3A_110, 128 : i32
    %dma_wait3A_112 = arith.constant 1 : i32
    %dma_wait3A_113 = arith.constant 0 : i32
    %dma_wait3A_114 = arith.constant 0 : i32
    %dma_wait3A_115 = tpu.memref_slice %arg8[%dma_wait3A_112, %dma_wait3A_113, %dma_wait3A_114] : memref<5x128x64xf32, #tpu.memory_space<vmem>> -> memref<1x128x64xf32, #tpu.memory_space<vmem>>
    %dma_wait3A_116 = tpu.memref_squeeze %dma_wait3A_115 : memref<1x128x64xf32, #tpu.memory_space<vmem>> -> memref<128x64xf32, #tpu.memory_space<vmem>>
    %dma_wait3A_117 = arith.constant 0 : i32
    %dma_wait3A_118 = tpu.memref_slice %arg5[%multiple_of3A_111, %div3A_106, %dma_wait3A_117] : memref<1024x200x64xf32, #tpu.memory_space<hbm>> -> memref<128x1x64xf32, #tpu.memory_space<hbm>>
    %dma_wait3A_119 = tpu.memref_squeeze %dma_wait3A_118 : memref<128x1x64xf32, #tpu.memory_space<hbm>> -> memref<128x64xf32, #tpu.memory_space<hbm>>
    %dma_wait3A_120 = arith.constant 0 : i32
    %dma_wait3A_121 = tpu.memref_slice %arg5[%multiple_of3A_111, %div3A_106, %dma_wait3A_120] : memref<1024x200x64xf32, #tpu.memory_space<hbm>> -> memref<128x1x64xf32, #tpu.memory_space<hbm>>
    %dma_wait3A_122 = tpu.memref_squeeze %dma_wait3A_121 : memref<128x1x64xf32, #tpu.memory_space<hbm>> -> memref<128x64xf32, #tpu.memory_space<hbm>>
    %dma_wait3A_123 = arith.constant 0 : i32
    %dma_wait3A_124 = arith.constant 0 : i32
    %dma_wait3A_125 = tpu.memref_slice %arg8[%dma_wait3A_112, %dma_wait3A_123, %dma_wait3A_124] : memref<5x128x64xf32, #tpu.memory_space<vmem>> -> memref<1x128x64xf32, #tpu.memory_space<vmem>>
    %dma_wait3A_126 = tpu.memref_squeeze %dma_wait3A_125 : memref<1x128x64xf32, #tpu.memory_space<vmem>> -> memref<128x64xf32, #tpu.memory_space<vmem>>
    tpu.wait_dma2 semaphore(%arg15 : memref<!tpu.dma_semaphore, #tpu.memory_space<semaphore_mem>>) src(%dma_wait3A_126 : memref<128x64xf32, #tpu.memory_space<vmem>>) dst(%dma_wait3A_122 : memref<128x64xf32, #tpu.memory_space<hbm>>)
    %add3A_127 = arith.constant 47 : i32
    %add3A_128 = arith.addi %mul3A_2, %add3A_127 : i32
    %div3A_129 = arith.constant 8 : i32
    %div3A_130 = arith.divsi %add3A_128, %div3A_129 : i32
    %rem3A_131 = arith.constant 8 : i32
    %rem3A_132 = arith.remsi %add3A_128, %rem3A_131 : i32
    %mul3A_133 = arith.constant 128 : i32
    %mul3A_134 = arith.muli %rem3A_132, %mul3A_133 : i32
    %multiple_of3A_135 = tpu.assume_multiple %mul3A_134, 128 : i32
    %dma_wait3A_136 = arith.constant 2 : i32
    %dma_wait3A_137 = arith.constant 0 : i32
    %dma_wait3A_138 = arith.constant 0 : i32
    %dma_wait3A_139 = tpu.memref_slice %arg8[%dma_wait3A_136, %dma_wait3A_137, %dma_wait3A_138] : memref<5x128x64xf32, #tpu.memory_space<vmem>> -> memref<1x128x64xf32, #tpu.memory_space<vmem>>
    %dma_wait3A_140 = tpu.memref_squeeze %dma_wait3A_139 : memref<1x128x64xf32, #tpu.memory_space<vmem>> -> memref<128x64xf32, #tpu.memory_space<vmem>>
    %dma_wait3A_141 = arith.constant 0 : i32
    %dma_wait3A_142 = tpu.memref_slice %arg5[%multiple_of3A_135, %div3A_130, %dma_wait3A_141] : memref<1024x200x64xf32, #tpu.memory_space<hbm>> -> memref<128x1x64xf32, #tpu.memory_space<hbm>>
    %dma_wait3A_143 = tpu.memref_squeeze %dma_wait3A_142 : memref<128x1x64xf32, #tpu.memory_space<hbm>> -> memref<128x64xf32, #tpu.memory_space<hbm>>
    %dma_wait3A_144 = arith.constant 0 : i32
    %dma_wait3A_145 = tpu.memref_slice %arg5[%multiple_of3A_135, %div3A_130, %dma_wait3A_144] : memref<1024x200x64xf32, #tpu.memory_space<hbm>> -> memref<128x1x64xf32, #tpu.memory_space<hbm>>
    %dma_wait3A_146 = tpu.memref_squeeze %dma_wait3A_145 : memref<128x1x64xf32, #tpu.memory_space<hbm>> -> memref<128x64xf32, #tpu.memory_space<hbm>>
    %dma_wait3A_147 = arith.constant 0 : i32
    %dma_wait3A_148 = arith.constant 0 : i32
    %dma_wait3A_149 = tpu.memref_slice %arg8[%dma_wait3A_136, %dma_wait3A_147, %dma_wait3A_148] : memref<5x128x64xf32, #tpu.memory_space<vmem>> -> memref<1x128x64xf32, #tpu.memory_space<vmem>>
    %dma_wait3A_150 = tpu.memref_squeeze %dma_wait3A_149 : memref<1x128x64xf32, #tpu.memory_space<vmem>> -> memref<128x64xf32, #tpu.memory_space<vmem>>
    tpu.wait_dma2 semaphore(%arg16 : memref<!tpu.dma_semaphore, #tpu.memory_space<semaphore_mem>>) src(%dma_wait3A_150 : memref<128x64xf32, #tpu.memory_space<vmem>>) dst(%dma_wait3A_146 : memref<128x64xf32, #tpu.memory_space<hbm>>)
    %add3A_151 = arith.constant 48 : i32
    %add3A_152 = arith.addi %mul3A_2, %add3A_151 : i32
    %div3A_153 = arith.constant 8 : i32
    %div3A_154 = arith.divsi %add3A_152, %div3A_153 : i32
    %rem3A_155 = arith.constant 8 : i32
    %rem3A_156 = arith.remsi %add3A_152, %rem3A_155 : i32
    %mul3A_157 = arith.constant 128 : i32
    %mul3A_158 = arith.muli %rem3A_156, %mul3A_157 : i32
    %multiple_of3A_159 = tpu.assume_multiple %mul3A_158, 128 : i32
    %dma_wait3A_160 = arith.constant 3 : i32
    %dma_wait3A_161 = arith.constant 0 : i32
    %dma_wait3A_162 = arith.constant 0 : i32
    %dma_wait3A_163 = tpu.memref_slice %arg8[%dma_wait3A_160, %dma_wait3A_161, %dma_wait3A_162] : memref<5x128x64xf32, #tpu.memory_space<vmem>> -> memref<1x128x64xf32, #tpu.memory_space<vmem>>
    %dma_wait3A_164 = tpu.memref_squeeze %dma_wait3A_163 : memref<1x128x64xf32, #tpu.memory_space<vmem>> -> memref<128x64xf32, #tpu.memory_space<vmem>>
    %dma_wait3A_165 = arith.constant 0 : i32
    %dma_wait3A_166 = tpu.memref_slice %arg5[%multiple_of3A_159, %div3A_154, %dma_wait3A_165] : memref<1024x200x64xf32, #tpu.memory_space<hbm>> -> memref<128x1x64xf32, #tpu.memory_space<hbm>>
    %dma_wait3A_167 = tpu.memref_squeeze %dma_wait3A_166 : memref<128x1x64xf32, #tpu.memory_space<hbm>> -> memref<128x64xf32, #tpu.memory_space<hbm>>
    %dma_wait3A_168 = arith.constant 0 : i32
    %dma_wait3A_169 = tpu.memref_slice %arg5[%multiple_of3A_159, %div3A_154, %dma_wait3A_168] : memref<1024x200x64xf32, #tpu.memory_space<hbm>> -> memref<128x1x64xf32, #tpu.memory_space<hbm>>
    %dma_wait3A_170 = tpu.memref_squeeze %dma_wait3A_169 : memref<128x1x64xf32, #tpu.memory_space<hbm>> -> memref<128x64xf32, #tpu.memory_space<hbm>>
    %dma_wait3A_171 = arith.constant 0 : i32
    %dma_wait3A_172 = arith.constant 0 : i32
    %dma_wait3A_173 = tpu.memref_slice %arg8[%dma_wait3A_160, %dma_wait3A_171, %dma_wait3A_172] : memref<5x128x64xf32, #tpu.memory_space<vmem>> -> memref<1x128x64xf32, #tpu.memory_space<vmem>>
    %dma_wait3A_174 = tpu.memref_squeeze %dma_wait3A_173 : memref<1x128x64xf32, #tpu.memory_space<vmem>> -> memref<128x64xf32, #tpu.memory_space<vmem>>
    tpu.wait_dma2 semaphore(%arg17 : memref<!tpu.dma_semaphore, #tpu.memory_space<semaphore_mem>>) src(%dma_wait3A_174 : memref<128x64xf32, #tpu.memory_space<vmem>>) dst(%dma_wait3A_170 : memref<128x64xf32, #tpu.memory_space<hbm>>)
    %add3A_175 = arith.constant 49 : i32
    %add3A_176 = arith.addi %mul3A_2, %add3A_175 : i32
    %div3A_177 = arith.constant 8 : i32
    %div3A_178 = arith.divsi %add3A_176, %div3A_177 : i32
    %rem3A_179 = arith.constant 8 : i32
    %rem3A_180 = arith.remsi %add3A_176, %rem3A_179 : i32
    %mul3A_181 = arith.constant 128 : i32
    %mul3A_182 = arith.muli %rem3A_180, %mul3A_181 : i32
    %multiple_of3A_183 = tpu.assume_multiple %mul3A_182, 128 : i32
    %dma_wait3A_184 = arith.constant 4 : i32
    %dma_wait3A_185 = arith.constant 0 : i32
    %dma_wait3A_186 = arith.constant 0 : i32
    %dma_wait3A_187 = tpu.memref_slice %arg8[%dma_wait3A_184, %dma_wait3A_185, %dma_wait3A_186] : memref<5x128x64xf32, #tpu.memory_space<vmem>> -> memref<1x128x64xf32, #tpu.memory_space<vmem>>
    %dma_wait3A_188 = tpu.memref_squeeze %dma_wait3A_187 : memref<1x128x64xf32, #tpu.memory_space<vmem>> -> memref<128x64xf32, #tpu.memory_space<vmem>>
    %dma_wait3A_189 = arith.constant 0 : i32
    %dma_wait3A_190 = tpu.memref_slice %arg5[%multiple_of3A_183, %div3A_178, %dma_wait3A_189] : memref<1024x200x64xf32, #tpu.memory_space<hbm>> -> memref<128x1x64xf32, #tpu.memory_space<hbm>>
    %dma_wait3A_191 = tpu.memref_squeeze %dma_wait3A_190 : memref<128x1x64xf32, #tpu.memory_space<hbm>> -> memref<128x64xf32, #tpu.memory_space<hbm>>
    %dma_wait3A_192 = arith.constant 0 : i32
    %dma_wait3A_193 = tpu.memref_slice %arg5[%multiple_of3A_183, %div3A_178, %dma_wait3A_192] : memref<1024x200x64xf32, #tpu.memory_space<hbm>> -> memref<128x1x64xf32, #tpu.memory_space<hbm>>
    %dma_wait3A_194 = tpu.memref_squeeze %dma_wait3A_193 : memref<128x1x64xf32, #tpu.memory_space<hbm>> -> memref<128x64xf32, #tpu.memory_space<hbm>>
    %dma_wait3A_195 = arith.constant 0 : i32
    %dma_wait3A_196 = arith.constant 0 : i32
    %dma_wait3A_197 = tpu.memref_slice %arg8[%dma_wait3A_184, %dma_wait3A_195, %dma_wait3A_196] : memref<5x128x64xf32, #tpu.memory_space<vmem>> -> memref<1x128x64xf32, #tpu.memory_space<vmem>>
    %dma_wait3A_198 = tpu.memref_squeeze %dma_wait3A_197 : memref<1x128x64xf32, #tpu.memory_space<vmem>> -> memref<128x64xf32, #tpu.memory_space<vmem>>
    tpu.wait_dma2 semaphore(%arg18 : memref<!tpu.dma_semaphore, #tpu.memory_space<semaphore_mem>>) src(%dma_wait3A_198 : memref<128x64xf32, #tpu.memory_space<vmem>>) dst(%dma_wait3A_194 : memref<128x64xf32, #tpu.memory_space<hbm>>)
    return
  }
}

</mosaic_0001>

<sc_bundles>
// kernel: kernel.3.cloned.1.call-start
scs
__scs_entry_jumppad:
0x0: {  	(pc) =	sbr.rel $0x88, $3  }
0x1: {  	(tag) =	ssettag $0x0;
	lr =	simm.s32 $0x1  }
0x2: {  	[smem:$0x3F9F] =	sst lr;
	_ =	strace $0xD0000000  }
0x3: {  	_ = 	snop  }
0x4: {  	_ = 	snop  }
0x5: {  	_ = 	snop  }
0x6: {  	_ = 	snop  }
0x7: {  	_ = 	snop  }
__scs_overlays_trampoline_lowered:
0x8: {  	[smem:$0x3FAE] =	sst s0  }
0x9: {  	[smem:$0x3FAF] =	sst s1  }
0xa: {  	[smem:$0x3FB0] =	sst s2  }
0xb: {  	[smem:$0x3FB1] =	sst s3  }
0xc: {  	[smem:$0x3FB2] =	sst s4  }
0xd: {  	[smem:$0x3FB3] =	sst s5  }
0xe: {  	[smem:$0x3FB4] =	sst s6  }
0xf: {  	[smem:$0x3FB5] =	sst s7  }
0x10: {  	[smem:$0x3FB6] =	sst s8  }
0x11: {  	[smem:$0x3FB7] =	sst s9;
	s0 =	simm.s32 @!p0 $0x0  }
0x12: {  	s1 =	sld [smem:$0x3F9D];
	s0 =	simm.s32 @p0 $0x1  }
0x13: {  	[smem:$0x3FB8] =	sst s0;
	s0 =	simm.s32 @!p1 $0x0  }
0x14: {  	s2 =	sld [smem:$0x3F9C];
	s0 =	simm.s32 @p1 $0x1  }
0x15: {  	[smem:$0x3FB9] =	sst s0;
	s0 =	simm.s32 @!p2 $0x0  }
0x16: {  	s3 =	sld [smem:$0x3FDB];
	s0 =	simm.s32 @p2 $0x1  }
0x17: {  	s4 =	simm.s32 $0x1BF5;
	[smem:$0x3FBB] =	sst s0  }
0x18: {  	s0 =	sld [smem:$0x3F9E];
	_ =	swait.ge [sflag:s4], $0x0  }
0x19: {  	s7 =	sld [smem:$0x3F9F]  }
0x1a: {  	s8 =	sadd.s32 $0xFFFFE003, lr  }
0x1b: {  	s9 =	sadd.s32 $0xFFFFFEF7, lr;
	s5 =	simm.s32 $0xFFFFFFFF;
	p2 =	slt.u32 s8, $0xFFFFF086  }
0x1c: {  	p1 =	slt.u32 s9, $0xF7A;
	s5 =	simm.s32 @!p2 $0x0  }
0x1d: {  	s5 =	simm.s32 @p1 $0x1;
	p0 =	seq.s32 s7, s2  }
0x1e: {  	s7 =	smul.u32 @!p0 $0xF7A, s2;
	p2 =	seq.s32 @!p0 s5, $0x0  }
0x1f: {  	s9 =	smul.u32 $0xF7A, s1;
	s8 =	simm.s32 @!p0 $0x1BF5;
	p2 =	por !p2, p0  }
0x20: {  	[sflag:s8] =	ssyncset.s32 @!p0 $0xFFFFF086;
	s6 =	sadd.s32 @!p0 s3, s7;
	s7 =	simm.s32 @!p0 $0x108  }
0x21: {  	s3 =	sadd.s32 s3, s9;
	s6 =	sadd.s32 @!p0 $0x88, s6;
	s7 =	simm.s32 @p2 $0x1082  }
0x22: {  	[simem:s7], [sflag:s8] =	dma.local @!p0 [hbm:s6], $0xF7A  }
0x23: {  	s9 =	sor.u32 $0xD0000000, s2;
	s6 =	simm.s32 $0x108;
	_ =	swait.ge @!p0 [sflag:s8], $0x0  }
0x24: {  	s3 =	sadd.s32 $0x88, s3;
	s6 =	simm.s32 @!p1 $0x1082;
	[sflag:s4] =	ssyncset.s32 $0xFFFFF086  }
0x25: {  	[simem:s6], [sflag:s4] =	dma.local [hbm:s3], $0xF7A  }
0x26: {  	[smem:$0x3F9F] =	sst s1;
	(tag) =	ssettag s2;
	_ =	strace s9  }
0x27: {  	s1 =	sld [smem:$0x3FAF]  }
0x28: {  	s2 =	sld [smem:$0x3FB0]  }
0x29: {  	s4 =	sld [smem:$0x3FB2]  }
0x2a: {  	p0 =	seq.s32 s5, $0x0;
	s5 =	sld [smem:$0x3FB3]  }
0x2b: {  	s6 =	sld [smem:$0x3FB4]  }
0x2c: {  	s7 =	sld [smem:$0x3FB5]  }
0x2d: {  	s3 =	simm.s32 $0x108;
	s8 =	sld [smem:$0x3FB6]  }
0x2e: {  	s3 =	simm.s32 @!p0 $0x1082;
	s9 =	sld [smem:$0x3FB7]  }
0x2f: {  	lr =	sadd.s32 s0, s3;
	s0 =	sld [smem:$0x3FAE]  }
0x30: {  	s3 =	sld [smem:$0x3FB1]  }
0x31: {  	[smem:$0x3FBA] =	sst s10  }
0x32: {  	s10 =	sld [smem:$0x3FB8];
	_ =	sdelay $0x3  }
0x33: {  	p0 =	seq.s32 s10, $0x1;
	s10 =	sld [smem:$0x3FBA];
	_ =	sdelay $0x3  }
0x34: {  	[smem:$0x3FBA] =	sst s10  }
0x35: {  	s10 =	sld [smem:$0x3FB9];
	_ =	sdelay $0x3  }
0x36: {  	p1 =	seq.s32 s10, $0x1;
	s10 =	sld [smem:$0x3FBA];
	_ =	sdelay $0x3  }
0x37: {  	[smem:$0x3FBA] =	sst s10  }
0x38: {  	s10 =	sld [smem:$0x3FBB]  }
0x39: {  	_ = 	snop;
	(pc) =	sbr.ind lr, $3  }
0x3a: {  	_ = 	snop  }
0x3b: {  	_ = 	snop  }
0x3c: {  	p2 =	seq.s32 s10, $0x1;
	s10 =	sld [smem:$0x3FBA]  }
0x3d: {  	_ =	shalt  }
0x3e: {  	_ =	shalt  }
0x3f: {  	_ =	shalt  }
0x40: {  	_ =	shalt  }
0x41: {  	_ =	shalt  }
0x42: {  	_ =	shalt  }
0x43: {  	_ =	shalt  }
0x44: {  	_ =	shalt  }
0x45: {  	_ =	shalt  }
0x46: {  	_ =	shalt  }
0x47: {  	_ =	shalt  }
0x48: {  	_ =	shalt  }
0x49: {  	_ =	shalt  }
0x4a: {  	_ =	shalt  }
0x4b: {  	_ =	shalt  }
0x4c: {  	_ =	shalt  }
0x4d: {  	_ =	shalt  }
0x4e: {  	_ =	shalt  }
0x4f: {  	_ =	shalt  }
0x50: {  	_ =	shalt  }
0x51: {  	_ =	shalt  }
0x52: {  	_ =	shalt  }
0x53: {  	_ =	shalt  }
0x54: {  	_ =	shalt  }
0x55: {  	_ =	shalt  }
0x56: {  	_ =	shalt  }
0x57: {  	_ =	shalt  }
0x58: {  	_ =	shalt  }
0x59: {  	_ =	shalt  }
0x5a: {  	_ =	shalt  }
0x5b: {  	_ =	shalt  }
0x5c: {  	_ =	shalt  }
0x5d: {  	_ =	shalt  }
0x5e: {  	_ =	shalt  }
0x5f: {  	_ =	shalt  }
0x60: {  	_ =	shalt  }
0x61: {  	_ =	shalt  }
0x62: {  	_ =	shalt  }
0x63: {  	_ =	shalt  }
0x64: {  	_ =	shalt  }
0x65: {  	_ =	shalt  }
0x66: {  	_ =	shalt  }
0x67: {  	_ =	shalt  }
0x68: {  	_ =	shalt  }
0x69: {  	_ =	shalt  }
0x6a: {  	_ =	shalt  }
0x6b: {  	_ =	shalt  }
0x6c: {  	_ =	shalt  }
0x6d: {  	_ =	shalt  }
0x6e: {  	_ =	shalt  }
0x6f: {  	_ =	shalt  }
0x70: {  	_ =	shalt  }
0x71: {  	_ =	shalt  }
0x72: {  	_ =	shalt  }
0x73: {  	_ =	shalt  }
0x74: {  	_ =	shalt  }
0x75: {  	_ =	shalt  }
0x76: {  	_ =	shalt  }
0x77: {  	_ =	shalt  }
0x78: {  	_ =	shalt  }
0x79: {  	_ =	shalt  }
0x7a: {  	_ =	shalt  }
0x7b: {  	_ =	shalt  }
0x7c: {  	_ =	shalt  }
0x7d: {  	_ =	shalt  }
0x7e: {  	_ =	shalt  }
0x7f: {  	_ =	shalt  }
0x80: {  	_ =	shalt  }
0x81: {  	_ =	shalt  }
0x82: {  	_ =	shalt  }
0x83: {  	_ =	shalt  }
0x84: {  	_ =	shalt  }
0x85: {  	_ =	shalt  }
0x86: {  	_ =	shalt  }
0x87: {  	_ =	shalt  }
.Lfunc_end0:
.L_simem_size_0:
called_computation.1_lowered:
.L_overlay_start_0:
0x88: {  	s2 =	sld [smem:$0x3FD9]  }
0x89: {  	s3 =	sld [smem:$0x3FFE];
	_ =	sdelay $0x1  }
0x8a: {  	s1 =	srdreg.scid  }
0x8b: {  	s0 =	sand.u32 $0x1, s1  }
0x8c: {  	s17 =	sshll.u32 s0, $0xA;
	s2 =	sadd.s32 s3, s2  }
0x8d: {  	s2 =	sadd.s32 s2, s17  }
0x8e: {  	[smem:$0x3FC6] =	sst s2  }
0x8f: {  	_ = 	snop  }
0x90: {  	s2 =	sld [smem:$0x3FD0];
	(tm) =	ssettm $0x1  }
0x91: {  	s18 =	sld [smem:$0x3FFB];
	_ =	sdelay $0x3  }
0x92: {  	_ =	strace s18  }
0x93: {  	s3 =	sld [smem:$0x3FFC];
	_ =	sdelay $0x3  }
0x94: {  	_ =	strace s3  }
0x95: {  	s3 =	sld [smem:$0x3FFD];
	_ =	sdelay $0x3  }
0x96: {  	_ =	strace s3  }
0x97: {  	_ =	strace $0x8FFFFFFF  }
0x98: {  	s19 =	sld [smem:$0x3FDB];
	_ =	sdelay $0x1  }
0x99: {  	s4 =	simm.s32 $_scs_section_size  }
0x9a: {  	s5 =	simm.s32 $_size__tile_overlayer_lowered;
	s6 =	simm.s32 $_tile_overlayer_lowered  }
0x9b: {  	s22 =	simm.s32 $0x1BFF;
	s21 =	sshll.u32 s6, $0x1;
	s3 =	sadd.s32 s4, s19  }
0x9c: {  	s7 =	simm.s32 $0x0;
	s20 =	sshll.u32 s5, $0x1;
	s5 =	sadd.s32 s21, s3  }
0x9d: {  	[timem:s7], [sflag:s22] =	dma.local [hbm:s5], s20  }
0x9e: {  	_ =	swait.ge [sflag:s22], s20  }
0x9f: {  	s4 =	ssub.s32 $0x0, s20;
	[sflag:s22] =	ssyncset.done $0x0  }
0xa0: {  	[sflag:s22] =	ssyncadd.s32 s4;
	_ =	sdelay $0x1  }
0xa1: {  	s23 =	simm.s32 $0x1B8B  }
0xa2: {  	_ =	swait.ge [sflag:s23], $0x1  }
0xa3: {  	[sflag:s23] =	ssyncset.done $0x0  }
0xa4: {  	s25 =	simm.s32 $0x1B8E;
	s24 =	sld [smem:$0x3FFE];
	[sflag:s23] =	ssyncadd.s32 $0xFFFFFFFF  }
0xa5: {  	s26 =	simm.s32 $execute0_lowered;
	[smem:$0x3FD2] =	sst s25  }
0xa6: {  	s5 =	sshll.u32 s26, $0x1;
	_ =	strace $0x80000046;
	[dreg:$0x1] =	wrdreg $0xFFFFFFFF  }
0xa7: {  	s28 =	simm.s32 $_size_execute0_lowered;
	s3 =	sadd.s32 s3, s5;
	[dreg:$0x0] =	wrdreg $0x0  }
0xa8: {  	s5 =	sshll.u32 s28, $0x1;
	[dreg:$0x2] =	wrdreg s3  }
0xa9: {  	[dreg:$0x3] =	wrdreg s5  }
0xaa: {  	[dreg:$0x4] =	wrdreg $0xC0  }
0xab: {  	_ =	task [dreg:s7], $0x5FFFF  }
0xac: {  	[dreg:$0x1] =	wrdreg $0xFFFFFFFF  }
0xad: {  	[dreg:$0x0] =	wrdreg $0x60  }
0xae: {  	[dreg:$0x2] =	wrdreg s24  }
0xaf: {  	[dreg:$0x3] =	wrdreg s2  }
0xb0: {  	[dreg:$0x4] =	wrdreg $0x9  }
0xb1: {  	_ =	task.clear_ibuf [dreg:s7], $0x5FFFF;
	_ =	strace $0x90000046  }
0xb2: {  	s29 =	simm.s32 $0x9;
	_ =	strace $0x80000048  }
0xb3: {  	_ =	swait.ge [sflag:s29], $0x1  }
0xb4: {  	[sflag:s29] =	ssyncadd.s32 $0xFFFFFFFF  }
0xb5: {  	_ =	strace $0x90000048  }
0xb6: {  	_ =	sfence  }
0xb7: {  	s30 =	sld [smem:$0x0];
	_ =	sdelay $0x2  }
0xb8: {  	s31 =	sshll.u32 s1, $0xD;
	s1 =	sshrl.u32 s1, $0x2  }
0xb9: {  	s3 =	sand.u32 $0x4000, s31;
	s1 =	sadd.s32 s1, s30  }
0xba: {  	s0 =	sor.u32 s3, s0;
	s1 =	sshll.u32 s1, $0x11  }
0xbb: {  	s0 =	sor.u32 s1, s0  }
0xbc: {  	s0 =	sadd.s32 $0x8F2B, s0  }
0xbd: {  	[sflag:s0] =	ssyncadd.remote.s32 $0x1  }
0xbe: {  	_ =	sfence.sel $0xFFFF  }
0xbf: {  	[dreg:$0x0] =	wrdreg $0xFFFFFFFF;
	(pc) =	sbr.abs _section_cstart, $3  }
0xc0: {  	[dreg:$0x1] =	wrdreg $0xFFFFFFFF  }
0xc1: {  	_ =	task.clear_ibuf [dreg:s7], $0x2FFFF;
	_ =	strace $0x9FFFFFFF  }
0xc2: {  	(tm) =	ssettm $0x7FFFFFFF  }
0xc3: {  	_ =	shalt  }
tec
execute0_lowered:
.L_overlay_start_1:
0x0: {  	(tag) =	ssettag $0x1  }
0x1: {  	s0 =	rddreg [dreg:$0x0];
	s1 =	srdreg.scid  }
0x2: {  	s3 =	stileid.u32;
	s2 =	rddreg [dreg:$0x1]  }
0x3: {  	s4 =	simm.s32 $0x0;
	s16 =	simm.s32 $0x80;
	s17 =	simm.s32 $0x4B00  }
0x4: {  	s18 =	simm.s32 $0x6B00;
	s20 =	simm.s32 $0x8B00;
	s22 =	simm.s32 $0xAB00  }
0x5: {  	s24 =	simm.s32 $0xCB00;
	s28 =	simm.s32 $0x3200;
	s29 =	simm.s32 $0x2  }
0x6: {  	s30 =	simm.s32 $0x3;
	s31 =	simm.s32 $0x4;
	s21 =	simm.s32 $0x9  }
0x7: {  	s23 =	simm.s32 $0xA;
	s1 =	sand.u32 $0x1, s1;
	s3 =	sshll.u32 s3, $0x1  }
0x8: {  	[smem:$0x7FF] =	sst s4;
	s3 =	sor.u32 s1, s3;
	s1 =	ssub.s32 $0x2, s1  }
0x9: {  	s4 =	sadd.s32 $0xF43000, s0;
	s5 =	smul.u32 $0x320, s3;
	s7 =	sshrl.u32 s1, $0x1  }
0xa: {  	_ =	strace $0x80000047;
	s25 =	ssub.s32 s1, s7;
	s1 =	simm.s32 $0x5  }
0xb: {  	s6 =	sadd.s32 s5, s0;
	s5 =	smul.u32 $0x32, s3;
	s0 =	sadd.s32 $0x7000, s0  }
0xc: {  	[dreg:$0x3] =	wrdreg s0;
	s26 =	sadd.s32 $0xC00, s6;
	s0 =	smax.u32 s25, $0x1  }
0xd: {  	s25 =	simm.s32 $0x1;
	s6 =	simm.s32 $0x0;
	[dreg:$0x4] =	wrdreg s26  }
0xe: {  	s8 =	sor.u32 $0x1, s5;
	s9 =	sadd.s32 $0x2, s5;
	s10 =	sadd.s32 $0x3, s5  }
0xf: {  	s11 =	sadd.s32 $0x4, s5;
	[dreg:$0x5] =	wrdreg s0;
	s26 =	simm.s32 $0x40  }
.LBB2_1:
0x10: {  	s0 =	simm.s32 $0x0;
	s3 =	rddreg [dreg:$0x4]  }
0x11: {  	[tilespmem:s0], [sflag:$0xB] =	stream.linear.gather [hbm4b:s3+s0], $0x1900, $0x38;
	[tilespmem:$0xEB00] =	vst v63  }
0x12: {  	s19 =	rddreg [dreg:$0x3];
	s7 =	simm.s32 $0x1900;
	s12 =	simm.s32 $0xC  }
0x13: {  	[tilespmem:s7], [sflag:$0xC] =	stream.linear.gather [hbm4b:s19+s0], $0x3200, $0x38;
	[tilespmem:$0xEB00] =	vst v63  }
0x14: {  	_ =	swait.ge [sflag:s12], $0x3200  }
0x15: {  	[sflag:s12] =	ssyncset.done $0x0  }
0x16: {  	s13 =	simm.s32 $0xB;
	[sflag:s12] =	ssyncadd.s32 $0xFFFFCE00  }
0x17: {  	_ =	swait.ge [sflag:s13], $0x1900  }
0x18: {  	[sflag:s13] =	ssyncset.done $0x0  }
0x19: {  	[sflag:s13] =	ssyncadd.s32 $0xFFFFE700  }
0x1a: {  	[tilespmem:s17], [sflag:$0x1] =	stream.indirect.gather [hbm4b:s4+s16], $0x40, s0, s16, $0xb8;
	[tilespmem:$0xEB00] =	vst v63  }
0x1b: {  	_ = 	snop  }
0x1c: {  	[tilespmem:s18], [sflag:$0x2] =	stream.indirect.gather [hbm4b:s4+s16], $0x40, s16, s16, $0xb8;
	[tilespmem:$0xEB00] =	vst v63  }
0x1d: {  	s14 =	simm.s32 $0x100  }
0x1e: {  	[tilespmem:s20], [sflag:$0x3] =	stream.indirect.gather [hbm4b:s4+s16], $0x40, s14, s16, $0xb8;
	[tilespmem:$0xEB00] =	vst v63  }
0x1f: {  	s15 =	simm.s32 $0x180  }
0x20: {  	[tilespmem:s22], [sflag:$0x4] =	stream.indirect.gather [hbm4b:s4+s16], $0x40, s15, s16, $0xb8;
	[tilespmem:$0xEB00] =	vst v63  }
0x21: {  	s3 =	simm.s32 $0x0;
	s19 =	simm.s32 $0x200  }
0x22: {  	[tilespmem:s24], [sflag:$0x5] =	stream.indirect.gather [hbm4b:s4+s16], $0x40, s19, s16, $0xb8;
	[tilespmem:$0xEB00] =	vst v63  }
.LBB2_2:
0x23: {  	_ =	swait.ge [sflag:s25], $0x2000  }
0x24: {  	[sflag:s25] =	ssyncset.done $0x0  }
0x25: {  	s14 =	simm.s32 $0x4B80;
	[sflag:s25] =	ssyncadd.s32 $0xFFFFE000  }
0x26: {  	v4 =	vld [tilespmem:s14+$0xFFFFFF80]  }
0x27: {  	s7 =	smul.u32 $0x5, s3;
	v5 =	vld [tilespmem:s14+$0xFFFFFF90]  }
0x28: {  	v6 =	vld [tilespmem:s14+$0xFFFFFFA0]  }
0x29: {  	s0 =	sadd.s32 s5, s7;
	v7 =	vld [tilespmem:s14+$0xFFFFFFB0]  }
0x2a: {  	s12 =	sshll.u32 s0, $0x3;
	v8 =	vld [tilespmem:s14+$0xFFFFFFC0]  }
0x2b: {  	v9 =	vld [tilespmem:s14+$0xFFFFFFD0];
	s12 =	sand.u32 $0x7FFFFFC0, s12  }
0x2c: {  	v3 =	vld [tilespmem:s12+$0x1900]  }
0x2d: {  	v2 =	vld [tilespmem:s12+$0x1910]  }
0x2e: {  	v1 =	vld [tilespmem:s12+$0x1920]  }
0x2f: {  	v0 =	vld [tilespmem:s12+$0x1930];
	v4 =	vmul.f32 $8.000000000e+00, v4  }
0x30: {  	v10 =	vld [tilespmem:s14+$0xFFFFFFE0];
	v5 =	vmul.f32 $8.000000000e+00, v5  }
0x31: {  	v11 =	vld [tilespmem:s14+$0x0];
	v6 =	vmul.f32 $8.000000000e+00, v6;
	v4 =	vadd.f32 v4, v3  }
0x32: {  	v12 =	vld [tilespmem:s14+$0x10];
	v7 =	vmul.f32 $8.000000000e+00, v7;
	v5 =	vadd.f32 v5, v2  }
0x33: {  	[tilespmem:s14+$0xFFFFFF80] =	vst v4;
	v4 =	vadd.f32 v6, v1;
	v6 =	vmul.f32 $8.000000000e+00, v8;
	v8 =	vld [tilespmem:s14+$0x20]  }
0x34: {  	v13 =	vld [tilespmem:s14+$0x30];
	[tilespmem:s14+$0xFFFFFF90] =	vst v5;
	v5 =	vadd.f32 v7, v0;
	v7 =	vmul.f32 $8.000000000e+00, v9  }
0x35: {  	v9 =	vmul.f32 $8.000000000e+00, v10;
	[tilespmem:s14+$0xFFFFFFA0] =	vst v4;
	v6 =	vadd.f32 v6, v3;
	v4 =	vld [tilespmem:s14+$0x40]  }
0x36: {  	v10 =	vmul.f32 $8.000000000e+00, v11;
	[tilespmem:s14+$0xFFFFFFB0] =	vst v5;
	v7 =	vadd.f32 v7, v2;
	v5 =	vld [tilespmem:s14+$0x50]  }
0x37: {  	v12 =	vmul.f32 $8.000000000e+00, v12;
	v11 =	vadd.f32 v9, v1;
	[tilespmem:s14+$0xFFFFFFC0] =	vst v6;
	v6 =	vld [tilespmem:s14+$0x60]  }
0x38: {  	v9 =	vadd.f32 v10, v3;
	[tilespmem:s14+$0xFFFFFFD0] =	vst v7;
	v7 =	vld [tilespmem:s14+$0x70];
	v10 =	vmul.f32 $8.000000000e+00, v8  }
0x39: {  	s13 =	simm.s32 $0x0;
	s15 =	simm.s32 $0x4C80;
	[tilespmem:s14+$0xFFFFFFE0] =	vst v11;
	v11 =	vadd.f32 v12, v2;
	v12 =	vmul.f32 $8.000000000e+00, v13;
	v8 =	vld [tilespmem:s14+$0xFFFFFFF0]  }
.LBB2_3:
0x3a: {  	v13 =	vld [tilespmem:s15+$0xFFFFFF80];
	[tilespmem:s14+$0x0] =	vst v9;
	v9 =	vadd.f32 v10, v1;
	v4 =	vmul.f32 $8.000000000e+00, v4  }
0x3b: {  	v10 =	vld [tilespmem:s15+$0xFFFFFF90];
	[tilespmem:s14+$0x10] =	vst v11;
	v11 =	vadd.f32 v12, v0;
	v5 =	vmul.f32 $8.000000000e+00, v5  }
0x3c: {  	v12 =	vld [tilespmem:s15+$0xFFFFFFA0];
	[tilespmem:s14+$0x20] =	vst v9;
	v4 =	vadd.f32 v4, v3;
	v6 =	vmul.f32 $8.000000000e+00, v6  }
0x3d: {  	v9 =	vld [tilespmem:s15+$0xFFFFFFB0];
	[tilespmem:s14+$0x30] =	vst v11;
	v5 =	vadd.f32 v5, v2;
	v7 =	vmul.f32 $8.000000000e+00, v7  }
0x3e: {  	v11 =	vld [tilespmem:s15+$0xFFFFFFC0];
	v8 =	vmul.f32 $8.000000000e+00, v8;
	[tilespmem:s14+$0x40] =	vst v4;
	v4 =	vadd.f32 v6, v1  }
0x3f: {  	v6 =	vmul.f32 $8.000000000e+00, v13;
	v13 =	vld [tilespmem:s15+$0xFFFFFFD0];
	[tilespmem:s14+$0x50] =	vst v5;
	v5 =	vadd.f32 v7, v0  }
0x40: {  	v7 =	vmul.f32 $8.000000000e+00, v10;
	v10 =	vld [tilespmem:s15+$0xFFFFFFE0];
	v8 =	vadd.f32 v8, v0;
	[tilespmem:s14+$0x60] =	vst v4  }
0x41: {  	v4 =	vadd.f32 v6, v3;
	v6 =	vmul.f32 $8.000000000e+00, v12;
	v12 =	vld [tilespmem:s15+$0x0];
	[tilespmem:s14+$0x70] =	vst v5  }
0x42: {  	v5 =	vadd.f32 v7, v2;
	v7 =	vmul.f32 $8.000000000e+00, v9;
	v9 =	vld [tilespmem:s15+$0x10];
	[tilespmem:s14+$0xFFFFFFF0] =	vst v8;
	s14 =	smov.u32 s15  }
0x43: {  	s13 =	sadd.s32 $0x4, s13;
	[tilespmem:s15+$0xFFFFFF80] =	vst v4;
	v4 =	vadd.f32 v6, v1;
	v6 =	vmul.f32 $8.000000000e+00, v11;
	v8 =	vld [tilespmem:s15+$0x20]  }
0x44: {  	p0 =	slt.u32 s13, $0x7C;
	[tilespmem:s15+$0xFFFFFF90] =	vst v5;
	v5 =	vadd.f32 v7, v0;
	v7 =	vmul.f32 $8.000000000e+00, v13;
	v13 =	vld [tilespmem:s15+$0x30]  }
.Ltmp0:
0x45: {  	[tilespmem:s15+$0xFFFFFFA0] =	vst v4;
	v6 =	vadd.f32 v6, v3;
	v10 =	vmul.f32 $8.000000000e+00, v10;
	v4 =	vld [tilespmem:s15+$0x40];
	(pc) =	sbr.rel @p0 .LBB2_3-.Ltmp0, $4  }
0x46: {  	[tilespmem:s15+$0xFFFFFFB0] =	vst v5;
	v7 =	vadd.f32 v7, v2;
	v11 =	vmul.f32 $8.000000000e+00, v12;
	v5 =	vld [tilespmem:s15+$0x50]  }
0x47: {  	[tilespmem:s15+$0xFFFFFFC0] =	vst v6;
	v12 =	vadd.f32 v10, v1;
	v14 =	vmul.f32 $8.000000000e+00, v9;
	v6 =	vld [tilespmem:s15+$0x60]  }
0x48: {  	[tilespmem:s15+$0xFFFFFFD0] =	vst v7;
	v9 =	vadd.f32 v11, v3;
	v10 =	vmul.f32 $8.000000000e+00, v8;
	v7 =	vld [tilespmem:s15+$0x70]  }
0x49: {  	s15 =	sadd.s32 $0x100, s15;
	[tilespmem:s14+$0xFFFFFFE0] =	vst v12;
	v8 =	vld [tilespmem:s14+$0xFFFFFFF0];
	v11 =	vadd.f32 v14, v2;
	v12 =	vmul.f32 $8.000000000e+00, v13  }
0x4a: {  	[tilespmem:s14+$0x0] =	vst v9;
	v9 =	vadd.f32 v10, v1;
	v4 =	vmul.f32 $8.000000000e+00, v4  }
0x4b: {  	[tilespmem:s14+$0x10] =	vst v11;
	v10 =	vadd.f32 v12, v0;
	v5 =	vmul.f32 $8.000000000e+00, v5  }
0x4c: {  	[tilespmem:s14+$0x20] =	vst v9;
	v3 =	vadd.f32 v4, v3;
	v4 =	vmul.f32 $8.000000000e+00, v6  }
0x4d: {  	s0 =	sand.u32 $0x7, s0;
	[tilespmem:s14+$0x30] =	vst v10;
	v2 =	vadd.f32 v5, v2;
	v5 =	vmul.f32 $8.000000000e+00, v7  }
0x4e: {  	s0 =	smul.u32 $0x190000, s0;
	v6 =	vmul.f32 $8.000000000e+00, v8;
	[tilespmem:s14+$0x40] =	vst v3;
	v1 =	vadd.f32 v4, v1  }
0x4f: {  	[tilespmem:s14+$0x50] =	vst v2;
	v2 =	vadd.f32 v5, v0  }
0x50: {  	s0 =	sadd.s32 s12, s0;
	v0 =	vadd.f32 v6, v0;
	[tilespmem:s14+$0x60] =	vst v1  }
0x51: {  	s0 =	sshrl.u32 s0, $0x3;
	[tilespmem:s14+$0x70] =	vst v2  }
0x52: {  	p0 =	seq.s32 s3, $0x9;
	s0 =	sadd.s32 s2, s0;
	[tilespmem:s14+$0xFFFFFFF0] =	vst v0  }
0x53: {  	[hbm4b:s0+s26] =	stream.strided.scatter [tilespmem:s17], [sflag:$0x6], $0x2000, s28, s26, $0x38;
	[tilespmem:$0xEB00] =	vst v63  }
0x54: {  	s12 =	smul.u32 @!p0 $0xA00, s3;
	s0 =	simm.s32 @!p0 $0x6  }
0x55: {  	_ =	swait.ge @!p0 [sflag:s0], $0x2000  }
0x56: {  	s13 =	simm.s32 @!p0 $0x80;
	s12 =	sshra.s32 @!p0 s12, $0x2;
	[sflag:s0] =	ssyncset.done @!p0 $0x0  }
0x57: {  	s14 =	simm.s32 @!p0 $0x4B00;
	[sflag:s0] =	ssyncadd.s32 @!p0 $0xFFFFE000;
	s0 =	sadd.s32 @!p0 $0x280, s12  }
0x58: {  	[tilespmem:s14], [sflag:$0x1] =	stream.indirect.gather @!p0 [hbm4b:s4+s13], $0x40, s0, s13, $0xb8;
	[tilespmem:$0xEB00] =	vst v63  }
0x59: {  	s0 =	sadd.s32 s7, s8;
	_ =	swait.ge [sflag:s29], $0x2000  }
0x5a: {  	s19 =	sshll.u32 s0, $0x3;
	[sflag:s29] =	ssyncset.done $0x0  }
0x5b: {  	s14 =	sand.u32 $0x7FFFFFC0, s19;
	[sflag:s29] =	ssyncadd.s32 $0xFFFFE000  }
0x5c: {  	v3 =	vld [tilespmem:s14+$0x1900]  }
0x5d: {  	v2 =	vld [tilespmem:s14+$0x1910]  }
0x5e: {  	v0 =	vld [tilespmem:s14+$0x1920]  }
0x5f: {  	s15 =	simm.s32 $0x6BF0;
	v1 =	vld [tilespmem:s14+$0x1930]  }
0x60: {  	v4 =	vld [tilespmem:s15+$0xFFFFFF10]  }
0x61: {  	v5 =	vld [tilespmem:s15+$0xFFFFFF20]  }
0x62: {  	v6 =	vld [tilespmem:s15+$0xFFFFFF30]  }
0x63: {  	v7 =	vld [tilespmem:s15+$0xFFFFFF40]  }
0x64: {  	v8 =	vld [tilespmem:s15+$0xFFFFFF50]  }
0x65: {  	v9 =	vld [tilespmem:s15+$0xFFFFFF60];
	v4 =	vmul.f32 $8.000000000e+00, v4  }
0x66: {  	v10 =	vld [tilespmem:s15+$0xFFFFFF70];
	v5 =	vmul.f32 $8.000000000e+00, v5  }
0x67: {  	v11 =	vld [tilespmem:s15+$0xFFFFFF80];
	v6 =	vmul.f32 $8.000000000e+00, v6;
	v4 =	vadd.f32 v4, v3  }
0x68: {  	v12 =	vld [tilespmem:s15+$0xFFFFFF90];
	v7 =	vmul.f32 $8.000000000e+00, v7;
	v5 =	vadd.f32 v5, v2  }
0x69: {  	[tilespmem:s15+$0xFFFFFF10] =	vst v4;
	v4 =	vadd.f32 v6, v0;
	v6 =	vmul.f32 $8.000000000e+00, v8;
	v8 =	vld [tilespmem:s15+$0xFFFFFFA0]  }
0x6a: {  	v13 =	vld [tilespmem:s15+$0xFFFFFFB0];
	[tilespmem:s15+$0xFFFFFF20] =	vst v5;
	v5 =	vadd.f32 v7, v1;
	v7 =	vmul.f32 $8.000000000e+00, v9  }
0x6b: {  	v9 =	vmul.f32 $8.000000000e+00, v10;
	[tilespmem:s15+$0xFFFFFF30] =	vst v4;
	v6 =	vadd.f32 v6, v3;
	v4 =	vld [tilespmem:s15+$0xFFFFFFC0]  }
0x6c: {  	v10 =	vmul.f32 $8.000000000e+00, v11;
	[tilespmem:s15+$0xFFFFFF40] =	vst v5;
	v7 =	vadd.f32 v7, v2;
	v5 =	vld [tilespmem:s15+$0xFFFFFFD0]  }
0x6d: {  	v12 =	vmul.f32 $8.000000000e+00, v12;
	v11 =	vadd.f32 v9, v0;
	[tilespmem:s15+$0xFFFFFF50] =	vst v6;
	v6 =	vld [tilespmem:s15+$0xFFFFFFE0]  }
0x6e: {  	v9 =	vadd.f32 v10, v1;
	[tilespmem:s15+$0xFFFFFF60] =	vst v7;
	v7 =	vld [tilespmem:s15+$0x0];
	v10 =	vmul.f32 $8.000000000e+00, v8  }
0x6f: {  	s3 =	sadd.s32 $0x1, s3;
	s13 =	simm.s32 $0x0;
	s19 =	simm.s32 $0x6CF0;
	[tilespmem:s15+$0xFFFFFF70] =	vst v11;
	v11 =	vadd.f32 v12, v3;
	v12 =	vmul.f32 $8.000000000e+00, v13;
	v8 =	vld [tilespmem:s15+$0xFFFFFFF0]  }
.LBB2_5:
0x70: {  	v13 =	vld [tilespmem:s19+$0xFFFFFF10];
	[tilespmem:s15+$0xFFFFFF80] =	vst v9;
	v9 =	vadd.f32 v10, v2;
	v4 =	vmul.f32 $8.000000000e+00, v4  }
0x71: {  	v10 =	vld [tilespmem:s19+$0xFFFFFF20];
	[tilespmem:s15+$0xFFFFFF90] =	vst v11;
	v11 =	vadd.f32 v12, v0;
	v5 =	vmul.f32 $8.000000000e+00, v5  }
0x72: {  	v12 =	vld [tilespmem:s19+$0xFFFFFF30];
	[tilespmem:s15+$0xFFFFFFA0] =	vst v9;
	v4 =	vadd.f32 v4, v1;
	v6 =	vmul.f32 $8.000000000e+00, v6  }
0x73: {  	v9 =	vld [tilespmem:s19+$0xFFFFFF40];
	[tilespmem:s15+$0xFFFFFFB0] =	vst v11;
	v5 =	vadd.f32 v5, v3;
	v7 =	vmul.f32 $8.000000000e+00, v7  }
0x74: {  	v11 =	vld [tilespmem:s19+$0xFFFFFF50];
	[tilespmem:s15+$0xFFFFFFC0] =	vst v4;
	v4 =	vadd.f32 v6, v2;
	v6 =	vmul.f32 $8.000000000e+00, v8  }
0x75: {  	v8 =	vmul.f32 $8.000000000e+00, v13;
	v13 =	vld [tilespmem:s19+$0xFFFFFF60];
	[tilespmem:s15+$0xFFFFFFD0] =	vst v5;
	v5 =	vadd.f32 v7, v1  }
0x76: {  	v7 =	vmul.f32 $8.000000000e+00, v10;
	v10 =	vld [tilespmem:s19+$0xFFFFFF70];
	[tilespmem:s15+$0xFFFFFFE0] =	vst v4;
	v4 =	vadd.f32 v6, v0  }
0x77: {  	v6 =	vadd.f32 v8, v3;
	v8 =	vmul.f32 $8.000000000e+00, v12;
	v12 =	vld [tilespmem:s19+$0xFFFFFF80];
	[tilespmem:s15+$0x0] =	vst v5  }
0x78: {  	v5 =	vadd.f32 v7, v2;
	v7 =	vmul.f32 $8.000000000e+00, v9;
	v9 =	vld [tilespmem:s19+$0xFFFFFF90];
	[tilespmem:s15+$0xFFFFFFF0] =	vst v4;
	s15 =	smov.u32 s19  }
0x79: {  	s13 =	sadd.s32 $0x4, s13;
	[tilespmem:s19+$0xFFFFFF10] =	vst v6;
	v4 =	vadd.f32 v8, v0;
	v6 =	vmul.f32 $8.000000000e+00, v11;
	v8 =	vld [tilespmem:s19+$0xFFFFFFA0]  }
0x7a: {  	p1 =	slt.u32 s13, $0x7C;
	[tilespmem:s19+$0xFFFFFF20] =	vst v5;
	v5 =	vadd.f32 v7, v1;
	v7 =	vmul.f32 $8.000000000e+00, v13;
	v13 =	vld [tilespmem:s19+$0xFFFFFFB0]  }
.Ltmp1:
0x7b: {  	[tilespmem:s19+$0xFFFFFF30] =	vst v4;
	v6 =	vadd.f32 v6, v3;
	v10 =	vmul.f32 $8.000000000e+00, v10;
	v4 =	vld [tilespmem:s19+$0xFFFFFFC0];
	(pc) =	sbr.rel @p1 .LBB2_5-.Ltmp1, $4  }
0x7c: {  	[tilespmem:s19+$0xFFFFFF40] =	vst v5;
	v7 =	vadd.f32 v7, v2;
	v11 =	vmul.f32 $8.000000000e+00, v12;
	v5 =	vld [tilespmem:s19+$0xFFFFFFD0]  }
0x7d: {  	[tilespmem:s19+$0xFFFFFF50] =	vst v6;
	v12 =	vadd.f32 v10, v0;
	v14 =	vmul.f32 $8.000000000e+00, v9;
	v6 =	vld [tilespmem:s19+$0xFFFFFFE0]  }
0x7e: {  	[tilespmem:s19+$0xFFFFFF60] =	vst v7;
	v9 =	vadd.f32 v11, v1;
	v10 =	vmul.f32 $8.000000000e+00, v8;
	v7 =	vld [tilespmem:s19+$0x0]  }
0x7f: {  	s19 =	sadd.s32 $0x100, s19;
	[tilespmem:s15+$0xFFFFFF70] =	vst v12;
	v11 =	vadd.f32 v14, v3;
	v12 =	vmul.f32 $8.000000000e+00, v13;
	v8 =	vld [tilespmem:s15+$0xFFFFFFF0]  }
0x80: {  	[tilespmem:s15+$0xFFFFFF80] =	vst v9;
	v9 =	vadd.f32 v10, v2;
	v4 =	vmul.f32 $8.000000000e+00, v4  }
0x81: {  	[tilespmem:s15+$0xFFFFFF90] =	vst v11;
	v10 =	vadd.f32 v12, v0;
	v5 =	vmul.f32 $8.000000000e+00, v5  }
0x82: {  	[tilespmem:s15+$0xFFFFFFA0] =	vst v9;
	v4 =	vadd.f32 v4, v1;
	v6 =	vmul.f32 $8.000000000e+00, v6  }
0x83: {  	s0 =	sand.u32 $0x7, s0;
	[tilespmem:s15+$0xFFFFFFB0] =	vst v10;
	v3 =	vadd.f32 v5, v3;
	v5 =	vmul.f32 $8.000000000e+00, v7  }
0x84: {  	s0 =	smul.u32 $0x190000, s0;
	[tilespmem:s15+$0xFFFFFFC0] =	vst v4;
	v2 =	vadd.f32 v6, v2;
	v4 =	vmul.f32 $8.000000000e+00, v8  }
0x85: {  	[tilespmem:s15+$0xFFFFFFD0] =	vst v3;
	v1 =	vadd.f32 v5, v1  }
0x86: {  	s0 =	sadd.s32 s14, s0;
	[tilespmem:s15+$0xFFFFFFE0] =	vst v2;
	v0 =	vadd.f32 v4, v0  }
0x87: {  	s0 =	sshrl.u32 s0, $0x3;
	[tilespmem:s15+$0x0] =	vst v1  }
0x88: {  	s0 =	sadd.s32 s2, s0;
	[tilespmem:s15+$0xFFFFFFF0] =	vst v0  }
0x89: {  	[hbm4b:s0+s26] =	stream.strided.scatter [tilespmem:s18], [sflag:$0x7], $0x2000, s28, s26, $0x38;
	[tilespmem:$0xEB00] =	vst v63  }
0x8a: {  	s0 =	simm.s32 @!p0 $0x7  }
0x8b: {  	_ =	swait.ge @!p0 [sflag:s0], $0x2000  }
0x8c: {  	s13 =	simm.s32 @!p0 $0x80;
	[sflag:s0] =	ssyncset.done @!p0 $0x0  }
0x8d: {  	s14 =	simm.s32 @!p0 $0x6B00;
	[sflag:s0] =	ssyncadd.s32 @!p0 $0xFFFFE000;
	s0 =	sadd.s32 @!p0 $0x300, s12  }
0x8e: {  	[tilespmem:s14], [sflag:$0x2] =	stream.indirect.gather @!p0 [hbm4b:s4+s13], $0x40, s0, s13, $0xb8;
	[tilespmem:$0xEB00] =	vst v63  }
0x8f: {  	s0 =	sadd.s32 s7, s9;
	_ =	swait.ge [sflag:s30], $0x2000  }
0x90: {  	s19 =	sshll.u32 s0, $0x3;
	[sflag:s30] =	ssyncset.done $0x0  }
0x91: {  	s14 =	sand.u32 $0x7FFFFFC0, s19;
	[sflag:s30] =	ssyncadd.s32 $0xFFFFE000  }
0x92: {  	v2 =	vld [tilespmem:s14+$0x1900]  }
0x93: {  	v1 =	vld [tilespmem:s14+$0x1910]  }
0x94: {  	v0 =	vld [tilespmem:s14+$0x1920]  }
0x95: {  	s15 =	simm.s32 $0x8B00;
	v3 =	vld [tilespmem:s14+$0x1930]  }
0x96: {  	v4 =	vld [tilespmem:s15+$0x80]  }
0x97: {  	v7 =	vld [tilespmem:s15+$0x20]  }
0x98: {  	v8 =	vld [tilespmem:s15+$0x30]  }
0x99: {  	v6 =	vld [tilespmem:s15+$0xE0]  }
0x9a: {  	v9 =	vld [tilespmem:s15+$0xC0]  }
0x9b: {  	v15 =	vld [tilespmem:s15+$0xA0]  }
0x9c: {  	v10 =	vld [tilespmem:s15+$0x0]  }
0x9d: {  	v11 =	vld [tilespmem:s15+$0xB0]  }
0x9e: {  	v12 =	vld [tilespmem:s15+$0x70];
	v4 =	vmul.f32 $8.000000000e+00, v4  }
0x9f: {  	v5 =	vld [tilespmem:s15+$0xF0];
	v13 =	vmul.f32 $8.000000000e+00, v6  }
0xa0: {  	v16 =	vld [tilespmem:s15+$0x50];
	v9 =	vmul.f32 $8.000000000e+00, v9;
	v14 =	vadd.f32 v4, v2  }
0xa1: {  	v6 =	vld [tilespmem:s15+$0xD0];
	v7 =	vmul.f32 $8.000000000e+00, v7;
	v13 =	vadd.f32 v13, v0  }
0xa2: {  	v18 =	vmul.f32 $8.000000000e+00, v11;
	v4 =	vld [tilespmem:s15+$0x60];
	v17 =	vadd.f32 v9, v2;
	[tilespmem:s15+$0x80] =	vst v14  }
0xa3: {  	v8 =	vmul.f32 $8.000000000e+00, v8;
	v10 =	vmul.f32 $8.000000000e+00, v10;
	v9 =	vld [tilespmem:s15+$0x40];
	v19 =	vadd.f32 v7, v0;
	[tilespmem:s15+$0xE0] =	vst v13  }
0xa4: {  	v12 =	vmul.f32 $8.000000000e+00, v12;
	v15 =	vmul.f32 $8.000000000e+00, v15;
	v7 =	vld [tilespmem:s15+$0x90];
	v14 =	vadd.f32 v18, v3;
	[tilespmem:s15+$0xC0] =	vst v17  }
0xa5: {  	s13 =	simm.s32 $0x0;
	s19 =	simm.s32 $0x8C00;
	v11 =	vadd.f32 v8, v3;
	v8 =	vld [tilespmem:s15+$0x10];
	v13 =	vadd.f32 v10, v2;
	[tilespmem:s15+$0x20] =	vst v19;
	v10 =	vmul.f32 $8.000000000e+00, v16  }
.LBB2_7:
0xa6: {  	v16 =	vld [tilespmem:s19+$0x80];
	s13 =	sadd.s32 $0x4, s13;
	[tilespmem:s15+$0xB0] =	vst v14;
	v5 =	vmul.f32 $8.000000000e+00, v5  }
0xa7: {  	v6 =	vmul.f32 $8.000000000e+00, v6;
	v14 =	vld [tilespmem:s19+$0x20];
	p1 =	slt.u32 s13, $0x7C;
	[tilespmem:s15+$0x30] =	vst v11;
	v11 =	vadd.f32 v12, v3;
	v12 =	vadd.f32 v15, v0  }
0xa8: {  	v4 =	vmul.f32 $8.000000000e+00, v4;
	v15 =	vld [tilespmem:s19+$0x30];
	[tilespmem:s15+$0x0] =	vst v13;
	v9 =	vmul.f32 $8.000000000e+00, v9  }
0xa9: {  	v6 =	vadd.f32 v6, v1;
	v5 =	vadd.f32 v5, v3;
	v13 =	vld [tilespmem:s19+$0xE0];
	[tilespmem:s15+$0x70] =	vst v11;
	v7 =	vmul.f32 $8.000000000e+00, v7  }
0xaa: {  	v10 =	vadd.f32 v10, v1;
	v11 =	vld [tilespmem:s19+$0xC0];
	v8 =	vmul.f32 $8.000000000e+00, v8;
	v9 =	vadd.f32 v9, v2;
	[tilespmem:s15+$0xA0] =	vst v12  }
0xab: {  	v12 =	vmul.f32 $8.000000000e+00, v16;
	v16 =	vld [tilespmem:s19+$0xA0];
	v7 =	vadd.f32 v7, v1;
	[tilespmem:s15+$0xF0] =	vst v5  }
0xac: {  	v17 =	vld [tilespmem:s19+$0x0];
	v8 =	vadd.f32 v8, v1;
	[tilespmem:s15+$0x50] =	vst v10  }
0xad: {  	v10 =	vadd.f32 v12, v2;
	v12 =	vld [tilespmem:s19+$0xB0];
	[tilespmem:s15+$0x40] =	vst v9  }
0xae: {  	v18 =	vld [tilespmem:s19+$0x70];
	v9 =	vmul.f32 $8.000000000e+00, v13;
	[tilespmem:s15+$0xD0] =	vst v6  }
0xaf: {  	v4 =	vadd.f32 v4, v0;
	v6 =	vmul.f32 $8.000000000e+00, v11;
	v5 =	vld [tilespmem:s19+$0xF0];
	[tilespmem:s15+$0x90] =	vst v7  }
0xb0: {  	v7 =	vmul.f32 $8.000000000e+00, v15;
	v15 =	vld [tilespmem:s19+$0x50];
	v9 =	vadd.f32 v9, v0;
	[tilespmem:s15+$0x10] =	vst v8  }
.Ltmp2:
0xb1: {  	v13 =	vmul.f32 $8.000000000e+00, v14;
	v8 =	vmul.f32 $8.000000000e+00, v17;
	v17 =	vadd.f32 v6, v2;
	v6 =	vld [tilespmem:s19+$0xD0];
	[tilespmem:s15+$0x60] =	vst v4;
	s15 =	smov.u32 s19;
	(pc) =	sbr.rel @p1 .LBB2_7-.Ltmp2, $4  }
0xb2: {  	v11 =	vadd.f32 v7, v3;
	v4 =	vld [tilespmem:s19+$0x60];
	v14 =	vmul.f32 $8.000000000e+00, v12;
	[tilespmem:s19+$0xE0] =	vst v9  }
0xb3: {  	v19 =	vadd.f32 v13, v0;
	v9 =	vld [tilespmem:s19+$0x40];
	v12 =	vmul.f32 $8.000000000e+00, v18;
	[tilespmem:s19+$0x80] =	vst v10  }
0xb4: {  	v7 =	vld [tilespmem:s19+$0x90];
	v14 =	vadd.f32 v14, v3;
	[tilespmem:s19+$0xC0] =	vst v17  }
0xb5: {  	v13 =	vadd.f32 v8, v2;
	s19 =	sadd.s32 $0x100, s19;
	v8 =	vld [tilespmem:s15+$0x10];
	[tilespmem:s15+$0x20] =	vst v19;
	v10 =	vmul.f32 $8.000000000e+00, v15;
	v15 =	vmul.f32 $8.000000000e+00, v16  }
0xb6: {  	[tilespmem:s15+$0xB0] =	vst v14  }
0xb7: {  	v5 =	vmul.f32 $8.000000000e+00, v5;
	[tilespmem:s15+$0x30] =	vst v11;
	v11 =	vadd.f32 v12, v3  }
0xb8: {  	v12 =	vadd.f32 v15, v0;
	[tilespmem:s15+$0x0] =	vst v13  }
0xb9: {  	v4 =	vmul.f32 $8.000000000e+00, v4;
	[tilespmem:s15+$0x70] =	vst v11;
	v3 =	vadd.f32 v5, v3  }
0xba: {  	v9 =	vmul.f32 $8.000000000e+00, v9;
	v5 =	vmul.f32 $8.000000000e+00, v6;
	v6 =	vadd.f32 v10, v1;
	[tilespmem:s15+$0xA0] =	vst v12  }
0xbb: {  	v0 =	vadd.f32 v4, v0;
	[tilespmem:s15+$0xF0] =	vst v3  }
0xbc: {  	s0 =	sand.u32 $0x7, s0;
	v7 =	vmul.f32 $8.000000000e+00, v7;
	v2 =	vadd.f32 v9, v2;
	[tilespmem:s15+$0x50] =	vst v6  }
0xbd: {  	s0 =	smul.u32 $0x190000, s0;
	v3 =	vadd.f32 v5, v1;
	v5 =	vmul.f32 $8.000000000e+00, v8;
	[tilespmem:s15+$0x60] =	vst v0  }
0xbe: {  	v6 =	vadd.f32 v7, v1;
	[tilespmem:s15+$0x40] =	vst v2  }
0xbf: {  	s0 =	sadd.s32 s14, s0;
	v1 =	vadd.f32 v5, v1;
	[tilespmem:s15+$0xD0] =	vst v3  }
0xc0: {  	s0 =	sshrl.u32 s0, $0x3;
	[tilespmem:s15+$0x90] =	vst v6  }
0xc1: {  	s0 =	sadd.s32 s2, s0;
	[tilespmem:s15+$0x10] =	vst v1  }
0xc2: {  	[hbm4b:s0+s26] =	stream.strided.scatter [tilespmem:s20], [sflag:$0x8], $0x2000, s28, s26, $0x38;
	[tilespmem:$0xEB00] =	vst v63  }
0xc3: {  	s0 =	simm.s32 @!p0 $0x8  }
0xc4: {  	_ =	swait.ge @!p0 [sflag:s0], $0x2000  }
0xc5: {  	s13 =	simm.s32 @!p0 $0x80;
	[sflag:s0] =	ssyncset.done @!p0 $0x0  }
0xc6: {  	s14 =	simm.s32 @!p0 $0x8B00;
	[sflag:s0] =	ssyncadd.s32 @!p0 $0xFFFFE000;
	s0 =	sadd.s32 @!p0 $0x380, s12  }
0xc7: {  	[tilespmem:s14], [sflag:$0x3] =	stream.indirect.gather @!p0 [hbm4b:s4+s13], $0x40, s0, s13, $0xb8;
	[tilespmem:$0xEB00] =	vst v63  }
0xc8: {  	s0 =	sadd.s32 s7, s10;
	_ =	swait.ge [sflag:s31], $0x2000  }
0xc9: {  	s19 =	sshll.u32 s0, $0x3;
	[sflag:s31] =	ssyncset.done $0x0  }
0xca: {  	s14 =	sand.u32 $0x7FFFFFC0, s19;
	[sflag:s31] =	ssyncadd.s32 $0xFFFFE000  }
0xcb: {  	v2 =	vld [tilespmem:s14+$0x1900]  }
0xcc: {  	v1 =	vld [tilespmem:s14+$0x1910]  }
0xcd: {  	v0 =	vld [tilespmem:s14+$0x1920]  }
0xce: {  	s15 =	simm.s32 $0xAB00;
	v3 =	vld [tilespmem:s14+$0x1930]  }
0xcf: {  	v4 =	vld [tilespmem:s15+$0x80]  }
0xd0: {  	v7 =	vld [tilespmem:s15+$0x20]  }
0xd1: {  	v8 =	vld [tilespmem:s15+$0x30]  }
0xd2: {  	v6 =	vld [tilespmem:s15+$0xE0]  }
0xd3: {  	v9 =	vld [tilespmem:s15+$0xC0]  }
0xd4: {  	v15 =	vld [tilespmem:s15+$0xA0]  }
0xd5: {  	v10 =	vld [tilespmem:s15+$0x0]  }
0xd6: {  	v11 =	vld [tilespmem:s15+$0xB0]  }
0xd7: {  	v12 =	vld [tilespmem:s15+$0x70];
	v4 =	vmul.f32 $8.000000000e+00, v4  }
0xd8: {  	v5 =	vld [tilespmem:s15+$0xF0];
	v13 =	vmul.f32 $8.000000000e+00, v6  }
0xd9: {  	v16 =	vld [tilespmem:s15+$0x50];
	v9 =	vmul.f32 $8.000000000e+00, v9;
	v14 =	vadd.f32 v4, v2  }
0xda: {  	v6 =	vld [tilespmem:s15+$0xD0];
	v7 =	vmul.f32 $8.000000000e+00, v7;
	v13 =	vadd.f32 v13, v0  }
0xdb: {  	v18 =	vmul.f32 $8.000000000e+00, v11;
	v4 =	vld [tilespmem:s15+$0x60];
	v17 =	vadd.f32 v9, v2;
	[tilespmem:s15+$0x80] =	vst v14  }
0xdc: {  	v8 =	vmul.f32 $8.000000000e+00, v8;
	v10 =	vmul.f32 $8.000000000e+00, v10;
	v9 =	vld [tilespmem:s15+$0x40];
	v19 =	vadd.f32 v7, v0;
	[tilespmem:s15+$0xE0] =	vst v13  }
0xdd: {  	v12 =	vmul.f32 $8.000000000e+00, v12;
	v15 =	vmul.f32 $8.000000000e+00, v15;
	v7 =	vld [tilespmem:s15+$0x90];
	v14 =	vadd.f32 v18, v3;
	[tilespmem:s15+$0xC0] =	vst v17  }
0xde: {  	s13 =	simm.s32 $0x0;
	s19 =	simm.s32 $0xAC00;
	v11 =	vadd.f32 v8, v3;
	v8 =	vld [tilespmem:s15+$0x10];
	v13 =	vadd.f32 v10, v2;
	[tilespmem:s15+$0x20] =	vst v19;
	v10 =	vmul.f32 $8.000000000e+00, v16  }
.LBB2_9:
0xdf: {  	v16 =	vld [tilespmem:s19+$0x80];
	s13 =	sadd.s32 $0x4, s13;
	[tilespmem:s15+$0xB0] =	vst v14;
	v5 =	vmul.f32 $8.000000000e+00, v5  }
0xe0: {  	v6 =	vmul.f32 $8.000000000e+00, v6;
	v14 =	vld [tilespmem:s19+$0x20];
	p1 =	slt.u32 s13, $0x7C;
	[tilespmem:s15+$0x30] =	vst v11;
	v11 =	vadd.f32 v12, v3;
	v12 =	vadd.f32 v15, v0  }
0xe1: {  	v4 =	vmul.f32 $8.000000000e+00, v4;
	v15 =	vld [tilespmem:s19+$0x30];
	[tilespmem:s15+$0x0] =	vst v13;
	v9 =	vmul.f32 $8.000000000e+00, v9  }
0xe2: {  	v6 =	vadd.f32 v6, v1;
	v5 =	vadd.f32 v5, v3;
	v13 =	vld [tilespmem:s19+$0xE0];
	[tilespmem:s15+$0x70] =	vst v11;
	v7 =	vmul.f32 $8.000000000e+00, v7  }
0xe3: {  	v10 =	vadd.f32 v10, v1;
	v11 =	vld [tilespmem:s19+$0xC0];
	v8 =	vmul.f32 $8.000000000e+00, v8;
	v9 =	vadd.f32 v9, v2;
	[tilespmem:s15+$0xA0] =	vst v12  }
0xe4: {  	v12 =	vmul.f32 $8.000000000e+00, v16;
	v16 =	vld [tilespmem:s19+$0xA0];
	v7 =	vadd.f32 v7, v1;
	[tilespmem:s15+$0xF0] =	vst v5  }
0xe5: {  	v17 =	vld [tilespmem:s19+$0x0];
	v8 =	vadd.f32 v8, v1;
	[tilespmem:s15+$0x50] =	vst v10  }
0xe6: {  	v10 =	vadd.f32 v12, v2;
	v12 =	vld [tilespmem:s19+$0xB0];
	[tilespmem:s15+$0x40] =	vst v9  }
0xe7: {  	v18 =	vld [tilespmem:s19+$0x70];
	v9 =	vmul.f32 $8.000000000e+00, v13;
	[tilespmem:s15+$0xD0] =	vst v6  }
0xe8: {  	v4 =	vadd.f32 v4, v0;
	v6 =	vmul.f32 $8.000000000e+00, v11;
	v5 =	vld [tilespmem:s19+$0xF0];
	[tilespmem:s15+$0x90] =	vst v7  }
0xe9: {  	v7 =	vmul.f32 $8.000000000e+00, v15;
	v15 =	vld [tilespmem:s19+$0x50];
	v9 =	vadd.f32 v9, v0;
	[tilespmem:s15+$0x10] =	vst v8  }
.Ltmp3:
0xea: {  	v13 =	vmul.f32 $8.000000000e+00, v14;
	v8 =	vmul.f32 $8.000000000e+00, v17;
	v17 =	vadd.f32 v6, v2;
	v6 =	vld [tilespmem:s19+$0xD0];
	[tilespmem:s15+$0x60] =	vst v4;
	s15 =	smov.u32 s19;
	(pc) =	sbr.rel @p1 .LBB2_9-.Ltmp3, $4  }
0xeb: {  	v11 =	vadd.f32 v7, v3;
	v4 =	vld [tilespmem:s19+$0x60];
	v14 =	vmul.f32 $8.000000000e+00, v12;
	[tilespmem:s19+$0xE0] =	vst v9  }
0xec: {  	v19 =	vadd.f32 v13, v0;
	v9 =	vld [tilespmem:s19+$0x40];
	v12 =	vmul.f32 $8.000000000e+00, v18;
	[tilespmem:s19+$0x80] =	vst v10  }
0xed: {  	v7 =	vld [tilespmem:s19+$0x90];
	v14 =	vadd.f32 v14, v3;
	[tilespmem:s19+$0xC0] =	vst v17  }
0xee: {  	v13 =	vadd.f32 v8, v2;
	s19 =	sadd.s32 $0x100, s19;
	v8 =	vld [tilespmem:s15+$0x10];
	[tilespmem:s15+$0x20] =	vst v19;
	v10 =	vmul.f32 $8.000000000e+00, v15;
	v15 =	vmul.f32 $8.000000000e+00, v16  }
0xef: {  	[tilespmem:s15+$0xB0] =	vst v14  }
0xf0: {  	v5 =	vmul.f32 $8.000000000e+00, v5;
	[tilespmem:s15+$0x30] =	vst v11;
	v11 =	vadd.f32 v12, v3  }
0xf1: {  	v12 =	vadd.f32 v15, v0;
	[tilespmem:s15+$0x0] =	vst v13  }
0xf2: {  	v4 =	vmul.f32 $8.000000000e+00, v4;
	[tilespmem:s15+$0x70] =	vst v11;
	v3 =	vadd.f32 v5, v3  }
0xf3: {  	v9 =	vmul.f32 $8.000000000e+00, v9;
	v5 =	vmul.f32 $8.000000000e+00, v6;
	v6 =	vadd.f32 v10, v1;
	[tilespmem:s15+$0xA0] =	vst v12  }
0xf4: {  	v0 =	vadd.f32 v4, v0;
	[tilespmem:s15+$0xF0] =	vst v3  }
0xf5: {  	s0 =	sand.u32 $0x7, s0;
	v7 =	vmul.f32 $8.000000000e+00, v7;
	v2 =	vadd.f32 v9, v2;
	[tilespmem:s15+$0x50] =	vst v6  }
0xf6: {  	s0 =	smul.u32 $0x190000, s0;
	v3 =	vadd.f32 v5, v1;
	v5 =	vmul.f32 $8.000000000e+00, v8;
	[tilespmem:s15+$0x60] =	vst v0  }
0xf7: {  	v6 =	vadd.f32 v7, v1;
	[tilespmem:s15+$0x40] =	vst v2  }
0xf8: {  	s0 =	sadd.s32 s14, s0;
	v1 =	vadd.f32 v5, v1;
	[tilespmem:s15+$0xD0] =	vst v3  }
0xf9: {  	s0 =	sshrl.u32 s0, $0x3;
	[tilespmem:s15+$0x90] =	vst v6  }
0xfa: {  	s0 =	sadd.s32 s2, s0;
	[tilespmem:s15+$0x10] =	vst v1  }
0xfb: {  	[hbm4b:s0+s26] =	stream.strided.scatter [tilespmem:s22], [sflag:$0x9], $0x2000, s28, s26, $0x38;
	[tilespmem:$0xEB00] =	vst v63  }
0xfc: {  	s0 =	simm.s32 @!p0 $0x9  }
0xfd: {  	_ =	swait.ge @!p0 [sflag:s0], $0x2000  }
0xfe: {  	s13 =	simm.s32 @!p0 $0x80;
	[sflag:s0] =	ssyncset.done @!p0 $0x0  }
0xff: {  	s14 =	simm.s32 @!p0 $0xAB00;
	[sflag:s0] =	ssyncadd.s32 @!p0 $0xFFFFE000;
	s0 =	sadd.s32 @!p0 $0x400, s12  }
0x100: {  	[tilespmem:s14], [sflag:$0x4] =	stream.indirect.gather @!p0 [hbm4b:s4+s13], $0x40, s0, s13, $0xb8;
	[tilespmem:$0xEB00] =	vst v63  }
0x101: {  	s0 =	sadd.s32 s7, s11;
	_ =	swait.ge [sflag:s1], $0x2000  }
0x102: {  	s7 =	sshll.u32 s0, $0x3;
	[sflag:s1] =	ssyncset.done $0x0  }
0x103: {  	s7 =	sand.u32 $0x7FFFFFC0, s7;
	[sflag:s1] =	ssyncadd.s32 $0xFFFFE000  }
0x104: {  	v2 =	vld [tilespmem:s7+$0x1900]  }
0x105: {  	v1 =	vld [tilespmem:s7+$0x1910]  }
0x106: {  	v0 =	vld [tilespmem:s7+$0x1920]  }
0x107: {  	s14 =	simm.s32 $0xCB00;
	v3 =	vld [tilespmem:s7+$0x1930]  }
0x108: {  	v4 =	vld [tilespmem:s14+$0x80]  }
0x109: {  	v7 =	vld [tilespmem:s14+$0x20]  }
0x10a: {  	v8 =	vld [tilespmem:s14+$0x30]  }
0x10b: {  	v6 =	vld [tilespmem:s14+$0xE0]  }
0x10c: {  	v9 =	vld [tilespmem:s14+$0xC0]  }
0x10d: {  	v15 =	vld [tilespmem:s14+$0xA0]  }
0x10e: {  	v10 =	vld [tilespmem:s14+$0x0]  }
0x10f: {  	v11 =	vld [tilespmem:s14+$0xB0]  }
0x110: {  	v12 =	vld [tilespmem:s14+$0x70];
	v4 =	vmul.f32 $8.000000000e+00, v4  }
0x111: {  	v5 =	vld [tilespmem:s14+$0xF0];
	v13 =	vmul.f32 $8.000000000e+00, v6  }
0x112: {  	v16 =	vld [tilespmem:s14+$0x50];
	v9 =	vmul.f32 $8.000000000e+00, v9;
	v14 =	vadd.f32 v4, v2  }
0x113: {  	v6 =	vld [tilespmem:s14+$0xD0];
	v7 =	vmul.f32 $8.000000000e+00, v7;
	v13 =	vadd.f32 v13, v0  }
0x114: {  	v18 =	vmul.f32 $8.000000000e+00, v11;
	v4 =	vld [tilespmem:s14+$0x60];
	v17 =	vadd.f32 v9, v2;
	[tilespmem:s14+$0x80] =	vst v14  }
0x115: {  	v8 =	vmul.f32 $8.000000000e+00, v8;
	v10 =	vmul.f32 $8.000000000e+00, v10;
	v9 =	vld [tilespmem:s14+$0x40];
	v19 =	vadd.f32 v7, v0;
	[tilespmem:s14+$0xE0] =	vst v13  }
0x116: {  	v12 =	vmul.f32 $8.000000000e+00, v12;
	v15 =	vmul.f32 $8.000000000e+00, v15;
	v7 =	vld [tilespmem:s14+$0x90];
	v14 =	vadd.f32 v18, v3;
	[tilespmem:s14+$0xC0] =	vst v17  }
0x117: {  	s15 =	simm.s32 $0xCC00;
	s13 =	simm.s32 $0x0;
	v11 =	vadd.f32 v8, v3;
	v8 =	vld [tilespmem:s14+$0x10];
	v13 =	vadd.f32 v10, v2;
	[tilespmem:s14+$0x20] =	vst v19;
	v10 =	vmul.f32 $8.000000000e+00, v16  }
.LBB2_11:
0x118: {  	v16 =	vld [tilespmem:s15+$0x80];
	s13 =	sadd.s32 $0x4, s13;
	[tilespmem:s14+$0xB0] =	vst v14;
	v5 =	vmul.f32 $8.000000000e+00, v5  }
0x119: {  	v6 =	vmul.f32 $8.000000000e+00, v6;
	v14 =	vld [tilespmem:s15+$0x20];
	p1 =	slt.u32 s13, $0x7C;
	[tilespmem:s14+$0x30] =	vst v11;
	v11 =	vadd.f32 v12, v3;
	v12 =	vadd.f32 v15, v0  }
0x11a: {  	v4 =	vmul.f32 $8.000000000e+00, v4;
	v15 =	vld [tilespmem:s15+$0x30];
	[tilespmem:s14+$0x0] =	vst v13;
	v9 =	vmul.f32 $8.000000000e+00, v9  }
0x11b: {  	v6 =	vadd.f32 v6, v1;
	v5 =	vadd.f32 v5, v3;
	v13 =	vld [tilespmem:s15+$0xE0];
	[tilespmem:s14+$0x70] =	vst v11;
	v7 =	vmul.f32 $8.000000000e+00, v7  }
0x11c: {  	v10 =	vadd.f32 v10, v1;
	v11 =	vld [tilespmem:s15+$0xC0];
	v8 =	vmul.f32 $8.000000000e+00, v8;
	v9 =	vadd.f32 v9, v2;
	[tilespmem:s14+$0xA0] =	vst v12  }
0x11d: {  	v12 =	vmul.f32 $8.000000000e+00, v16;
	v16 =	vld [tilespmem:s15+$0xA0];
	v7 =	vadd.f32 v7, v1;
	[tilespmem:s14+$0xF0] =	vst v5  }
0x11e: {  	v17 =	vld [tilespmem:s15+$0x0];
	v8 =	vadd.f32 v8, v1;
	[tilespmem:s14+$0x50] =	vst v10  }
0x11f: {  	v10 =	vadd.f32 v12, v2;
	v12 =	vld [tilespmem:s15+$0xB0];
	[tilespmem:s14+$0x40] =	vst v9  }
0x120: {  	v18 =	vld [tilespmem:s15+$0x70];
	v9 =	vmul.f32 $8.000000000e+00, v13;
	[tilespmem:s14+$0xD0] =	vst v6  }
0x121: {  	v4 =	vadd.f32 v4, v0;
	v6 =	vmul.f32 $8.000000000e+00, v11;
	v5 =	vld [tilespmem:s15+$0xF0];
	[tilespmem:s14+$0x90] =	vst v7  }
0x122: {  	v7 =	vmul.f32 $8.000000000e+00, v15;
	v15 =	vld [tilespmem:s15+$0x50];
	v9 =	vadd.f32 v9, v0;
	[tilespmem:s14+$0x10] =	vst v8  }
.Ltmp4:
0x123: {  	v13 =	vmul.f32 $8.000000000e+00, v14;
	v8 =	vmul.f32 $8.000000000e+00, v17;
	v17 =	vadd.f32 v6, v2;
	v6 =	vld [tilespmem:s15+$0xD0];
	[tilespmem:s14+$0x60] =	vst v4;
	s14 =	smov.u32 s15;
	(pc) =	sbr.rel @p1 .LBB2_11-.Ltmp4, $4  }
0x124: {  	v11 =	vadd.f32 v7, v3;
	v4 =	vld [tilespmem:s15+$0x60];
	v14 =	vmul.f32 $8.000000000e+00, v12;
	[tilespmem:s15+$0xE0] =	vst v9  }
0x125: {  	v19 =	vadd.f32 v13, v0;
	v9 =	vld [tilespmem:s15+$0x40];
	v12 =	vmul.f32 $8.000000000e+00, v18;
	[tilespmem:s15+$0x80] =	vst v10  }
0x126: {  	v7 =	vld [tilespmem:s15+$0x90];
	v14 =	vadd.f32 v14, v3;
	[tilespmem:s15+$0xC0] =	vst v17  }
0x127: {  	v13 =	vadd.f32 v8, v2;
	s15 =	sadd.s32 $0x100, s15;
	v8 =	vld [tilespmem:s14+$0x10];
	[tilespmem:s14+$0x20] =	vst v19;
	v10 =	vmul.f32 $8.000000000e+00, v15;
	v15 =	vmul.f32 $8.000000000e+00, v16  }
0x128: {  	[tilespmem:s14+$0xB0] =	vst v14  }
0x129: {  	[tilespmem:s14+$0x30] =	vst v11;
	v54 =	vadd.f32 v12, v3  }
0x12a: {  	v5 =	vmul.f32 $8.000000000e+00, v5;
	v55 =	vadd.f32 v15, v0;
	[tilespmem:s14+$0x0] =	vst v13  }
0x12b: {  	v57 =	vmul.f32 $8.000000000e+00, v6;
	v58 =	vadd.f32 v10, v1;
	[tilespmem:s14+$0x70] =	vst v54  }
0x12c: {  	v4 =	vmul.f32 $8.000000000e+00, v4;
	v56 =	vadd.f32 v5, v3;
	[tilespmem:s14+$0xA0] =	vst v55  }
0x12d: {  	v9 =	vmul.f32 $8.000000000e+00, v9;
	v59 =	vadd.f32 v57, v1;
	[tilespmem:s14+$0x50] =	vst v58  }
0x12e: {  	s0 =	sand.u32 $0x7, s0;
	v7 =	vmul.f32 $8.000000000e+00, v7;
	v63 =	vadd.f32 v4, v0;
	[tilespmem:s14+$0xF0] =	vst v56  }
0x12f: {  	s0 =	smul.u32 $0x190000, s0;
	v2 =	vadd.f32 v9, v2;
	v60 =	vmul.f32 $8.000000000e+00, v8;
	[tilespmem:s14+$0xD0] =	vst v59  }
0x130: {  	v61 =	vadd.f32 v7, v1;
	[tilespmem:s14+$0x60] =	vst v63  }
0x131: {  	s0 =	sadd.s32 s7, s0;
	[tilespmem:s14+$0x40] =	vst v2;
	v62 =	vadd.f32 v60, v1  }
0x132: {  	s0 =	sshrl.u32 s0, $0x3;
	[tilespmem:s14+$0x90] =	vst v61  }
0x133: {  	s0 =	sadd.s32 s2, s0;
	[tilespmem:s14+$0x10] =	vst v62  }
0x134: {  	[hbm4b:s0+s26] =	stream.strided.scatter [tilespmem:s24], [sflag:$0xA], $0x2000, s28, s26, $0x38;
	[tilespmem:$0xEB00] =	vst v63  }
0x135: {  	s0 =	simm.s32 @!p0 $0xA  }
0x136: {  	_ =	swait.ge @!p0 [sflag:s0], $0x2000  }
0x137: {  	p1 =	sne.s32 @!p0 s3, $0xA;
	s7 =	simm.s32 @!p0 $0x80;
	[sflag:s0] =	ssyncset.done @!p0 $0x0  }
0x138: {  	[sflag:s0] =	ssyncadd.s32 @!p0 $0xFFFFE000;
	s0 =	sadd.s32 @!p0 $0x480, s12;
	s12 =	simm.s32 @!p0 $0xCB00  }
0x139: {  	[tilespmem:s12], [sflag:$0x5] =	stream.indirect.gather @!p0 [hbm4b:s4+s7], $0x40, s0, s7, $0xb8;
	[tilespmem:$0xEB00] =	vst v63  }
0x13a: {  	p0 =	por p0, !p1  }
.Ltmp5:
0x13b: {  	_ = 	snop;
	(pc) =	sbr.rel @!p0 .LBB2_2-.Ltmp5, $1  }
0x13c: {  	_ =	sdelay $0x3  }
0x13d: {  	s0 =	simm.s32 $0x6  }
0x13e: {  	_ =	swait.ge [sflag:s0], $0x2000  }
0x13f: {  	[sflag:s0] =	ssyncset.done $0x0  }
0x140: {  	s14 =	simm.s32 $0x7;
	[sflag:s0] =	ssyncadd.s32 $0xFFFFE000  }
0x141: {  	_ =	swait.ge [sflag:s14], $0x2000  }
0x142: {  	[sflag:s14] =	ssyncset.done $0x0  }
0x143: {  	s15 =	simm.s32 $0x8;
	[sflag:s14] =	ssyncadd.s32 $0xFFFFE000  }
0x144: {  	_ =	swait.ge [sflag:s15], $0x2000  }
0x145: {  	[sflag:s15] =	ssyncset.done $0x0  }
0x146: {  	[sflag:s15] =	ssyncadd.s32 $0xFFFFE000  }
0x147: {  	_ =	swait.ge [sflag:s21], $0x2000  }
0x148: {  	[sflag:s21] =	ssyncset.done $0x0  }
0x149: {  	[sflag:s21] =	ssyncadd.s32 $0xFFFFE000  }
0x14a: {  	_ =	swait.ge [sflag:s23], $0x2000  }
0x14b: {  	s6 =	sadd.s32 $0x1, s6;
	s19 =	rddreg [dreg:$0x5]  }
0x14c: {  	p0 =	sne.s32 s6, s19  }
.Ltmp6:
0x14d: {  	_ = 	snop;
	(pc) =	sbr.rel @p0 .LBB2_1-.Ltmp6, $3  }
0x14e: {  	_ =	sdelay $0x1  }
0x14f: {  	[sflag:s23] =	ssyncset.done $0x0  }
0x150: {  	[sflag:s23] =	ssyncadd.s32 $0xFFFFE000  }
0x151: {  	_ =	sfence.sel $0x180000  }
0x152: {  	[bflag:$0x0] =	sbarrier.arrive $0xFFFF  }
0x153: {  	_ =	strace $0x90000047  }
0x154: {  	s0 =	stileid.u32;
	[bflag:$0x2] =	sbarrier.arrive $0xFFFF  }
0x155: {  	p0 =	sne.s32 s0, $0x0;
	s0 =	rddreg [dreg:$0x2]  }
0x156: {  	s0 =	sadd.s32 @!p0 $0x100000, s0  }
0x157: {  	[sflag:s0] =	ssyncadd.tile.s32 @!p0 $0x1;
	_ =	shalt  }
.Lfunc_end2:
_tile_overlayer_lowered:
.L_overlay_start_2:
0x158: {  	(tag) =	ssettag $0x2  }
0x159: {  	s0 =	rddreg [dreg:$0x0];
	s2 =	stileid.u32  }
0x15a: {  	s1 =	rddreg [dreg:$0x1];
	p0 =	sne.s32 s2, $0x0  }
0x15b: {  	s3 =	rddreg [dreg:$0x2];
	[bflag:$0x3] =	sbarrier.arrive $0xFFFF;
	s2 =	simm.s32 @!p0 $0x1C0C  }
0x15c: {  	[timem:s3], [sflag:s2] =	dma.local @!p0 [hbm:s0], s1  }
0x15d: {  	s0 =	simm.s32 @!p0 $0xC  }
0x15e: {  	_ =	swait.ge @!p0 [sflag:s0], s1  }
0x15f: {  	s1 =	ssub.s32 @!p0 $0x0, s1;
	[sflag:s0] =	ssyncset.done @!p0 $0x0  }
0x160: {  	[sflag:s0] =	ssyncadd.s32 @!p0 s1  }
0x161: {  	[bflag:$0x3] =	sbarrier.arrive $0xFFFF  }
0x162: {  	_ =	shalt  }

// kernel: sparse-core-data-format-call.cloned.1.call-start
scs
called_computation_lowered:
.L_overlay_start_0:
0x0: {  	s2 =	sld [smem:$0x3FD9]  }
0x1: {  	s3 =	sld [smem:$0x3FFE];
	_ =	sdelay $0x1  }
0x2: {  	s1 =	srdreg.scid  }
0x3: {  	s0 =	sand.u32 $0x1, s1  }
0x4: {  	s18 =	sshll.u32 s0, $0xA;
	s2 =	sadd.s32 s3, s2  }
0x5: {  	s2 =	sadd.s32 s2, s18  }
0x6: {  	[smem:$0x3FC6] =	sst s2  }
0x7: {  	_ = 	snop  }
0x8: {  	s2 =	sld [smem:$0x3FD0];
	(tm) =	ssettm $0x1  }
0x9: {  	s19 =	sld [smem:$0x3FFB];
	_ =	sdelay $0x3  }
0xa: {  	_ =	strace s19  }
0xb: {  	s3 =	sld [smem:$0x3FFC];
	_ =	sdelay $0x3  }
0xc: {  	_ =	strace s3  }
0xd: {  	s3 =	sld [smem:$0x3FFD];
	_ =	sdelay $0x3  }
0xe: {  	_ =	strace s3  }
0xf: {  	_ =	strace $0x8FFFFFFF  }
0x10: {  	s20 =	sld [smem:$0x3FDB];
	_ =	sdelay $0x1  }
0x11: {  	s4 =	simm.s32 $_scs_section_size  }
0x12: {  	s5 =	simm.s32 $_size__tile_overlayer_lowered;
	s6 =	simm.s32 $_tile_overlayer_lowered  }
0x13: {  	s23 =	simm.s32 $0x1BFF;
	s22 =	sshll.u32 s6, $0x1;
	s3 =	sadd.s32 s4, s20  }
0x14: {  	s7 =	simm.s32 $0x0;
	s21 =	sshll.u32 s5, $0x1;
	s5 =	sadd.s32 s22, s3  }
0x15: {  	[timem:s7], [sflag:s23] =	dma.local [hbm:s5], s21  }
0x16: {  	_ =	swait.ge [sflag:s23], s21  }
0x17: {  	s4 =	ssub.s32 $0x0, s21;
	[sflag:s23] =	ssyncset.done $0x0  }
0x18: {  	[sflag:s23] =	ssyncadd.s32 s4;
	_ =	sdelay $0x1  }
0x19: {  	s24 =	simm.s32 $0x1B8B  }
0x1a: {  	_ =	swait.ge [sflag:s24], $0x1  }
0x1b: {  	[sflag:s24] =	ssyncset.done $0x0  }
0x1c: {  	s26 =	simm.s32 $0x1B8E;
	s25 =	sld [smem:$0x3FFE];
	[sflag:s24] =	ssyncadd.s32 $0xFFFFFFFF  }
0x1d: {  	s27 =	simm.s32 $execute0_lowered;
	[smem:$0x3FD2] =	sst s26  }
0x1e: {  	s5 =	sshll.u32 s27, $0x1;
	_ =	strace $0x80000049;
	[dreg:$0x1] =	wrdreg $0xFFFFFFFF  }
0x1f: {  	s28 =	simm.s32 $_size_execute0_lowered;
	s3 =	sadd.s32 s3, s5;
	[dreg:$0x0] =	wrdreg $0x0  }
0x20: {  	s5 =	sshll.u32 s28, $0x1;
	[dreg:$0x2] =	wrdreg s3  }
0x21: {  	[dreg:$0x3] =	wrdreg s5  }
0x22: {  	[dreg:$0x4] =	wrdreg $0xC0  }
0x23: {  	_ =	task [dreg:s7], $0x5FFFF  }
0x24: {  	[dreg:$0x1] =	wrdreg $0xFFFFFFFF  }
0x25: {  	[dreg:$0x0] =	wrdreg $0x60  }
0x26: {  	[dreg:$0x2] =	wrdreg s25  }
0x27: {  	[dreg:$0x3] =	wrdreg s2  }
0x28: {  	[dreg:$0x4] =	wrdreg $0x9  }
0x29: {  	_ =	task.clear_ibuf [dreg:s7], $0x5FFFF;
	_ =	strace $0x90000049  }
0x2a: {  	s29 =	simm.s32 $0x9;
	_ =	strace $0x8000004B  }
0x2b: {  	_ =	swait.ge [sflag:s29], $0x1  }
0x2c: {  	[sflag:s29] =	ssyncadd.s32 $0xFFFFFFFF  }
0x2d: {  	_ =	strace $0x9000004B  }
0x2e: {  	_ =	sfence  }
0x2f: {  	s30 =	sld [smem:$0x0];
	_ =	sdelay $0x2  }
0x30: {  	s31 =	sshll.u32 s1, $0xD;
	s1 =	sshrl.u32 s1, $0x2  }
0x31: {  	s3 =	sand.u32 $0x4000, s31;
	s1 =	sadd.s32 s1, s30  }
0x32: {  	s0 =	sor.u32 s3, s0;
	s1 =	sshll.u32 s1, $0x11  }
0x33: {  	s0 =	sor.u32 s1, s0  }
0x34: {  	s0 =	sadd.s32 $0x8F2B, s0  }
0x35: {  	[sflag:s0] =	ssyncadd.remote.s32 $0x1  }
0x36: {  	_ =	sfence.sel $0xFFFF  }
0x37: {  	[dreg:$0x0] =	wrdreg $0xFFFFFFFF;
	(pc) =	sbr.abs _section_cstart, $3  }
0x38: {  	[dreg:$0x1] =	wrdreg $0xFFFFFFFF  }
0x39: {  	_ =	task.clear_ibuf [dreg:s7], $0x2FFFF;
	_ =	strace $0x9FFFFFFF  }
0x3a: {  	(tm) =	ssettm $0x7FFFFFFF  }
0x3b: {  	_ =	shalt  }
tec
execute0_lowered:
.L_overlay_start_1:
0x0: {  	(tag) =	ssettag $0x1  }
0x1: {  	s0 =	stileid.u32;
	s6 =	rddreg [dreg:$0x0]  }
0x2: {  	s2 =	rddreg [dreg:$0x1];
	s5 =	srdreg.scid  }
0x3: {  	s31 =	simm.s32 $0x2;
	s13 =	simm.s32 $0x0;
	s1 =	sshll.u32 s0, $0x7  }
0x4: {  	s14 =	simm.s32 $0x0;
	s12 =	simm.s32 $0x0;
	s3 =	sand.u32 $0x380, s1  }
0x5: {  	s5 =	sshll.u32 s5, $0x4;
	s6 =	sadd.s32 $0xC00, s6;
	s4 =	ssub.s32 $0x400, s3  }
0x6: {  	s1 =	rddreg [dreg:$0x2];
	_ =	strace $0x8000004A;
	s7 =	sand.u32 $0x380, s4  }
0x7: {  	s5 =	sand.u32 $0x10, s5;
	p0 =	sne.s32 s7, $0x0;
	s7 =	simm.s32 $0x1  }
.Ltmp0:
0x8: {  	s8 =	sshrl.u32 s4, $0xA;
	s7 =	simm.s32 @!p0 $0x0;
	(pc) =	sbr.rel .LBB1_1-.Ltmp0, $4  }
0x9: {  	s9 =	sor.u32 s0, s5;
	s4 =	simm.s32 $0x1;
	s30 =	sadd.s32 s7, s8  }
0xa: {  	s11 =	smov.u32 s3;
	[sflag:s4] =	ssyncpa.u1 $0x0;
	s5 =	smul.u32 $0x32, s30  }
0xb: {  	[sflag:s31] =	ssyncpa.u1 $0x0;
	p0 =	por $0x0, $0x0;
	s7 =	sshrl.u32 s9, $0x3  }
0xc: {  	s9 =	simm.s32 $0x2000;
	s10 =	smov.u32 s7;
	s8 =	sor.u32 $0x1, s5  }
.LBB1_4:
0xd: {  	s17 =	sand.u32 $0x1F80, s14;
	s13 =	sshll.u32 s13, $0xD  }
0xe: {  	[tilespmem:s16+$0x810 ss:$0x81] =	vst.msk $0xffff, v2;
	s18 =	sshrl.u32 s14, $0x3;
	s31 =	sand.u32 $0x7, s14;
	s17 =	sadd.s32 s2, s17  }
0xf: {  	[tilespmem:s16+$0x1020 ss:$0x81] =	vst.msk $0xffff, v0;
	s18 =	sand.u32 $0xF, s18;
	s14 =	sshll.u32 s31, $0x12;
	s13 =	sadd.s32 s13, s17  }
0x10: {  	[tilespmem:s16+$0x0 ss:$0x81] =	vst.msk $0xffff, v1;
	s14 =	sor.u32 $0x400, s14;
	s13 =	sadd.s32 s18, s13  }
0x11: {  	[hbm4b:s13+s14] =	stream.strided.scatter [tilespmem:s15], [sflag:$0x2], $0x2000, s9, s14, $0x20;
	[tilespmem:$0x8080] =	vst v63  }
.LBB1_5:
0x12: {  	s15 =	sadd.s32 $0x4, s10  }
0x13: {  	s13 =	sadd.s32 $0x400, s11;
	s17 =	smov.u32 s11;
	p2 =	sgt.s32 s15, $0xC7  }
0x14: {  	s17 =	smov.u32 @p2 s13  }
0x15: {  	s15 =	smov.u32 @p2 s7;
	p2 =	sgt.s32 s17, $0x3FF  }
0x16: {  	s17 =	smov.u32 @p2 s3;
	p2 =	sne.s32 s12, s8  }
.Ltmp1:
0x17: {  	p1 =	slt.u32 s12, $0x2;
	(pc) =	sbr.rel @!p2 .LBB1_6-.Ltmp1, $4  }
0x18: {  	s16 =	simm.s32 @!p1 $0x2  }
0x19: {  	s14 =	smov.u32 s11;
	p0 =	por !p0, !p0;
	_ =	swait.ge @!p1 [sflag:s16], $0x2000  }
0x1a: {  	s13 =	smov.u32 s10;
	[sflag:s16] =	ssyncset.done @!p1 $0x0;
	s10 =	smov.u32 s15  }
0x1b: {  	s12 =	sadd.s32 $0x1, s12;
	[sflag:s16] =	ssyncadd.s32 @!p1 $0xFFFFE000;
	s11 =	smov.u32 s17  }
.LBB1_1:
0x1c: {  	p1 =	sge.u32 s12, s5  }
0x1d: {  	s15 =	sand.u32 @!p1 $0x1FFFFFF, s10  }
0x1e: {  	s16 =	smulhi.u32 @!p1 $0x147AE15, s15;
	_ =	sdelay $0x1  }
0x1f: {  	s16 =	smul.u32 @!p1 $0xC8, s16  }
0x20: {  	s17 =	sxor.u32 @!p1 $0xFFFFFFFF, s12;
	s18 =	smul.u32 @!p1 $0xC80, s11  }
0x21: {  	s31 =	sadd.s32 $0xFFFFFFFF, s12;
	s17 =	sshll.u32 @!p1 s17, $0xD;
	s15 =	ssub.s32 @!p1 s15, s16  }
0x22: {  	s16 =	sand.u32 @!p1 $0x2000, s17;
	s17 =	sadd.s32 @!p1 s6, s18;
	s15 =	sshll.u32 @!p1 s15, $0x4  }
0x23: {  	s18 =	simm.s32 @!p1 $0x6400;
	s15 =	sadd.s32 @!p1 s15, s17;
	s17 =	simm.s32 @!p1 $0x40  }
0x24: {  	[tilespmem:s16], [sflag:$0x1] =	stream.strided.gather @!p1 [hbm4b:s15+s17], $0x2000, s18, s17, $0x38;
	[tilespmem:$0x8080] =	vst v63  }
0x25: {  	p1 =	sge.u32 s31, s5  }
.Ltmp2:
0x26: {  	_ = 	snop;
	(pc) =	sbr.rel @p1 .LBB1_5-.Ltmp2, $1  }
0x27: {  	_ =	sdelay $0x3  }
0x28: {  	s15 =	simm.s32 $0x1  }
0x29: {  	_ =	swait.ge [sflag:s4], $0x2000;
	s15 =	simm.s32 @!p0 $0x0  }
0x2a: {  	[sflag:s4] =	ssyncset.done $0x0;
	s16 =	sshll.u32 s15, $0xD  }
0x2b: {  	[sflag:s4] =	ssyncadd.s32 $0xFFFFE000;
	s19 =	sor.u32 $0x20, s16  }
0x2c: {  	s15 =	smul.u32 $0x8100, s15;
	v3 =	vld [tilespmem:s19+$0x10]  }
0x2d: {  	s30 =	sand.u32 $0x1, s12;
	v2 =	vld [tilespmem:s19+$0xFFFFFFF0]  }
0x2e: {  	s16 =	smul.u32 $0x8100, s30;
	s15 =	sshrl.u32 s15, $0x2;
	v0 =	vld [tilespmem:s19+$0x0]  }
0x2f: {  	v1 =	vld [tilespmem:s19+$0xFFFFFFE0];
	s17 =	sor.u32 $0x4000, s15  }
0x30: {  	s31 =	sshrl.u32 s16, $0x2;
	s16 =	sadd.s32 $0x0, s17  }
0x31: {  	s18 =	simm.s32 $0x4;
	s19 =	sadd.s32 $0x40, s19;
	s15 =	sor.u32 $0x4000, s31;
	[tilespmem:s16+$0x1830 ss:$0x81] =	vst.msk $0xffff, v3  }
.LBB1_3:
0x32: {  	v3 =	vld [tilespmem:s19+$0x10];
	p1 =	sne.s32 s18, $0x1FC;
	[tilespmem:s16+$0x810 ss:$0x81] =	vst.msk $0xffff, v2;
	s20 =	smov.u32 s18;
	s18 =	sadd.s32 $0x4, s18  }
.Ltmp3:
0x33: {  	v2 =	vld [tilespmem:s19+$0xFFFFFFF0];
	[tilespmem:s16+$0x1020 ss:$0x81] =	vst.msk $0xffff, v0;
	(pc) =	sbr.rel @p1 .LBB1_3-.Ltmp3, $4  }
0x34: {  	v0 =	vld [tilespmem:s19+$0x0];
	[tilespmem:s16+$0x0 ss:$0x81] =	vst.msk $0xffff, v1  }
0x35: {  	s16 =	sshra.s32 s20, $0x2;
	v1 =	vld [tilespmem:s19+$0xFFFFFFE0]  }
0x36: {  	s16 =	sadd.s32 s16, s17  }
0x37: {  	s19 =	sadd.s32 $0x40, s19;
	[tilespmem:s16+$0x1830 ss:$0x81] =	vst.msk $0xffff, v3  }
.Ltmp4:
0x38: {  	_ = 	snop;
	(pc) =	sbr.rel .LBB1_4-.Ltmp4, $1  }
0x39: {  	_ =	sdelay $0x3  }
.LBB1_6:
0x3a: {  	_ =	sfence.sel $0x180000  }
0x3b: {  	s2 =	simm.s32 $0x1;
	[bflag:$0x0] =	sbarrier.arrive $0xFFFF  }
0x3c: {  	s31 =	simm.s32 $0x2;
	[sflag:s2] =	ssyncpa.u1 $0x1  }
0x3d: {  	[sflag:s31] =	ssyncpa.u1 $0x1  }
0x3e: {  	p0 =	sne.s32 s0, $0x0;
	_ =	strace $0x9000004A  }
0x3f: {  	s0 =	sadd.s32 @!p0 $0x100000, s1;
	[bflag:$0x2] =	sbarrier.arrive $0xFFFF  }
0x40: {  	[sflag:s0] =	ssyncadd.tile.s32 @!p0 $0x1;
	_ =	shalt  }
.Lfunc_end1:
_tile_overlayer_lowered:
.L_overlay_start_2:
0x41: {  	(tag) =	ssettag $0x2  }
0x42: {  	s0 =	rddreg [dreg:$0x0];
	s2 =	stileid.u32  }
0x43: {  	s1 =	rddreg [dreg:$0x1];
	p0 =	sne.s32 s2, $0x0  }
0x44: {  	s3 =	rddreg [dreg:$0x2];
	[bflag:$0x3] =	sbarrier.arrive $0xFFFF;
	s2 =	simm.s32 @!p0 $0x1C01  }
0x45: {  	[timem:s3], [sflag:s2] =	dma.local @!p0 [hbm:s0], s1  }
0x46: {  	s0 =	simm.s32 @!p0 $0x1  }
0x47: {  	_ =	swait.ge @!p0 [sflag:s0], s1  }
0x48: {  	s1 =	ssub.s32 @!p0 $0x0, s1;
	[sflag:s0] =	ssyncset.done @!p0 $0x0  }
0x49: {  	[sflag:s0] =	ssyncadd.s32 @!p0 s1  }
0x4a: {  	[bflag:$0x3] =	sbarrier.arrive $0xFFFF  }
0x4b: {  	_ =	shalt  }

</sc_bundles>
